<compile_context>
chip_gen: v7x
topology: tpu7x:2x2x1
jax: 0.10.2.dev20260603
libtpu: 0.0.44.dev20260713+nightly
codegen_flags: <defaults>
</compile_context>

<pallas_src>
import functools

import jax
import jax.numpy as jnp
from jax import lax
from jax.experimental import pallas as pl
from jax.experimental.pallas import tpu as pltpu
from jax.experimental.pallas import tpu_sc as plsc

N = 10000
E = 320000
IN_DIM = 128
HID = 64
OUT = 16
EPS = 1e-5

NP = 10240
D1 = HID
D2 = OUT
NC = 2
NS = 16
NWORK = NC * NS
E_PAD = 327680
TPT = E_PAD // NWORK
ZCH = 128
ROWS_PER_TILE = NP // NS
ZB = ROWS_PER_TILE // ZCH
DD = 16


def _make_sc_aggregate(d, tb, nbuf, with_deg):
    mesh = plsc.VectorSubcoreMesh(core_axis_name="c", subcore_axis_name="s")
    nt = TPT // tb
    n_iter = nt // nbuf
    assert nt % nbuf == 0

    def body(*refs):
        it = iter(refs)
        p_hbm = next(it); src_hbm = next(it); dst_hbm = next(it)
        z_hbm = next(it)
        if with_deg:
            zd_hbm = next(it); ones_hbm = next(it)
        out_hbm = next(it)
        if with_deg:
            deg_hbm = next(it)
        src_v = next(it); dst_v = next(it)
        rows = [next(it) for _ in range(nbuf)]
        zbuf_v = next(it)
        if with_deg:
            ones_v = next(it); dbuf_v = next(it)
        acc_sh = next(it)
        if with_deg:
            deg_sh = next(it)
        gsem = [next(it) for _ in range(nbuf)]
        ssem = [next(it) for _ in range(nbuf)]
        if with_deg:
            dsem = [next(it) for _ in range(nbuf)]

        cid = lax.axis_index("c")
        sid = lax.axis_index("s")
        tile = cid * NS + sid

        pltpu.sync_copy(z_hbm, zbuf_v)
        if with_deg:
            pltpu.sync_copy(zd_hbm, dbuf_v)
            pltpu.sync_copy(ones_hbm, ones_v)
        for j in range(ZB):
            r0 = sid * ROWS_PER_TILE + j * ZCH
            pltpu.sync_copy(zbuf_v, acc_sh.at[pl.ds(r0, ZCH)])
            if with_deg:
                pltpu.sync_copy(dbuf_v, deg_sh.at[pl.ds(r0, ZCH)])
        plsc.subcore_barrier()

        base = tile * TPT
        pltpu.sync_copy(src_hbm.at[pl.ds(base, TPT)], src_v)
        pltpu.sync_copy(dst_hbm.at[pl.ds(base, TPT)], dst_v)

        def sidx(g):
            return src_v.at[pl.ds(g * tb, tb)]

        def didx(g):
            return dst_v.at[pl.ds(g * tb, tb)]

        for k in range(nbuf):
            pltpu.async_copy(p_hbm.at[sidx(k)], rows[k], gsem[k])

        def step(i, carry):
            for k in range(nbuf):
                g = nbuf * i + k
                pltpu.make_async_copy(p_hbm.at[sidx(g)], rows[k],
                                      gsem[k]).wait()
                pltpu.async_copy(rows[k], acc_sh.at[didx(g)], ssem[k],
                                 add=True)
                if with_deg:
                    pltpu.async_copy(ones_v, deg_sh.at[didx(g)], dsem[k],
                                     add=True)

                @pl.when(i < n_iter - 1)
                def _():
                    pltpu.make_async_copy(rows[k], acc_sh.at[didx(g)],
                                          ssem[k]).wait()
                    if with_deg:
                        pltpu.make_async_copy(ones_v, deg_sh.at[didx(g)],
                                              dsem[k]).wait()
                    pltpu.async_copy(p_hbm.at[sidx(g + nbuf)], rows[k],
                                     gsem[k])

            return carry

        lax.fori_loop(0, n_iter, step, 0)
        for k in range(nbuf):
            g = nt - nbuf + k
            pltpu.make_async_copy(rows[k], acc_sh.at[didx(g)],
                                  ssem[k]).wait()
            if with_deg:
                pltpu.make_async_copy(ones_v, deg_sh.at[didx(g)],
                                      dsem[k]).wait()
        plsc.subcore_barrier()

        for j in range(ZB):
            r0 = sid * ROWS_PER_TILE + j * ZCH
            pltpu.sync_copy(acc_sh.at[pl.ds(r0, ZCH)], zbuf_v)
            pltpu.sync_copy(zbuf_v, out_hbm.at[cid, pl.ds(r0, ZCH)])
            if with_deg:
                pltpu.sync_copy(deg_sh.at[pl.ds(r0, ZCH)], dbuf_v)
                pltpu.sync_copy(dbuf_v, deg_hbm.at[cid, pl.ds(r0, ZCH)])

    out_type = [jax.ShapeDtypeStruct((NC, NP, d), jnp.float32)]
    if with_deg:
        out_type.append(jax.ShapeDtypeStruct((NC, NP, DD), jnp.float32))
    scratch = [
        pltpu.VMEM((TPT,), jnp.int32),
        pltpu.VMEM((TPT,), jnp.int32),
    ]
    scratch += [pltpu.VMEM((tb, d), jnp.float32) for _ in range(nbuf)]
    scratch.append(pltpu.VMEM((ZCH, d), jnp.float32))
    if with_deg:
        scratch.append(pltpu.VMEM((tb, DD), jnp.float32))
        scratch.append(pltpu.VMEM((ZCH, DD), jnp.float32))
    scratch.append(pltpu.VMEM_SHARED((NP, d), jnp.float32))
    if with_deg:
        scratch.append(pltpu.VMEM_SHARED((NP, DD), jnp.float32))
    n_sems = nbuf * (3 if with_deg else 2)
    scratch += [pltpu.SemaphoreType.DMA for _ in range(n_sems)]

    return functools.partial(
        pl.kernel,
        out_type=out_type,
        mesh=mesh,
        scratch_types=scratch,
        compiler_params=pltpu.CompilerParams(use_tc_tiling_on_sc=False),
    )(body)


_sc_agg1 = _make_sc_aggregate(D1, 128, 5, True)
_sc_agg2 = _make_sc_aggregate(D2, 128, 8, False)

_DN = (((1,), (1,)), ((), ()))


NG = E // 128
NGP = E_PAD // 128


def _tc_pre(x_ref, wl_ref, wr_ref, ei_ref, p1_ref, r1_ref, src_ref, dst_ref):
    x = x_ref[...]
    xw = lax.dot_general(x, wl_ref[...], _DN, preferred_element_type=jnp.float32)
    xr = lax.dot_general(x, wr_ref[...], _DN, preferred_element_type=jnp.float32)
    pad0 = jnp.zeros((NP - N, HID), jnp.float32)
    r1_ref[...] = jnp.concatenate([xr, pad0], axis=0)
    p1_ref[...] = jnp.concatenate([xw, pad0], axis=0)
    i2 = (lax.broadcasted_iota(jnp.int32, (NGP - NG, 128), 0) * 128
          + lax.broadcasted_iota(jnp.int32, (NGP - NG, 128), 1))
    fill = N + lax.rem(i2, jnp.int32(NP - N))
    src_ref[...] = jnp.concatenate(
        [ei_ref[0].reshape(NG, 128), fill], axis=0).reshape(E_PAD)
    dst_ref[...] = jnp.concatenate(
        [ei_ref[1].reshape(NG, 128), fill], axis=0).reshape(E_PAD)


def _tc_mid(part_ref, degp_ref, r1_ref, bl1_ref, gamma_ref, beta_ref,
            wl2_ref, wr2_ref, p2_ref, r2_ref, invdeg_ref):
    acc = part_ref[0] + part_ref[1]
    deg = degp_ref[0, :, 0:1] + degp_ref[1, :, 0:1]
    invdeg = 1.0 / jnp.maximum(deg, 1.0)
    invdeg_ref[...] = invdeg
    h = acc * invdeg + bl1_ref[...] + r1_ref[...]
    rows = lax.broadcasted_iota(jnp.int32, (NP, 1), 0)
    mask = rows < N
    hm = jnp.where(mask, h, 0.0)
    mean = jnp.sum(hm, axis=0, keepdims=True) * (1.0 / N)
    cm = jnp.where(mask, h - mean, 0.0)
    var = jnp.sum(cm * cm, axis=0, keepdims=True) * (1.0 / N)
    hn = (h - mean) * lax.rsqrt(var + EPS) * gamma_ref[...] + beta_ref[...]
    hr = jnp.maximum(hn, 0.0)
    p2_ref[...] = lax.dot_general(hr, wl2_ref[...], _DN,
                                  preferred_element_type=jnp.float32)
    r2_ref[...] = lax.dot_general(hr, wr2_ref[...], _DN,
                                  preferred_element_type=jnp.float32)


def _tc_post(part2_ref, r2_ref, invdeg_ref, bl2_ref, out_ref):
    acc = part2_ref[0] + part2_ref[1]
    val = acc * invdeg_ref[...] + bl2_ref[...] + r2_ref[...]
    out_ref[...] = val[:N]


def kernel(x, edge_index, Wl1, bl1, Wr1, gamma, beta, Wl2, bl2, Wr2):
    ei = edge_index.astype(jnp.int32)
    z1 = jnp.zeros((ZCH, D1), jnp.float32)
    z2 = jnp.zeros((ZCH, D2), jnp.float32)
    zd = jnp.zeros((ZCH, DD), jnp.float32)
    onesb = jnp.zeros((128, DD), jnp.float32).at[:, 0].set(1.0)
    bl1r = bl1.reshape(1, HID)
    gammar = gamma.reshape(1, HID)
    betar = beta.reshape(1, HID)
    bl2r = bl2.reshape(1, OUT)

    p1ext, r1, src2d, dst2d = pl.pallas_call(
        _tc_pre,
        out_shape=[jax.ShapeDtypeStruct((NP, D1), jnp.float32),
                   jax.ShapeDtypeStruct((NP, HID), jnp.float32),
                   jax.ShapeDtypeStruct((E_PAD,), jnp.int32),
                   jax.ShapeDtypeStruct((E_PAD,), jnp.int32)],
    )(x, Wl1, Wr1, ei)

    part1, degp = _sc_agg1(p1ext, src2d, dst2d, z1, zd, onesb)

    p2, r2, invdeg = pl.pallas_call(
        _tc_mid,
        out_shape=[jax.ShapeDtypeStruct((NP, D2), jnp.float32),
                   jax.ShapeDtypeStruct((NP, D2), jnp.float32),
                   jax.ShapeDtypeStruct((NP, 1), jnp.float32)],
    )(part1, degp, r1, bl1r, gammar, betar, Wl2, Wr2)

    (part2,) = _sc_agg2(p2, src2d, dst2d, z2)

    out = pl.pallas_call(
        _tc_post,
        out_shape=jax.ShapeDtypeStruct((N, D2), jnp.float32),
    )(part2, r2, invdeg, bl2r)
    return out

# --- scband reference (transcript-rebuilt; emitter-appended) ---
"""Pipeline reference for scband-gnnencoder-3092376453137 (READ-ONLY COPY).

The authoritative reference and input builder live on the scoring server;
editing this copy changes nothing except your own understanding.
"""

import jax, jax.numpy as jnp
import numpy as np

N_NODES = 10000
N_EDGES = 320000
IN_DIM = 128
HID = 64
OUT = 16
EPS = 1e-5

def setup_inputs(seed: int = 0) -> dict:
    key = jax.random.key(seed)
    ks = jax.random.split(key, 12)
    x = jax.random.normal(ks[0], (N_NODES, IN_DIM), dtype=jnp.float32)
    edge_index = jax.random.randint(ks[1], (2, N_EDGES), 0, N_NODES, dtype=jnp.int64)
    # SAGEConv1 params (PyG-style: lin_l on aggregated neighbors with bias, lin_r on root without bias)
    Wl1 = jax.random.normal(ks[2], (HID, IN_DIM), dtype=jnp.float32) * (1.0 / np.sqrt(IN_DIM))
    bl1 = jnp.zeros((HID,), dtype=jnp.float32)
    Wr1 = jax.random.normal(ks[3], (HID, IN_DIM), dtype=jnp.float32) * (1.0 / np.sqrt(IN_DIM))
    # BatchNorm1d affine params
    gamma = jnp.ones((HID,), dtype=jnp.float32)
    beta = jnp.zeros((HID,), dtype=jnp.float32)
    # SAGEConv2 params
    Wl2 = jax.random.normal(ks[4], (OUT, HID), dtype=jnp.float32) * (1.0 / np.sqrt(HID))
    bl2 = jnp.zeros((OUT,), dtype=jnp.float32)
    Wr2 = jax.random.normal(ks[5], (OUT, HID), dtype=jnp.float32) * (1.0 / np.sqrt(HID))
    return {"x": x, "edge_index": edge_index, "Wl1": Wl1, "bl1": bl1, "Wr1": Wr1,
            "gamma": gamma, "beta": beta, "Wl2": Wl2, "bl2": bl2, "Wr2": Wr2}


def _sage_conv(x, src, dst, Wl, bl, Wr, n_nodes):
    # mean aggregation of source features onto destination nodes
    msg = jnp.take(x, src, axis=0)                       # gather  [E, d]
    agg_sum = jax.ops.segment_sum(msg, dst, num_segments=n_nodes)   # scatter-add
    deg = jax.ops.segment_sum(jnp.ones((src.shape[0],), dtype=x.dtype), dst, num_segments=n_nodes)
    agg = agg_sum / jnp.clip(deg, 1.0, None)[:, None]
    return agg @ Wl.T + bl + x @ Wr.T


def reference(x, edge_index, Wl1, bl1, Wr1, gamma, beta, Wl2, bl2, Wr2):
    src = edge_index[0]
    dst = edge_index[1]
    n = x.shape[0]
    h = _sage_conv(x, src, dst, Wl1, bl1, Wr1, n)
    # BatchNorm1d (training-mode batch statistics, biased variance)
    mean = jnp.mean(h, axis=0)
    var = jnp.mean((h - mean) ** 2, axis=0)
    h = (h - mean) / jnp.sqrt(var + EPS) * gamma + beta
    h = jax.nn.relu(h)
    h = _sage_conv(h, src, dst, Wl2, bl2, Wr2, n)
    return h

if __name__ == "__main__":
    import jax
    _d = setup_inputs()
    print(jax.jit(kernel)(*tuple(_d.values())))

</pallas_src>

<mosaic_0001>
#map = affine_map<(d0, d1) -> (0, 0)>
#map1 = affine_map<(d0, d1) -> (0)>
#map2 = affine_map<(d0, d1) -> (0, 0, 0)>
module attributes {stable_mosaic.version = 14 : i64} {
  func.func @body(%arg0: i32, %arg1: i32, %arg2: memref<10240x64xf32, #tpu.memory_space<hbm>>, %arg3: memref<327680xi32, #tpu.memory_space<hbm>>, %arg4: memref<327680xi32, #tpu.memory_space<hbm>>, %arg5: memref<128x64xf32, #tpu.memory_space<hbm>>, %arg6: memref<128x16xf32, #tpu.memory_space<hbm>>, %arg7: memref<128x16xf32, #tpu.memory_space<hbm>>, %arg8: memref<2x10240x64xf32, #tpu.memory_space<hbm>>, %arg9: memref<2x10240x16xf32, #tpu.memory_space<hbm>>, %arg10: memref<10240xi32, #tpu.memory_space<vmem>>, %arg11: memref<10240xi32, #tpu.memory_space<vmem>>, %arg12: memref<128x64xf32, #tpu.memory_space<vmem>>, %arg13: memref<128x64xf32, #tpu.memory_space<vmem>>, %arg14: memref<128x64xf32, #tpu.memory_space<vmem>>, %arg15: memref<128x64xf32, #tpu.memory_space<vmem>>, %arg16: memref<128x64xf32, #tpu.memory_space<vmem>>, %arg17: memref<128x64xf32, #tpu.memory_space<vmem>>, %arg18: memref<128x16xf32, #tpu.memory_space<vmem>>, %arg19: memref<128x16xf32, #tpu.memory_space<vmem>>, %arg20: memref<10240x64xf32, #tpu.memory_space<vmem_shared>>, %arg21: memref<10240x16xf32, #tpu.memory_space<vmem_shared>>, %arg22: memref<!tpu.dma_semaphore, #tpu.memory_space<semaphore_mem>>, %arg23: memref<!tpu.dma_semaphore, #tpu.memory_space<semaphore_mem>>, %arg24: memref<!tpu.dma_semaphore, #tpu.memory_space<semaphore_mem>>, %arg25: memref<!tpu.dma_semaphore, #tpu.memory_space<semaphore_mem>>, %arg26: memref<!tpu.dma_semaphore, #tpu.memory_space<semaphore_mem>>, %arg27: memref<!tpu.dma_semaphore, #tpu.memory_space<semaphore_mem>>, %arg28: memref<!tpu.dma_semaphore, #tpu.memory_space<semaphore_mem>>, %arg29: memref<!tpu.dma_semaphore, #tpu.memory_space<semaphore_mem>>, %arg30: memref<!tpu.dma_semaphore, #tpu.memory_space<semaphore_mem>>, %arg31: memref<!tpu.dma_semaphore, #tpu.memory_space<semaphore_mem>>, %arg32: memref<!tpu.dma_semaphore, #tpu.memory_space<semaphore_mem>>, %arg33: memref<!tpu.dma_semaphore, #tpu.memory_space<semaphore_mem>>, %arg34: memref<!tpu.dma_semaphore, #tpu.memory_space<semaphore_mem>>, %arg35: memref<!tpu.dma_semaphore, #tpu.memory_space<semaphore_mem>>, %arg36: memref<!tpu.dma_semaphore, #tpu.memory_space<semaphore_mem>>) attributes {dimension_semantics = [#tpu.dimension_semantics<core_parallel>, #tpu.dimension_semantics<subcore_parallel>], iteration_bounds = array<i64: 2, 16>, scalar_prefetch = 0 : i64, scratch_operands = 27 : i64, tpu.core_type = #tpu.core_type<sc_vector_subcore>, window_params = [{transform_indices = #map}, {transform_indices = #map1}, {transform_indices = #map1}, {transform_indices = #map}, {transform_indices = #map}, {transform_indices = #map}, {transform_indices = #map2}, {transform_indices = #map2}]} {
    %mul3A = arith.constant 16 : i32
    %mul3A_0 = arith.muli %arg0, %mul3A : i32
    %add3A = arith.addi %mul3A_0, %arg1 : i32
    "tpu.region"() ({
      %run_scoped3A = tpu.sem_alloc : memref<!tpu.dma_semaphore, #tpu.memory_space<semaphore_mem>>
      tpu.enqueue_dma source(%arg5 : memref<128x64xf32, #tpu.memory_space<hbm>>) target(%arg17 : memref<128x64xf32, #tpu.memory_space<vmem>>) target_semaphore(%run_scoped3A : memref<!tpu.dma_semaphore, #tpu.memory_space<semaphore_mem>>)
      tpu.wait_dma2 semaphore(%run_scoped3A : memref<!tpu.dma_semaphore, #tpu.memory_space<semaphore_mem>>) src(%arg5 : memref<128x64xf32, #tpu.memory_space<hbm>>) dst(%arg17 : memref<128x64xf32, #tpu.memory_space<vmem>>)
      tpu.yield
    }) : () -> ()
    "tpu.region"() ({
      %run_scoped3A = tpu.sem_alloc : memref<!tpu.dma_semaphore, #tpu.memory_space<semaphore_mem>>
      tpu.enqueue_dma source(%arg6 : memref<128x16xf32, #tpu.memory_space<hbm>>) target(%arg19 : memref<128x16xf32, #tpu.memory_space<vmem>>) target_semaphore(%run_scoped3A : memref<!tpu.dma_semaphore, #tpu.memory_space<semaphore_mem>>)
      tpu.wait_dma2 semaphore(%run_scoped3A : memref<!tpu.dma_semaphore, #tpu.memory_space<semaphore_mem>>) src(%arg6 : memref<128x16xf32, #tpu.memory_space<hbm>>) dst(%arg19 : memref<128x16xf32, #tpu.memory_space<vmem>>)
      tpu.yield
    }) : () -> ()
    "tpu.region"() ({
      %run_scoped3A = tpu.sem_alloc : memref<!tpu.dma_semaphore, #tpu.memory_space<semaphore_mem>>
      tpu.enqueue_dma source(%arg7 : memref<128x16xf32, #tpu.memory_space<hbm>>) target(%arg18 : memref<128x16xf32, #tpu.memory_space<vmem>>) target_semaphore(%run_scoped3A : memref<!tpu.dma_semaphore, #tpu.memory_space<semaphore_mem>>)
      tpu.wait_dma2 semaphore(%run_scoped3A : memref<!tpu.dma_semaphore, #tpu.memory_space<semaphore_mem>>) src(%arg7 : memref<128x16xf32, #tpu.memory_space<hbm>>) dst(%arg18 : memref<128x16xf32, #tpu.memory_space<vmem>>)
      tpu.yield
    }) : () -> ()
    %mul3A_1 = arith.constant 640 : i32
    %mul3A_2 = arith.muli %arg1, %mul3A_1 : i32
    %add3A_3 = arith.constant 0 : i32
    %add3A_4 = arith.addi %mul3A_2, %add3A_3 : i32
    "tpu.region"() ({
      %run_scoped3A = tpu.sem_alloc : memref<!tpu.dma_semaphore, #tpu.memory_space<semaphore_mem>>
      %dma_start3A_122 = arith.constant 0 : i32
      %dma_start3A_123 = tpu.memref_slice %arg20[%add3A_4, %dma_start3A_122] : memref<10240x64xf32, #tpu.memory_space<vmem_shared>> -> memref<128x64xf32, #tpu.memory_space<vmem_shared>>
      %dma_start3A_124 = arith.constant 0 : i32
      %dma_start3A_125 = tpu.memref_slice %arg20[%add3A_4, %dma_start3A_124] : memref<10240x64xf32, #tpu.memory_space<vmem_shared>> -> memref<128x64xf32, #tpu.memory_space<vmem_shared>>
      tpu.enqueue_dma source(%arg17 : memref<128x64xf32, #tpu.memory_space<vmem>>) target(%dma_start3A_125 : memref<128x64xf32, #tpu.memory_space<vmem_shared>>) target_semaphore(%run_scoped3A : memref<!tpu.dma_semaphore, #tpu.memory_space<semaphore_mem>>)
      %dma_wait3A_126 = arith.constant 0 : i32
      %dma_wait3A_127 = tpu.memref_slice %arg20[%add3A_4, %dma_wait3A_126] : memref<10240x64xf32, #tpu.memory_space<vmem_shared>> -> memref<128x64xf32, #tpu.memory_space<vmem_shared>>
      %dma_wait3A_128 = arith.constant 0 : i32
      %dma_wait3A_129 = tpu.memref_slice %arg20[%add3A_4, %dma_wait3A_128] : memref<10240x64xf32, #tpu.memory_space<vmem_shared>> -> memref<128x64xf32, #tpu.memory_space<vmem_shared>>
      tpu.wait_dma2 semaphore(%run_scoped3A : memref<!tpu.dma_semaphore, #tpu.memory_space<semaphore_mem>>) src(%arg17 : memref<128x64xf32, #tpu.memory_space<vmem>>) dst(%dma_wait3A_129 : memref<128x64xf32, #tpu.memory_space<vmem_shared>>)
      tpu.yield
    }) : () -> ()
    "tpu.region"() ({
      %run_scoped3A = tpu.sem_alloc : memref<!tpu.dma_semaphore, #tpu.memory_space<semaphore_mem>>
      %dma_start3A_122 = arith.constant 0 : i32
      %dma_start3A_123 = tpu.memref_slice %arg21[%add3A_4, %dma_start3A_122] : memref<10240x16xf32, #tpu.memory_space<vmem_shared>> -> memref<128x16xf32, #tpu.memory_space<vmem_shared>>
      %dma_start3A_124 = arith.constant 0 : i32
      %dma_start3A_125 = tpu.memref_slice %arg21[%add3A_4, %dma_start3A_124] : memref<10240x16xf32, #tpu.memory_space<vmem_shared>> -> memref<128x16xf32, #tpu.memory_space<vmem_shared>>
      tpu.enqueue_dma source(%arg19 : memref<128x16xf32, #tpu.memory_space<vmem>>) target(%dma_start3A_125 : memref<128x16xf32, #tpu.memory_space<vmem_shared>>) target_semaphore(%run_scoped3A : memref<!tpu.dma_semaphore, #tpu.memory_space<semaphore_mem>>)
      %dma_wait3A_126 = arith.constant 0 : i32
      %dma_wait3A_127 = tpu.memref_slice %arg21[%add3A_4, %dma_wait3A_126] : memref<10240x16xf32, #tpu.memory_space<vmem_shared>> -> memref<128x16xf32, #tpu.memory_space<vmem_shared>>
      %dma_wait3A_128 = arith.constant 0 : i32
      %dma_wait3A_129 = tpu.memref_slice %arg21[%add3A_4, %dma_wait3A_128] : memref<10240x16xf32, #tpu.memory_space<vmem_shared>> -> memref<128x16xf32, #tpu.memory_space<vmem_shared>>
      tpu.wait_dma2 semaphore(%run_scoped3A : memref<!tpu.dma_semaphore, #tpu.memory_space<semaphore_mem>>) src(%arg19 : memref<128x16xf32, #tpu.memory_space<vmem>>) dst(%dma_wait3A_129 : memref<128x16xf32, #tpu.memory_space<vmem_shared>>)
      tpu.yield
    }) : () -> ()
    %mul3A_5 = arith.constant 640 : i32
    %mul3A_6 = arith.muli %arg1, %mul3A_5 : i32
    %add3A_7 = arith.constant 128 : i32
    %add3A_8 = arith.addi %mul3A_6, %add3A_7 : i32
    "tpu.region"() ({
      %run_scoped3A = tpu.sem_alloc : memref<!tpu.dma_semaphore, #tpu.memory_space<semaphore_mem>>
      %dma_start3A_122 = arith.constant 0 : i32
      %dma_start3A_123 = tpu.memref_slice %arg20[%add3A_8, %dma_start3A_122] : memref<10240x64xf32, #tpu.memory_space<vmem_shared>> -> memref<128x64xf32, #tpu.memory_space<vmem_shared>>
      %dma_start3A_124 = arith.constant 0 : i32
      %dma_start3A_125 = tpu.memref_slice %arg20[%add3A_8, %dma_start3A_124] : memref<10240x64xf32, #tpu.memory_space<vmem_shared>> -> memref<128x64xf32, #tpu.memory_space<vmem_shared>>
      tpu.enqueue_dma source(%arg17 : memref<128x64xf32, #tpu.memory_space<vmem>>) target(%dma_start3A_125 : memref<128x64xf32, #tpu.memory_space<vmem_shared>>) target_semaphore(%run_scoped3A : memref<!tpu.dma_semaphore, #tpu.memory_space<semaphore_mem>>)
      %dma_wait3A_126 = arith.constant 0 : i32
      %dma_wait3A_127 = tpu.memref_slice %arg20[%add3A_8, %dma_wait3A_126] : memref<10240x64xf32, #tpu.memory_space<vmem_shared>> -> memref<128x64xf32, #tpu.memory_space<vmem_shared>>
      %dma_wait3A_128 = arith.constant 0 : i32
      %dma_wait3A_129 = tpu.memref_slice %arg20[%add3A_8, %dma_wait3A_128] : memref<10240x64xf32, #tpu.memory_space<vmem_shared>> -> memref<128x64xf32, #tpu.memory_space<vmem_shared>>
      tpu.wait_dma2 semaphore(%run_scoped3A : memref<!tpu.dma_semaphore, #tpu.memory_space<semaphore_mem>>) src(%arg17 : memref<128x64xf32, #tpu.memory_space<vmem>>) dst(%dma_wait3A_129 : memref<128x64xf32, #tpu.memory_space<vmem_shared>>)
      tpu.yield
    }) : () -> ()
    "tpu.region"() ({
      %run_scoped3A = tpu.sem_alloc : memref<!tpu.dma_semaphore, #tpu.memory_space<semaphore_mem>>
      %dma_start3A_122 = arith.constant 0 : i32
      %dma_start3A_123 = tpu.memref_slice %arg21[%add3A_8, %dma_start3A_122] : memref<10240x16xf32, #tpu.memory_space<vmem_shared>> -> memref<128x16xf32, #tpu.memory_space<vmem_shared>>
      %dma_start3A_124 = arith.constant 0 : i32
      %dma_start3A_125 = tpu.memref_slice %arg21[%add3A_8, %dma_start3A_124] : memref<10240x16xf32, #tpu.memory_space<vmem_shared>> -> memref<128x16xf32, #tpu.memory_space<vmem_shared>>
      tpu.enqueue_dma source(%arg19 : memref<128x16xf32, #tpu.memory_space<vmem>>) target(%dma_start3A_125 : memref<128x16xf32, #tpu.memory_space<vmem_shared>>) target_semaphore(%run_scoped3A : memref<!tpu.dma_semaphore, #tpu.memory_space<semaphore_mem>>)
      %dma_wait3A_126 = arith.constant 0 : i32
      %dma_wait3A_127 = tpu.memref_slice %arg21[%add3A_8, %dma_wait3A_126] : memref<10240x16xf32, #tpu.memory_space<vmem_shared>> -> memref<128x16xf32, #tpu.memory_space<vmem_shared>>
      %dma_wait3A_128 = arith.constant 0 : i32
      %dma_wait3A_129 = tpu.memref_slice %arg21[%add3A_8, %dma_wait3A_128] : memref<10240x16xf32, #tpu.memory_space<vmem_shared>> -> memref<128x16xf32, #tpu.memory_space<vmem_shared>>
      tpu.wait_dma2 semaphore(%run_scoped3A : memref<!tpu.dma_semaphore, #tpu.memory_space<semaphore_mem>>) src(%arg19 : memref<128x16xf32, #tpu.memory_space<vmem>>) dst(%dma_wait3A_129 : memref<128x16xf32, #tpu.memory_space<vmem_shared>>)
      tpu.yield
    }) : () -> ()
    %mul3A_9 = arith.constant 640 : i32
    %mul3A_10 = arith.muli %arg1, %mul3A_9 : i32
    %add3A_11 = arith.constant 256 : i32
    %add3A_12 = arith.addi %mul3A_10, %add3A_11 : i32
    "tpu.region"() ({
      %run_scoped3A = tpu.sem_alloc : memref<!tpu.dma_semaphore, #tpu.memory_space<semaphore_mem>>
      %dma_start3A_122 = arith.constant 0 : i32
      %dma_start3A_123 = tpu.memref_slice %arg20[%add3A_12, %dma_start3A_122] : memref<10240x64xf32, #tpu.memory_space<vmem_shared>> -> memref<128x64xf32, #tpu.memory_space<vmem_shared>>
      %dma_start3A_124 = arith.constant 0 : i32
      %dma_start3A_125 = tpu.memref_slice %arg20[%add3A_12, %dma_start3A_124] : memref<10240x64xf32, #tpu.memory_space<vmem_shared>> -> memref<128x64xf32, #tpu.memory_space<vmem_shared>>
      tpu.enqueue_dma source(%arg17 : memref<128x64xf32, #tpu.memory_space<vmem>>) target(%dma_start3A_125 : memref<128x64xf32, #tpu.memory_space<vmem_shared>>) target_semaphore(%run_scoped3A : memref<!tpu.dma_semaphore, #tpu.memory_space<semaphore_mem>>)
      %dma_wait3A_126 = arith.constant 0 : i32
      %dma_wait3A_127 = tpu.memref_slice %arg20[%add3A_12, %dma_wait3A_126] : memref<10240x64xf32, #tpu.memory_space<vmem_shared>> -> memref<128x64xf32, #tpu.memory_space<vmem_shared>>
      %dma_wait3A_128 = arith.constant 0 : i32
      %dma_wait3A_129 = tpu.memref_slice %arg20[%add3A_12, %dma_wait3A_128] : memref<10240x64xf32, #tpu.memory_space<vmem_shared>> -> memref<128x64xf32, #tpu.memory_space<vmem_shared>>
      tpu.wait_dma2 semaphore(%run_scoped3A : memref<!tpu.dma_semaphore, #tpu.memory_space<semaphore_mem>>) src(%arg17 : memref<128x64xf32, #tpu.memory_space<vmem>>) dst(%dma_wait3A_129 : memref<128x64xf32, #tpu.memory_space<vmem_shared>>)
      tpu.yield
    }) : () -> ()
    "tpu.region"() ({
      %run_scoped3A = tpu.sem_alloc : memref<!tpu.dma_semaphore, #tpu.memory_space<semaphore_mem>>
      %dma_start3A_122 = arith.constant 0 : i32
      %dma_start3A_123 = tpu.memref_slice %arg21[%add3A_12, %dma_start3A_122] : memref<10240x16xf32, #tpu.memory_space<vmem_shared>> -> memref<128x16xf32, #tpu.memory_space<vmem_shared>>
      %dma_start3A_124 = arith.constant 0 : i32
      %dma_start3A_125 = tpu.memref_slice %arg21[%add3A_12, %dma_start3A_124] : memref<10240x16xf32, #tpu.memory_space<vmem_shared>> -> memref<128x16xf32, #tpu.memory_space<vmem_shared>>
      tpu.enqueue_dma source(%arg19 : memref<128x16xf32, #tpu.memory_space<vmem>>) target(%dma_start3A_125 : memref<128x16xf32, #tpu.memory_space<vmem_shared>>) target_semaphore(%run_scoped3A : memref<!tpu.dma_semaphore, #tpu.memory_space<semaphore_mem>>)
      %dma_wait3A_126 = arith.constant 0 : i32
      %dma_wait3A_127 = tpu.memref_slice %arg21[%add3A_12, %dma_wait3A_126] : memref<10240x16xf32, #tpu.memory_space<vmem_shared>> -> memref<128x16xf32, #tpu.memory_space<vmem_shared>>
      %dma_wait3A_128 = arith.constant 0 : i32
      %dma_wait3A_129 = tpu.memref_slice %arg21[%add3A_12, %dma_wait3A_128] : memref<10240x16xf32, #tpu.memory_space<vmem_shared>> -> memref<128x16xf32, #tpu.memory_space<vmem_shared>>
      tpu.wait_dma2 semaphore(%run_scoped3A : memref<!tpu.dma_semaphore, #tpu.memory_space<semaphore_mem>>) src(%arg19 : memref<128x16xf32, #tpu.memory_space<vmem>>) dst(%dma_wait3A_129 : memref<128x16xf32, #tpu.memory_space<vmem_shared>>)
      tpu.yield
    }) : () -> ()
    %mul3A_13 = arith.constant 640 : i32
    %mul3A_14 = arith.muli %arg1, %mul3A_13 : i32
    %add3A_15 = arith.constant 384 : i32
    %add3A_16 = arith.addi %mul3A_14, %add3A_15 : i32
    "tpu.region"() ({
      %run_scoped3A = tpu.sem_alloc : memref<!tpu.dma_semaphore, #tpu.memory_space<semaphore_mem>>
      %dma_start3A_122 = arith.constant 0 : i32
      %dma_start3A_123 = tpu.memref_slice %arg20[%add3A_16, %dma_start3A_122] : memref<10240x64xf32, #tpu.memory_space<vmem_shared>> -> memref<128x64xf32, #tpu.memory_space<vmem_shared>>
      %dma_start3A_124 = arith.constant 0 : i32
      %dma_start3A_125 = tpu.memref_slice %arg20[%add3A_16, %dma_start3A_124] : memref<10240x64xf32, #tpu.memory_space<vmem_shared>> -> memref<128x64xf32, #tpu.memory_space<vmem_shared>>
      tpu.enqueue_dma source(%arg17 : memref<128x64xf32, #tpu.memory_space<vmem>>) target(%dma_start3A_125 : memref<128x64xf32, #tpu.memory_space<vmem_shared>>) target_semaphore(%run_scoped3A : memref<!tpu.dma_semaphore, #tpu.memory_space<semaphore_mem>>)
      %dma_wait3A_126 = arith.constant 0 : i32
      %dma_wait3A_127 = tpu.memref_slice %arg20[%add3A_16, %dma_wait3A_126] : memref<10240x64xf32, #tpu.memory_space<vmem_shared>> -> memref<128x64xf32, #tpu.memory_space<vmem_shared>>
      %dma_wait3A_128 = arith.constant 0 : i32
      %dma_wait3A_129 = tpu.memref_slice %arg20[%add3A_16, %dma_wait3A_128] : memref<10240x64xf32, #tpu.memory_space<vmem_shared>> -> memref<128x64xf32, #tpu.memory_space<vmem_shared>>
      tpu.wait_dma2 semaphore(%run_scoped3A : memref<!tpu.dma_semaphore, #tpu.memory_space<semaphore_mem>>) src(%arg17 : memref<128x64xf32, #tpu.memory_space<vmem>>) dst(%dma_wait3A_129 : memref<128x64xf32, #tpu.memory_space<vmem_shared>>)
      tpu.yield
    }) : () -> ()
    "tpu.region"() ({
      %run_scoped3A = tpu.sem_alloc : memref<!tpu.dma_semaphore, #tpu.memory_space<semaphore_mem>>
      %dma_start3A_122 = arith.constant 0 : i32
      %dma_start3A_123 = tpu.memref_slice %arg21[%add3A_16, %dma_start3A_122] : memref<10240x16xf32, #tpu.memory_space<vmem_shared>> -> memref<128x16xf32, #tpu.memory_space<vmem_shared>>
      %dma_start3A_124 = arith.constant 0 : i32
      %dma_start3A_125 = tpu.memref_slice %arg21[%add3A_16, %dma_start3A_124] : memref<10240x16xf32, #tpu.memory_space<vmem_shared>> -> memref<128x16xf32, #tpu.memory_space<vmem_shared>>
      tpu.enqueue_dma source(%arg19 : memref<128x16xf32, #tpu.memory_space<vmem>>) target(%dma_start3A_125 : memref<128x16xf32, #tpu.memory_space<vmem_shared>>) target_semaphore(%run_scoped3A : memref<!tpu.dma_semaphore, #tpu.memory_space<semaphore_mem>>)
      %dma_wait3A_126 = arith.constant 0 : i32
      %dma_wait3A_127 = tpu.memref_slice %arg21[%add3A_16, %dma_wait3A_126] : memref<10240x16xf32, #tpu.memory_space<vmem_shared>> -> memref<128x16xf32, #tpu.memory_space<vmem_shared>>
      %dma_wait3A_128 = arith.constant 0 : i32
      %dma_wait3A_129 = tpu.memref_slice %arg21[%add3A_16, %dma_wait3A_128] : memref<10240x16xf32, #tpu.memory_space<vmem_shared>> -> memref<128x16xf32, #tpu.memory_space<vmem_shared>>
      tpu.wait_dma2 semaphore(%run_scoped3A : memref<!tpu.dma_semaphore, #tpu.memory_space<semaphore_mem>>) src(%arg19 : memref<128x16xf32, #tpu.memory_space<vmem>>) dst(%dma_wait3A_129 : memref<128x16xf32, #tpu.memory_space<vmem_shared>>)
      tpu.yield
    }) : () -> ()
    %mul3A_17 = arith.constant 640 : i32
    %mul3A_18 = arith.muli %arg1, %mul3A_17 : i32
    %add3A_19 = arith.constant 512 : i32
    %add3A_20 = arith.addi %mul3A_18, %add3A_19 : i32
    "tpu.region"() ({
      %run_scoped3A = tpu.sem_alloc : memref<!tpu.dma_semaphore, #tpu.memory_space<semaphore_mem>>
      %dma_start3A_122 = arith.constant 0 : i32
      %dma_start3A_123 = tpu.memref_slice %arg20[%add3A_20, %dma_start3A_122] : memref<10240x64xf32, #tpu.memory_space<vmem_shared>> -> memref<128x64xf32, #tpu.memory_space<vmem_shared>>
      %dma_start3A_124 = arith.constant 0 : i32
      %dma_start3A_125 = tpu.memref_slice %arg20[%add3A_20, %dma_start3A_124] : memref<10240x64xf32, #tpu.memory_space<vmem_shared>> -> memref<128x64xf32, #tpu.memory_space<vmem_shared>>
      tpu.enqueue_dma source(%arg17 : memref<128x64xf32, #tpu.memory_space<vmem>>) target(%dma_start3A_125 : memref<128x64xf32, #tpu.memory_space<vmem_shared>>) target_semaphore(%run_scoped3A : memref<!tpu.dma_semaphore, #tpu.memory_space<semaphore_mem>>)
      %dma_wait3A_126 = arith.constant 0 : i32
      %dma_wait3A_127 = tpu.memref_slice %arg20[%add3A_20, %dma_wait3A_126] : memref<10240x64xf32, #tpu.memory_space<vmem_shared>> -> memref<128x64xf32, #tpu.memory_space<vmem_shared>>
      %dma_wait3A_128 = arith.constant 0 : i32
      %dma_wait3A_129 = tpu.memref_slice %arg20[%add3A_20, %dma_wait3A_128] : memref<10240x64xf32, #tpu.memory_space<vmem_shared>> -> memref<128x64xf32, #tpu.memory_space<vmem_shared>>
      tpu.wait_dma2 semaphore(%run_scoped3A : memref<!tpu.dma_semaphore, #tpu.memory_space<semaphore_mem>>) src(%arg17 : memref<128x64xf32, #tpu.memory_space<vmem>>) dst(%dma_wait3A_129 : memref<128x64xf32, #tpu.memory_space<vmem_shared>>)
      tpu.yield
    }) : () -> ()
    "tpu.region"() ({
      %run_scoped3A = tpu.sem_alloc : memref<!tpu.dma_semaphore, #tpu.memory_space<semaphore_mem>>
      %dma_start3A_122 = arith.constant 0 : i32
      %dma_start3A_123 = tpu.memref_slice %arg21[%add3A_20, %dma_start3A_122] : memref<10240x16xf32, #tpu.memory_space<vmem_shared>> -> memref<128x16xf32, #tpu.memory_space<vmem_shared>>
      %dma_start3A_124 = arith.constant 0 : i32
      %dma_start3A_125 = tpu.memref_slice %arg21[%add3A_20, %dma_start3A_124] : memref<10240x16xf32, #tpu.memory_space<vmem_shared>> -> memref<128x16xf32, #tpu.memory_space<vmem_shared>>
      tpu.enqueue_dma source(%arg19 : memref<128x16xf32, #tpu.memory_space<vmem>>) target(%dma_start3A_125 : memref<128x16xf32, #tpu.memory_space<vmem_shared>>) target_semaphore(%run_scoped3A : memref<!tpu.dma_semaphore, #tpu.memory_space<semaphore_mem>>)
      %dma_wait3A_126 = arith.constant 0 : i32
      %dma_wait3A_127 = tpu.memref_slice %arg21[%add3A_20, %dma_wait3A_126] : memref<10240x16xf32, #tpu.memory_space<vmem_shared>> -> memref<128x16xf32, #tpu.memory_space<vmem_shared>>
      %dma_wait3A_128 = arith.constant 0 : i32
      %dma_wait3A_129 = tpu.memref_slice %arg21[%add3A_20, %dma_wait3A_128] : memref<10240x16xf32, #tpu.memory_space<vmem_shared>> -> memref<128x16xf32, #tpu.memory_space<vmem_shared>>
      tpu.wait_dma2 semaphore(%run_scoped3A : memref<!tpu.dma_semaphore, #tpu.memory_space<semaphore_mem>>) src(%arg19 : memref<128x16xf32, #tpu.memory_space<vmem>>) dst(%dma_wait3A_129 : memref<128x16xf32, #tpu.memory_space<vmem_shared>>)
      tpu.yield
    }) : () -> ()
    %barrier3A = arith.constant 0 : index
    tpu.barrier barrier_id(%barrier3A)
    %mul3A_21 = arith.constant 10240 : i32
    %mul3A_22 = arith.muli %add3A, %mul3A_21 : i32
    "tpu.region"() ({
      %run_scoped3A = tpu.sem_alloc : memref<!tpu.dma_semaphore, #tpu.memory_space<semaphore_mem>>
      %dma_start3A_122 = tpu.memref_slice %arg3[%mul3A_22] : memref<327680xi32, #tpu.memory_space<hbm>> -> memref<10240xi32, #tpu.memory_space<hbm>>
      %dma_start3A_123 = tpu.memref_slice %arg3[%mul3A_22] : memref<327680xi32, #tpu.memory_space<hbm>> -> memref<10240xi32, #tpu.memory_space<hbm>>
      tpu.enqueue_dma source(%dma_start3A_123 : memref<10240xi32, #tpu.memory_space<hbm>>) target(%arg10 : memref<10240xi32, #tpu.memory_space<vmem>>) target_semaphore(%run_scoped3A : memref<!tpu.dma_semaphore, #tpu.memory_space<semaphore_mem>>)
      %dma_wait3A_124 = tpu.memref_slice %arg3[%mul3A_22] : memref<327680xi32, #tpu.memory_space<hbm>> -> memref<10240xi32, #tpu.memory_space<hbm>>
      %dma_wait3A_125 = tpu.memref_slice %arg3[%mul3A_22] : memref<327680xi32, #tpu.memory_space<hbm>> -> memref<10240xi32, #tpu.memory_space<hbm>>
      tpu.wait_dma2 semaphore(%run_scoped3A : memref<!tpu.dma_semaphore, #tpu.memory_space<semaphore_mem>>) src(%dma_wait3A_125 : memref<10240xi32, #tpu.memory_space<hbm>>) dst(%arg10 : memref<10240xi32, #tpu.memory_space<vmem>>)
      tpu.yield
    }) : () -> ()
    "tpu.region"() ({
      %run_scoped3A = tpu.sem_alloc : memref<!tpu.dma_semaphore, #tpu.memory_space<semaphore_mem>>
      %dma_start3A_122 = tpu.memref_slice %arg4[%mul3A_22] : memref<327680xi32, #tpu.memory_space<hbm>> -> memref<10240xi32, #tpu.memory_space<hbm>>
      %dma_start3A_123 = tpu.memref_slice %arg4[%mul3A_22] : memref<327680xi32, #tpu.memory_space<hbm>> -> memref<10240xi32, #tpu.memory_space<hbm>>
      tpu.enqueue_dma source(%dma_start3A_123 : memref<10240xi32, #tpu.memory_space<hbm>>) target(%arg11 : memref<10240xi32, #tpu.memory_space<vmem>>) target_semaphore(%run_scoped3A : memref<!tpu.dma_semaphore, #tpu.memory_space<semaphore_mem>>)
      %dma_wait3A_124 = tpu.memref_slice %arg4[%mul3A_22] : memref<327680xi32, #tpu.memory_space<hbm>> -> memref<10240xi32, #tpu.memory_space<hbm>>
      %dma_wait3A_125 = tpu.memref_slice %arg4[%mul3A_22] : memref<327680xi32, #tpu.memory_space<hbm>> -> memref<10240xi32, #tpu.memory_space<hbm>>
      tpu.wait_dma2 semaphore(%run_scoped3A : memref<!tpu.dma_semaphore, #tpu.memory_space<semaphore_mem>>) src(%dma_wait3A_125 : memref<10240xi32, #tpu.memory_space<hbm>>) dst(%arg11 : memref<10240xi32, #tpu.memory_space<vmem>>)
      tpu.yield
    }) : () -> ()
    %dma_start3A = arith.constant 0 : i32
    %dma_start3A_23 = tpu.memref_slice %arg10[%dma_start3A] : memref<10240xi32, #tpu.memory_space<vmem>> -> memref<128xi32, #tpu.memory_space<vmem>>
    %dma_start3A_24 = arith.constant 0 : i32
    %dma_start3A_25 = arith.constant 0 : i32
    %dma_start3A_26 = tpu.memref_slice %arg2[%dma_start3A_24, %dma_start3A_25] : memref<10240x64xf32, #tpu.memory_space<hbm>> -> memref<10240x64xf32, #tpu.memory_space<hbm>>
    tpu.enqueue_indirect_dma source(%dma_start3A_26 : memref<10240x64xf32, #tpu.memory_space<hbm>>) target(%arg12 : memref<128x64xf32, #tpu.memory_space<vmem>>) offsets(%dma_start3A_23 : memref<128xi32, #tpu.memory_space<vmem>>) semaphore(%arg22 : memref<!tpu.dma_semaphore, #tpu.memory_space<semaphore_mem>>)
    %dma_start3A_27 = arith.constant 128 : i32
    %dma_start3A_28 = tpu.memref_slice %arg10[%dma_start3A_27] : memref<10240xi32, #tpu.memory_space<vmem>> -> memref<128xi32, #tpu.memory_space<vmem>>
    %dma_start3A_29 = arith.constant 0 : i32
    %dma_start3A_30 = arith.constant 0 : i32
    %dma_start3A_31 = tpu.memref_slice %arg2[%dma_start3A_29, %dma_start3A_30] : memref<10240x64xf32, #tpu.memory_space<hbm>> -> memref<10240x64xf32, #tpu.memory_space<hbm>>
    tpu.enqueue_indirect_dma source(%dma_start3A_31 : memref<10240x64xf32, #tpu.memory_space<hbm>>) target(%arg13 : memref<128x64xf32, #tpu.memory_space<vmem>>) offsets(%dma_start3A_28 : memref<128xi32, #tpu.memory_space<vmem>>) semaphore(%arg23 : memref<!tpu.dma_semaphore, #tpu.memory_space<semaphore_mem>>)
    %dma_start3A_32 = arith.constant 256 : i32
    %dma_start3A_33 = tpu.memref_slice %arg10[%dma_start3A_32] : memref<10240xi32, #tpu.memory_space<vmem>> -> memref<128xi32, #tpu.memory_space<vmem>>
    %dma_start3A_34 = arith.constant 0 : i32
    %dma_start3A_35 = arith.constant 0 : i32
    %dma_start3A_36 = tpu.memref_slice %arg2[%dma_start3A_34, %dma_start3A_35] : memref<10240x64xf32, #tpu.memory_space<hbm>> -> memref<10240x64xf32, #tpu.memory_space<hbm>>
    tpu.enqueue_indirect_dma source(%dma_start3A_36 : memref<10240x64xf32, #tpu.memory_space<hbm>>) target(%arg14 : memref<128x64xf32, #tpu.memory_space<vmem>>) offsets(%dma_start3A_33 : memref<128xi32, #tpu.memory_space<vmem>>) semaphore(%arg24 : memref<!tpu.dma_semaphore, #tpu.memory_space<semaphore_mem>>)
    %dma_start3A_37 = arith.constant 384 : i32
    %dma_start3A_38 = tpu.memref_slice %arg10[%dma_start3A_37] : memref<10240xi32, #tpu.memory_space<vmem>> -> memref<128xi32, #tpu.memory_space<vmem>>
    %dma_start3A_39 = arith.constant 0 : i32
    %dma_start3A_40 = arith.constant 0 : i32
    %dma_start3A_41 = tpu.memref_slice %arg2[%dma_start3A_39, %dma_start3A_40] : memref<10240x64xf32, #tpu.memory_space<hbm>> -> memref<10240x64xf32, #tpu.memory_space<hbm>>
    tpu.enqueue_indirect_dma source(%dma_start3A_41 : memref<10240x64xf32, #tpu.memory_space<hbm>>) target(%arg15 : memref<128x64xf32, #tpu.memory_space<vmem>>) offsets(%dma_start3A_38 : memref<128xi32, #tpu.memory_space<vmem>>) semaphore(%arg25 : memref<!tpu.dma_semaphore, #tpu.memory_space<semaphore_mem>>)
    %dma_start3A_42 = arith.constant 512 : i32
    %dma_start3A_43 = tpu.memref_slice %arg10[%dma_start3A_42] : memref<10240xi32, #tpu.memory_space<vmem>> -> memref<128xi32, #tpu.memory_space<vmem>>
    %dma_start3A_44 = arith.constant 0 : i32
    %dma_start3A_45 = arith.constant 0 : i32
    %dma_start3A_46 = tpu.memref_slice %arg2[%dma_start3A_44, %dma_start3A_45] : memref<10240x64xf32, #tpu.memory_space<hbm>> -> memref<10240x64xf32, #tpu.memory_space<hbm>>
    tpu.enqueue_indirect_dma source(%dma_start3A_46 : memref<10240x64xf32, #tpu.memory_space<hbm>>) target(%arg16 : memref<128x64xf32, #tpu.memory_space<vmem>>) offsets(%dma_start3A_43 : memref<128xi32, #tpu.memory_space<vmem>>) semaphore(%arg26 : memref<!tpu.dma_semaphore, #tpu.memory_space<semaphore_mem>>)
    %scan3A = arith.constant 0 : i32
    %scan3A_47 = arith.constant 0 : i32
    %scan3A_48 = arith.constant 16 : i32
    %scan3A_49 = arith.addi %scan3A_47, %scan3A_48 : i32
    %scan3A_50 = arith.constant 1 : i32
    scf.for %scan3A_122 = %scan3A_47 to %scan3A_49 step %scan3A_50  : i32 {
      %mul3A_123 = arith.constant 5 : i32
      %mul3A_124 = arith.muli %mul3A_123, %scan3A_122 : i32
      %add3A_125 = arith.constant 0 : i32
      %add3A_126 = arith.addi %mul3A_124, %add3A_125 : i32
      %mul3A_127 = arith.constant 128 : i32
      %mul3A_128 = arith.muli %add3A_126, %mul3A_127 : i32
      %dma_wait3A_129 = tpu.memref_slice %arg10[%mul3A_128] : memref<10240xi32, #tpu.memory_space<vmem>> -> memref<128xi32, #tpu.memory_space<vmem>>
      %dma_wait3A_130 = arith.constant 0 : i32
      %dma_wait3A_131 = arith.constant 0 : i32
      %dma_wait3A_132 = tpu.memref_slice %arg2[%dma_wait3A_130, %dma_wait3A_131] : memref<10240x64xf32, #tpu.memory_space<hbm>> -> memref<10240x64xf32, #tpu.memory_space<hbm>>
      tpu.wait_indirect_dma semaphore(%arg22 : memref<!tpu.dma_semaphore, #tpu.memory_space<semaphore_mem>>) src(%dma_wait3A_132 : memref<10240x64xf32, #tpu.memory_space<hbm>>) dst(%arg12 : memref<128x64xf32, #tpu.memory_space<vmem>>)
      %mul3A_133 = arith.constant 128 : i32
      %mul3A_134 = arith.muli %add3A_126, %mul3A_133 : i32
      %dma_start3A_135 = tpu.memref_slice %arg11[%mul3A_134] : memref<10240xi32, #tpu.memory_space<vmem>> -> memref<128xi32, #tpu.memory_space<vmem>>
      %dma_start3A_136 = arith.constant 0 : i32
      %dma_start3A_137 = arith.constant 0 : i32
      %dma_start3A_138 = tpu.memref_slice %arg20[%dma_start3A_136, %dma_start3A_137] : memref<10240x64xf32, #tpu.memory_space<vmem_shared>> -> memref<10240x64xf32, #tpu.memory_space<vmem_shared>>
      tpu.enqueue_indirect_dma source(%arg12 : memref<128x64xf32, #tpu.memory_space<vmem>>) target(%dma_start3A_138 : memref<10240x64xf32, #tpu.memory_space<vmem_shared>>) offsets(%dma_start3A_135 : memref<128xi32, #tpu.memory_space<vmem>>) semaphore(%arg27 : memref<!tpu.dma_semaphore, #tpu.memory_space<semaphore_mem>>) {add = true}
      %mul3A_139 = arith.constant 128 : i32
      %mul3A_140 = arith.muli %add3A_126, %mul3A_139 : i32
      %dma_start3A_141 = tpu.memref_slice %arg11[%mul3A_140] : memref<10240xi32, #tpu.memory_space<vmem>> -> memref<128xi32, #tpu.memory_space<vmem>>
      %dma_start3A_142 = arith.constant 0 : i32
      %dma_start3A_143 = arith.constant 0 : i32
      %dma_start3A_144 = tpu.memref_slice %arg21[%dma_start3A_142, %dma_start3A_143] : memref<10240x16xf32, #tpu.memory_space<vmem_shared>> -> memref<10240x16xf32, #tpu.memory_space<vmem_shared>>
      tpu.enqueue_indirect_dma source(%arg18 : memref<128x16xf32, #tpu.memory_space<vmem>>) target(%dma_start3A_144 : memref<10240x16xf32, #tpu.memory_space<vmem_shared>>) offsets(%dma_start3A_141 : memref<128xi32, #tpu.memory_space<vmem>>) semaphore(%arg32 : memref<!tpu.dma_semaphore, #tpu.memory_space<semaphore_mem>>) {add = true}
      %lt3A = arith.constant 15 : i32
      %lt3A_145 = arith.cmpi slt, %scan3A_122, %lt3A : i32
      %convert_element_type3A = arith.extui %lt3A_145 : i1 to i32
      %cond3A = arith.constant 0 : i32
      %cond3A_146 = arith.cmpi ne, %convert_element_type3A, %cond3A : i32
      scf.if %cond3A_146 {
        %mul3A_255 = arith.constant 128 : i32
        %mul3A_256 = arith.muli %add3A_126, %mul3A_255 : i32
        %dma_wait3A_257 = tpu.memref_slice %arg11[%mul3A_256] : memref<10240xi32, #tpu.memory_space<vmem>> -> memref<128xi32, #tpu.memory_space<vmem>>
        %dma_wait3A_258 = arith.constant 0 : i32
        %dma_wait3A_259 = arith.constant 0 : i32
        %dma_wait3A_260 = tpu.memref_slice %arg20[%dma_wait3A_258, %dma_wait3A_259] : memref<10240x64xf32, #tpu.memory_space<vmem_shared>> -> memref<10240x64xf32, #tpu.memory_space<vmem_shared>>
        tpu.wait_indirect_dma semaphore(%arg27 : memref<!tpu.dma_semaphore, #tpu.memory_space<semaphore_mem>>) src(%arg12 : memref<128x64xf32, #tpu.memory_space<vmem>>) dst(%dma_wait3A_260 : memref<10240x64xf32, #tpu.memory_space<vmem_shared>>)
        %mul3A_261 = arith.constant 128 : i32
        %mul3A_262 = arith.muli %add3A_126, %mul3A_261 : i32
        %dma_wait3A_263 = tpu.memref_slice %arg11[%mul3A_262] : memref<10240xi32, #tpu.memory_space<vmem>> -> memref<128xi32, #tpu.memory_space<vmem>>
        %dma_wait3A_264 = arith.constant 0 : i32
        %dma_wait3A_265 = arith.constant 0 : i32
        %dma_wait3A_266 = tpu.memref_slice %arg21[%dma_wait3A_264, %dma_wait3A_265] : memref<10240x16xf32, #tpu.memory_space<vmem_shared>> -> memref<10240x16xf32, #tpu.memory_space<vmem_shared>>
        tpu.wait_indirect_dma semaphore(%arg32 : memref<!tpu.dma_semaphore, #tpu.memory_space<semaphore_mem>>) src(%arg18 : memref<128x16xf32, #tpu.memory_space<vmem>>) dst(%dma_wait3A_266 : memref<10240x16xf32, #tpu.memory_space<vmem_shared>>)
        %add3A_267 = arith.constant 5 : i32
        %add3A_268 = arith.addi %add3A_126, %add3A_267 : i32
        %mul3A_269 = arith.constant 128 : i32
        %mul3A_270 = arith.muli %add3A_268, %mul3A_269 : i32
        %dma_start3A_271 = tpu.memref_slice %arg10[%mul3A_270] : memref<10240xi32, #tpu.memory_space<vmem>> -> memref<128xi32, #tpu.memory_space<vmem>>
        %dma_start3A_272 = arith.constant 0 : i32
        %dma_start3A_273 = arith.constant 0 : i32
        %dma_start3A_274 = tpu.memref_slice %arg2[%dma_start3A_272, %dma_start3A_273] : memref<10240x64xf32, #tpu.memory_space<hbm>> -> memref<10240x64xf32, #tpu.memory_space<hbm>>
        tpu.enqueue_indirect_dma source(%dma_start3A_274 : memref<10240x64xf32, #tpu.memory_space<hbm>>) target(%arg12 : memref<128x64xf32, #tpu.memory_space<vmem>>) offsets(%dma_start3A_271 : memref<128xi32, #tpu.memory_space<vmem>>) semaphore(%arg22 : memref<!tpu.dma_semaphore, #tpu.memory_space<semaphore_mem>>)
      } else {
      }
      %mul3A_147 = arith.constant 5 : i32
      %mul3A_148 = arith.muli %mul3A_147, %scan3A_122 : i32
      %add3A_149 = arith.constant 1 : i32
      %add3A_150 = arith.addi %mul3A_148, %add3A_149 : i32
      %mul3A_151 = arith.constant 128 : i32
      %mul3A_152 = arith.muli %add3A_150, %mul3A_151 : i32
      %dma_wait3A_153 = tpu.memref_slice %arg10[%mul3A_152] : memref<10240xi32, #tpu.memory_space<vmem>> -> memref<128xi32, #tpu.memory_space<vmem>>
      %dma_wait3A_154 = arith.constant 0 : i32
      %dma_wait3A_155 = arith.constant 0 : i32
      %dma_wait3A_156 = tpu.memref_slice %arg2[%dma_wait3A_154, %dma_wait3A_155] : memref<10240x64xf32, #tpu.memory_space<hbm>> -> memref<10240x64xf32, #tpu.memory_space<hbm>>
      tpu.wait_indirect_dma semaphore(%arg23 : memref<!tpu.dma_semaphore, #tpu.memory_space<semaphore_mem>>) src(%dma_wait3A_156 : memref<10240x64xf32, #tpu.memory_space<hbm>>) dst(%arg13 : memref<128x64xf32, #tpu.memory_space<vmem>>)
      %mul3A_157 = arith.constant 128 : i32
      %mul3A_158 = arith.muli %add3A_150, %mul3A_157 : i32
      %dma_start3A_159 = tpu.memref_slice %arg11[%mul3A_158] : memref<10240xi32, #tpu.memory_space<vmem>> -> memref<128xi32, #tpu.memory_space<vmem>>
      %dma_start3A_160 = arith.constant 0 : i32
      %dma_start3A_161 = arith.constant 0 : i32
      %dma_start3A_162 = tpu.memref_slice %arg20[%dma_start3A_160, %dma_start3A_161] : memref<10240x64xf32, #tpu.memory_space<vmem_shared>> -> memref<10240x64xf32, #tpu.memory_space<vmem_shared>>
      tpu.enqueue_indirect_dma source(%arg13 : memref<128x64xf32, #tpu.memory_space<vmem>>) target(%dma_start3A_162 : memref<10240x64xf32, #tpu.memory_space<vmem_shared>>) offsets(%dma_start3A_159 : memref<128xi32, #tpu.memory_space<vmem>>) semaphore(%arg28 : memref<!tpu.dma_semaphore, #tpu.memory_space<semaphore_mem>>) {add = true}
      %mul3A_163 = arith.constant 128 : i32
      %mul3A_164 = arith.muli %add3A_150, %mul3A_163 : i32
      %dma_start3A_165 = tpu.memref_slice %arg11[%mul3A_164] : memref<10240xi32, #tpu.memory_space<vmem>> -> memref<128xi32, #tpu.memory_space<vmem>>
      %dma_start3A_166 = arith.constant 0 : i32
      %dma_start3A_167 = arith.constant 0 : i32
      %dma_start3A_168 = tpu.memref_slice %arg21[%dma_start3A_166, %dma_start3A_167] : memref<10240x16xf32, #tpu.memory_space<vmem_shared>> -> memref<10240x16xf32, #tpu.memory_space<vmem_shared>>
      tpu.enqueue_indirect_dma source(%arg18 : memref<128x16xf32, #tpu.memory_space<vmem>>) target(%dma_start3A_168 : memref<10240x16xf32, #tpu.memory_space<vmem_shared>>) offsets(%dma_start3A_165 : memref<128xi32, #tpu.memory_space<vmem>>) semaphore(%arg33 : memref<!tpu.dma_semaphore, #tpu.memory_space<semaphore_mem>>) {add = true}
      %lt3A_169 = arith.constant 15 : i32
      %lt3A_170 = arith.cmpi slt, %scan3A_122, %lt3A_169 : i32
      %convert_element_type3A_171 = arith.extui %lt3A_170 : i1 to i32
      %cond3A_172 = arith.constant 0 : i32
      %cond3A_173 = arith.cmpi ne, %convert_element_type3A_171, %cond3A_172 : i32
      scf.if %cond3A_173 {
        %mul3A_255 = arith.constant 128 : i32
        %mul3A_256 = arith.muli %add3A_150, %mul3A_255 : i32
        %dma_wait3A_257 = tpu.memref_slice %arg11[%mul3A_256] : memref<10240xi32, #tpu.memory_space<vmem>> -> memref<128xi32, #tpu.memory_space<vmem>>
        %dma_wait3A_258 = arith.constant 0 : i32
        %dma_wait3A_259 = arith.constant 0 : i32
        %dma_wait3A_260 = tpu.memref_slice %arg20[%dma_wait3A_258, %dma_wait3A_259] : memref<10240x64xf32, #tpu.memory_space<vmem_shared>> -> memref<10240x64xf32, #tpu.memory_space<vmem_shared>>
        tpu.wait_indirect_dma semaphore(%arg28 : memref<!tpu.dma_semaphore, #tpu.memory_space<semaphore_mem>>) src(%arg13 : memref<128x64xf32, #tpu.memory_space<vmem>>) dst(%dma_wait3A_260 : memref<10240x64xf32, #tpu.memory_space<vmem_shared>>)
        %mul3A_261 = arith.constant 128 : i32
        %mul3A_262 = arith.muli %add3A_150, %mul3A_261 : i32
        %dma_wait3A_263 = tpu.memref_slice %arg11[%mul3A_262] : memref<10240xi32, #tpu.memory_space<vmem>> -> memref<128xi32, #tpu.memory_space<vmem>>
        %dma_wait3A_264 = arith.constant 0 : i32
        %dma_wait3A_265 = arith.constant 0 : i32
        %dma_wait3A_266 = tpu.memref_slice %arg21[%dma_wait3A_264, %dma_wait3A_265] : memref<10240x16xf32, #tpu.memory_space<vmem_shared>> -> memref<10240x16xf32, #tpu.memory_space<vmem_shared>>
        tpu.wait_indirect_dma semaphore(%arg33 : memref<!tpu.dma_semaphore, #tpu.memory_space<semaphore_mem>>) src(%arg18 : memref<128x16xf32, #tpu.memory_space<vmem>>) dst(%dma_wait3A_266 : memref<10240x16xf32, #tpu.memory_space<vmem_shared>>)
        %add3A_267 = arith.constant 5 : i32
        %add3A_268 = arith.addi %add3A_150, %add3A_267 : i32
        %mul3A_269 = arith.constant 128 : i32
        %mul3A_270 = arith.muli %add3A_268, %mul3A_269 : i32
        %dma_start3A_271 = tpu.memref_slice %arg10[%mul3A_270] : memref<10240xi32, #tpu.memory_space<vmem>> -> memref<128xi32, #tpu.memory_space<vmem>>
        %dma_start3A_272 = arith.constant 0 : i32
        %dma_start3A_273 = arith.constant 0 : i32
        %dma_start3A_274 = tpu.memref_slice %arg2[%dma_start3A_272, %dma_start3A_273] : memref<10240x64xf32, #tpu.memory_space<hbm>> -> memref<10240x64xf32, #tpu.memory_space<hbm>>
        tpu.enqueue_indirect_dma source(%dma_start3A_274 : memref<10240x64xf32, #tpu.memory_space<hbm>>) target(%arg13 : memref<128x64xf32, #tpu.memory_space<vmem>>) offsets(%dma_start3A_271 : memref<128xi32, #tpu.memory_space<vmem>>) semaphore(%arg23 : memref<!tpu.dma_semaphore, #tpu.memory_space<semaphore_mem>>)
      } else {
      }
      %mul3A_174 = arith.constant 5 : i32
      %mul3A_175 = arith.muli %mul3A_174, %scan3A_122 : i32
      %add3A_176 = arith.constant 2 : i32
      %add3A_177 = arith.addi %mul3A_175, %add3A_176 : i32
      %mul3A_178 = arith.constant 128 : i32
      %mul3A_179 = arith.muli %add3A_177, %mul3A_178 : i32
      %dma_wait3A_180 = tpu.memref_slice %arg10[%mul3A_179] : memref<10240xi32, #tpu.memory_space<vmem>> -> memref<128xi32, #tpu.memory_space<vmem>>
      %dma_wait3A_181 = arith.constant 0 : i32
      %dma_wait3A_182 = arith.constant 0 : i32
      %dma_wait3A_183 = tpu.memref_slice %arg2[%dma_wait3A_181, %dma_wait3A_182] : memref<10240x64xf32, #tpu.memory_space<hbm>> -> memref<10240x64xf32, #tpu.memory_space<hbm>>
      tpu.wait_indirect_dma semaphore(%arg24 : memref<!tpu.dma_semaphore, #tpu.memory_space<semaphore_mem>>) src(%dma_wait3A_183 : memref<10240x64xf32, #tpu.memory_space<hbm>>) dst(%arg14 : memref<128x64xf32, #tpu.memory_space<vmem>>)
      %mul3A_184 = arith.constant 128 : i32
      %mul3A_185 = arith.muli %add3A_177, %mul3A_184 : i32
      %dma_start3A_186 = tpu.memref_slice %arg11[%mul3A_185] : memref<10240xi32, #tpu.memory_space<vmem>> -> memref<128xi32, #tpu.memory_space<vmem>>
      %dma_start3A_187 = arith.constant 0 : i32
      %dma_start3A_188 = arith.constant 0 : i32
      %dma_start3A_189 = tpu.memref_slice %arg20[%dma_start3A_187, %dma_start3A_188] : memref<10240x64xf32, #tpu.memory_space<vmem_shared>> -> memref<10240x64xf32, #tpu.memory_space<vmem_shared>>
      tpu.enqueue_indirect_dma source(%arg14 : memref<128x64xf32, #tpu.memory_space<vmem>>) target(%dma_start3A_189 : memref<10240x64xf32, #tpu.memory_space<vmem_shared>>) offsets(%dma_start3A_186 : memref<128xi32, #tpu.memory_space<vmem>>) semaphore(%arg29 : memref<!tpu.dma_semaphore, #tpu.memory_space<semaphore_mem>>) {add = true}
      %mul3A_190 = arith.constant 128 : i32
      %mul3A_191 = arith.muli %add3A_177, %mul3A_190 : i32
      %dma_start3A_192 = tpu.memref_slice %arg11[%mul3A_191] : memref<10240xi32, #tpu.memory_space<vmem>> -> memref<128xi32, #tpu.memory_space<vmem>>
      %dma_start3A_193 = arith.constant 0 : i32
      %dma_start3A_194 = arith.constant 0 : i32
      %dma_start3A_195 = tpu.memref_slice %arg21[%dma_start3A_193, %dma_start3A_194] : memref<10240x16xf32, #tpu.memory_space<vmem_shared>> -> memref<10240x16xf32, #tpu.memory_space<vmem_shared>>
      tpu.enqueue_indirect_dma source(%arg18 : memref<128x16xf32, #tpu.memory_space<vmem>>) target(%dma_start3A_195 : memref<10240x16xf32, #tpu.memory_space<vmem_shared>>) offsets(%dma_start3A_192 : memref<128xi32, #tpu.memory_space<vmem>>) semaphore(%arg34 : memref<!tpu.dma_semaphore, #tpu.memory_space<semaphore_mem>>) {add = true}
      %lt3A_196 = arith.constant 15 : i32
      %lt3A_197 = arith.cmpi slt, %scan3A_122, %lt3A_196 : i32
      %convert_element_type3A_198 = arith.extui %lt3A_197 : i1 to i32
      %cond3A_199 = arith.constant 0 : i32
      %cond3A_200 = arith.cmpi ne, %convert_element_type3A_198, %cond3A_199 : i32
      scf.if %cond3A_200 {
        %mul3A_255 = arith.constant 128 : i32
        %mul3A_256 = arith.muli %add3A_177, %mul3A_255 : i32
        %dma_wait3A_257 = tpu.memref_slice %arg11[%mul3A_256] : memref<10240xi32, #tpu.memory_space<vmem>> -> memref<128xi32, #tpu.memory_space<vmem>>
        %dma_wait3A_258 = arith.constant 0 : i32
        %dma_wait3A_259 = arith.constant 0 : i32
        %dma_wait3A_260 = tpu.memref_slice %arg20[%dma_wait3A_258, %dma_wait3A_259] : memref<10240x64xf32, #tpu.memory_space<vmem_shared>> -> memref<10240x64xf32, #tpu.memory_space<vmem_shared>>
        tpu.wait_indirect_dma semaphore(%arg29 : memref<!tpu.dma_semaphore, #tpu.memory_space<semaphore_mem>>) src(%arg14 : memref<128x64xf32, #tpu.memory_space<vmem>>) dst(%dma_wait3A_260 : memref<10240x64xf32, #tpu.memory_space<vmem_shared>>)
        %mul3A_261 = arith.constant 128 : i32
        %mul3A_262 = arith.muli %add3A_177, %mul3A_261 : i32
        %dma_wait3A_263 = tpu.memref_slice %arg11[%mul3A_262] : memref<10240xi32, #tpu.memory_space<vmem>> -> memref<128xi32, #tpu.memory_space<vmem>>
        %dma_wait3A_264 = arith.constant 0 : i32
        %dma_wait3A_265 = arith.constant 0 : i32
        %dma_wait3A_266 = tpu.memref_slice %arg21[%dma_wait3A_264, %dma_wait3A_265] : memref<10240x16xf32, #tpu.memory_space<vmem_shared>> -> memref<10240x16xf32, #tpu.memory_space<vmem_shared>>
        tpu.wait_indirect_dma semaphore(%arg34 : memref<!tpu.dma_semaphore, #tpu.memory_space<semaphore_mem>>) src(%arg18 : memref<128x16xf32, #tpu.memory_space<vmem>>) dst(%dma_wait3A_266 : memref<10240x16xf32, #tpu.memory_space<vmem_shared>>)
        %add3A_267 = arith.constant 5 : i32
        %add3A_268 = arith.addi %add3A_177, %add3A_267 : i32
        %mul3A_269 = arith.constant 128 : i32
        %mul3A_270 = arith.muli %add3A_268, %mul3A_269 : i32
        %dma_start3A_271 = tpu.memref_slice %arg10[%mul3A_270] : memref<10240xi32, #tpu.memory_space<vmem>> -> memref<128xi32, #tpu.memory_space<vmem>>
        %dma_start3A_272 = arith.constant 0 : i32
        %dma_start3A_273 = arith.constant 0 : i32
        %dma_start3A_274 = tpu.memref_slice %arg2[%dma_start3A_272, %dma_start3A_273] : memref<10240x64xf32, #tpu.memory_space<hbm>> -> memref<10240x64xf32, #tpu.memory_space<hbm>>
        tpu.enqueue_indirect_dma source(%dma_start3A_274 : memref<10240x64xf32, #tpu.memory_space<hbm>>) target(%arg14 : memref<128x64xf32, #tpu.memory_space<vmem>>) offsets(%dma_start3A_271 : memref<128xi32, #tpu.memory_space<vmem>>) semaphore(%arg24 : memref<!tpu.dma_semaphore, #tpu.memory_space<semaphore_mem>>)
      } else {
      }
      %mul3A_201 = arith.constant 5 : i32
      %mul3A_202 = arith.muli %mul3A_201, %scan3A_122 : i32
      %add3A_203 = arith.constant 3 : i32
      %add3A_204 = arith.addi %mul3A_202, %add3A_203 : i32
      %mul3A_205 = arith.constant 128 : i32
      %mul3A_206 = arith.muli %add3A_204, %mul3A_205 : i32
      %dma_wait3A_207 = tpu.memref_slice %arg10[%mul3A_206] : memref<10240xi32, #tpu.memory_space<vmem>> -> memref<128xi32, #tpu.memory_space<vmem>>
      %dma_wait3A_208 = arith.constant 0 : i32
      %dma_wait3A_209 = arith.constant 0 : i32
      %dma_wait3A_210 = tpu.memref_slice %arg2[%dma_wait3A_208, %dma_wait3A_209] : memref<10240x64xf32, #tpu.memory_space<hbm>> -> memref<10240x64xf32, #tpu.memory_space<hbm>>
      tpu.wait_indirect_dma semaphore(%arg25 : memref<!tpu.dma_semaphore, #tpu.memory_space<semaphore_mem>>) src(%dma_wait3A_210 : memref<10240x64xf32, #tpu.memory_space<hbm>>) dst(%arg15 : memref<128x64xf32, #tpu.memory_space<vmem>>)
      %mul3A_211 = arith.constant 128 : i32
      %mul3A_212 = arith.muli %add3A_204, %mul3A_211 : i32
      %dma_start3A_213 = tpu.memref_slice %arg11[%mul3A_212] : memref<10240xi32, #tpu.memory_space<vmem>> -> memref<128xi32, #tpu.memory_space<vmem>>
      %dma_start3A_214 = arith.constant 0 : i32
      %dma_start3A_215 = arith.constant 0 : i32
      %dma_start3A_216 = tpu.memref_slice %arg20[%dma_start3A_214, %dma_start3A_215] : memref<10240x64xf32, #tpu.memory_space<vmem_shared>> -> memref<10240x64xf32, #tpu.memory_space<vmem_shared>>
      tpu.enqueue_indirect_dma source(%arg15 : memref<128x64xf32, #tpu.memory_space<vmem>>) target(%dma_start3A_216 : memref<10240x64xf32, #tpu.memory_space<vmem_shared>>) offsets(%dma_start3A_213 : memref<128xi32, #tpu.memory_space<vmem>>) semaphore(%arg30 : memref<!tpu.dma_semaphore, #tpu.memory_space<semaphore_mem>>) {add = true}
      %mul3A_217 = arith.constant 128 : i32
      %mul3A_218 = arith.muli %add3A_204, %mul3A_217 : i32
      %dma_start3A_219 = tpu.memref_slice %arg11[%mul3A_218] : memref<10240xi32, #tpu.memory_space<vmem>> -> memref<128xi32, #tpu.memory_space<vmem>>
      %dma_start3A_220 = arith.constant 0 : i32
      %dma_start3A_221 = arith.constant 0 : i32
      %dma_start3A_222 = tpu.memref_slice %arg21[%dma_start3A_220, %dma_start3A_221] : memref<10240x16xf32, #tpu.memory_space<vmem_shared>> -> memref<10240x16xf32, #tpu.memory_space<vmem_shared>>
      tpu.enqueue_indirect_dma source(%arg18 : memref<128x16xf32, #tpu.memory_space<vmem>>) target(%dma_start3A_222 : memref<10240x16xf32, #tpu.memory_space<vmem_shared>>) offsets(%dma_start3A_219 : memref<128xi32, #tpu.memory_space<vmem>>) semaphore(%arg35 : memref<!tpu.dma_semaphore, #tpu.memory_space<semaphore_mem>>) {add = true}
      %lt3A_223 = arith.constant 15 : i32
      %lt3A_224 = arith.cmpi slt, %scan3A_122, %lt3A_223 : i32
      %convert_element_type3A_225 = arith.extui %lt3A_224 : i1 to i32
      %cond3A_226 = arith.constant 0 : i32
      %cond3A_227 = arith.cmpi ne, %convert_element_type3A_225, %cond3A_226 : i32
      scf.if %cond3A_227 {
        %mul3A_255 = arith.constant 128 : i32
        %mul3A_256 = arith.muli %add3A_204, %mul3A_255 : i32
        %dma_wait3A_257 = tpu.memref_slice %arg11[%mul3A_256] : memref<10240xi32, #tpu.memory_space<vmem>> -> memref<128xi32, #tpu.memory_space<vmem>>
        %dma_wait3A_258 = arith.constant 0 : i32
        %dma_wait3A_259 = arith.constant 0 : i32
        %dma_wait3A_260 = tpu.memref_slice %arg20[%dma_wait3A_258, %dma_wait3A_259] : memref<10240x64xf32, #tpu.memory_space<vmem_shared>> -> memref<10240x64xf32, #tpu.memory_space<vmem_shared>>
        tpu.wait_indirect_dma semaphore(%arg30 : memref<!tpu.dma_semaphore, #tpu.memory_space<semaphore_mem>>) src(%arg15 : memref<128x64xf32, #tpu.memory_space<vmem>>) dst(%dma_wait3A_260 : memref<10240x64xf32, #tpu.memory_space<vmem_shared>>)
        %mul3A_261 = arith.constant 128 : i32
        %mul3A_262 = arith.muli %add3A_204, %mul3A_261 : i32
        %dma_wait3A_263 = tpu.memref_slice %arg11[%mul3A_262] : memref<10240xi32, #tpu.memory_space<vmem>> -> memref<128xi32, #tpu.memory_space<vmem>>
        %dma_wait3A_264 = arith.constant 0 : i32
        %dma_wait3A_265 = arith.constant 0 : i32
        %dma_wait3A_266 = tpu.memref_slice %arg21[%dma_wait3A_264, %dma_wait3A_265] : memref<10240x16xf32, #tpu.memory_space<vmem_shared>> -> memref<10240x16xf32, #tpu.memory_space<vmem_shared>>
        tpu.wait_indirect_dma semaphore(%arg35 : memref<!tpu.dma_semaphore, #tpu.memory_space<semaphore_mem>>) src(%arg18 : memref<128x16xf32, #tpu.memory_space<vmem>>) dst(%dma_wait3A_266 : memref<10240x16xf32, #tpu.memory_space<vmem_shared>>)
        %add3A_267 = arith.constant 5 : i32
        %add3A_268 = arith.addi %add3A_204, %add3A_267 : i32
        %mul3A_269 = arith.constant 128 : i32
        %mul3A_270 = arith.muli %add3A_268, %mul3A_269 : i32
        %dma_start3A_271 = tpu.memref_slice %arg10[%mul3A_270] : memref<10240xi32, #tpu.memory_space<vmem>> -> memref<128xi32, #tpu.memory_space<vmem>>
        %dma_start3A_272 = arith.constant 0 : i32
        %dma_start3A_273 = arith.constant 0 : i32
        %dma_start3A_274 = tpu.memref_slice %arg2[%dma_start3A_272, %dma_start3A_273] : memref<10240x64xf32, #tpu.memory_space<hbm>> -> memref<10240x64xf32, #tpu.memory_space<hbm>>
        tpu.enqueue_indirect_dma source(%dma_start3A_274 : memref<10240x64xf32, #tpu.memory_space<hbm>>) target(%arg15 : memref<128x64xf32, #tpu.memory_space<vmem>>) offsets(%dma_start3A_271 : memref<128xi32, #tpu.memory_space<vmem>>) semaphore(%arg25 : memref<!tpu.dma_semaphore, #tpu.memory_space<semaphore_mem>>)
      } else {
      }
      %mul3A_228 = arith.constant 5 : i32
      %mul3A_229 = arith.muli %mul3A_228, %scan3A_122 : i32
      %add3A_230 = arith.constant 4 : i32
      %add3A_231 = arith.addi %mul3A_229, %add3A_230 : i32
      %mul3A_232 = arith.constant 128 : i32
      %mul3A_233 = arith.muli %add3A_231, %mul3A_232 : i32
      %dma_wait3A_234 = tpu.memref_slice %arg10[%mul3A_233] : memref<10240xi32, #tpu.memory_space<vmem>> -> memref<128xi32, #tpu.memory_space<vmem>>
      %dma_wait3A_235 = arith.constant 0 : i32
      %dma_wait3A_236 = arith.constant 0 : i32
      %dma_wait3A_237 = tpu.memref_slice %arg2[%dma_wait3A_235, %dma_wait3A_236] : memref<10240x64xf32, #tpu.memory_space<hbm>> -> memref<10240x64xf32, #tpu.memory_space<hbm>>
      tpu.wait_indirect_dma semaphore(%arg26 : memref<!tpu.dma_semaphore, #tpu.memory_space<semaphore_mem>>) src(%dma_wait3A_237 : memref<10240x64xf32, #tpu.memory_space<hbm>>) dst(%arg16 : memref<128x64xf32, #tpu.memory_space<vmem>>)
      %mul3A_238 = arith.constant 128 : i32
      %mul3A_239 = arith.muli %add3A_231, %mul3A_238 : i32
      %dma_start3A_240 = tpu.memref_slice %arg11[%mul3A_239] : memref<10240xi32, #tpu.memory_space<vmem>> -> memref<128xi32, #tpu.memory_space<vmem>>
      %dma_start3A_241 = arith.constant 0 : i32
      %dma_start3A_242 = arith.constant 0 : i32
      %dma_start3A_243 = tpu.memref_slice %arg20[%dma_start3A_241, %dma_start3A_242] : memref<10240x64xf32, #tpu.memory_space<vmem_shared>> -> memref<10240x64xf32, #tpu.memory_space<vmem_shared>>
      tpu.enqueue_indirect_dma source(%arg16 : memref<128x64xf32, #tpu.memory_space<vmem>>) target(%dma_start3A_243 : memref<10240x64xf32, #tpu.memory_space<vmem_shared>>) offsets(%dma_start3A_240 : memref<128xi32, #tpu.memory_space<vmem>>) semaphore(%arg31 : memref<!tpu.dma_semaphore, #tpu.memory_space<semaphore_mem>>) {add = true}
      %mul3A_244 = arith.constant 128 : i32
      %mul3A_245 = arith.muli %add3A_231, %mul3A_244 : i32
      %dma_start3A_246 = tpu.memref_slice %arg11[%mul3A_245] : memref<10240xi32, #tpu.memory_space<vmem>> -> memref<128xi32, #tpu.memory_space<vmem>>
      %dma_start3A_247 = arith.constant 0 : i32
      %dma_start3A_248 = arith.constant 0 : i32
      %dma_start3A_249 = tpu.memref_slice %arg21[%dma_start3A_247, %dma_start3A_248] : memref<10240x16xf32, #tpu.memory_space<vmem_shared>> -> memref<10240x16xf32, #tpu.memory_space<vmem_shared>>
      tpu.enqueue_indirect_dma source(%arg18 : memref<128x16xf32, #tpu.memory_space<vmem>>) target(%dma_start3A_249 : memref<10240x16xf32, #tpu.memory_space<vmem_shared>>) offsets(%dma_start3A_246 : memref<128xi32, #tpu.memory_space<vmem>>) semaphore(%arg36 : memref<!tpu.dma_semaphore, #tpu.memory_space<semaphore_mem>>) {add = true}
      %lt3A_250 = arith.constant 15 : i32
      %lt3A_251 = arith.cmpi slt, %scan3A_122, %lt3A_250 : i32
      %convert_element_type3A_252 = arith.extui %lt3A_251 : i1 to i32
      %cond3A_253 = arith.constant 0 : i32
      %cond3A_254 = arith.cmpi ne, %convert_element_type3A_252, %cond3A_253 : i32
      scf.if %cond3A_254 {
        %mul3A_255 = arith.constant 128 : i32
        %mul3A_256 = arith.muli %add3A_231, %mul3A_255 : i32
        %dma_wait3A_257 = tpu.memref_slice %arg11[%mul3A_256] : memref<10240xi32, #tpu.memory_space<vmem>> -> memref<128xi32, #tpu.memory_space<vmem>>
        %dma_wait3A_258 = arith.constant 0 : i32
        %dma_wait3A_259 = arith.constant 0 : i32
        %dma_wait3A_260 = tpu.memref_slice %arg20[%dma_wait3A_258, %dma_wait3A_259] : memref<10240x64xf32, #tpu.memory_space<vmem_shared>> -> memref<10240x64xf32, #tpu.memory_space<vmem_shared>>
        tpu.wait_indirect_dma semaphore(%arg31 : memref<!tpu.dma_semaphore, #tpu.memory_space<semaphore_mem>>) src(%arg16 : memref<128x64xf32, #tpu.memory_space<vmem>>) dst(%dma_wait3A_260 : memref<10240x64xf32, #tpu.memory_space<vmem_shared>>)
        %mul3A_261 = arith.constant 128 : i32
        %mul3A_262 = arith.muli %add3A_231, %mul3A_261 : i32
        %dma_wait3A_263 = tpu.memref_slice %arg11[%mul3A_262] : memref<10240xi32, #tpu.memory_space<vmem>> -> memref<128xi32, #tpu.memory_space<vmem>>
        %dma_wait3A_264 = arith.constant 0 : i32
        %dma_wait3A_265 = arith.constant 0 : i32
        %dma_wait3A_266 = tpu.memref_slice %arg21[%dma_wait3A_264, %dma_wait3A_265] : memref<10240x16xf32, #tpu.memory_space<vmem_shared>> -> memref<10240x16xf32, #tpu.memory_space<vmem_shared>>
        tpu.wait_indirect_dma semaphore(%arg36 : memref<!tpu.dma_semaphore, #tpu.memory_space<semaphore_mem>>) src(%arg18 : memref<128x16xf32, #tpu.memory_space<vmem>>) dst(%dma_wait3A_266 : memref<10240x16xf32, #tpu.memory_space<vmem_shared>>)
        %add3A_267 = arith.constant 5 : i32
        %add3A_268 = arith.addi %add3A_231, %add3A_267 : i32
        %mul3A_269 = arith.constant 128 : i32
        %mul3A_270 = arith.muli %add3A_268, %mul3A_269 : i32
        %dma_start3A_271 = tpu.memref_slice %arg10[%mul3A_270] : memref<10240xi32, #tpu.memory_space<vmem>> -> memref<128xi32, #tpu.memory_space<vmem>>
        %dma_start3A_272 = arith.constant 0 : i32
        %dma_start3A_273 = arith.constant 0 : i32
        %dma_start3A_274 = tpu.memref_slice %arg2[%dma_start3A_272, %dma_start3A_273] : memref<10240x64xf32, #tpu.memory_space<hbm>> -> memref<10240x64xf32, #tpu.memory_space<hbm>>
        tpu.enqueue_indirect_dma source(%dma_start3A_274 : memref<10240x64xf32, #tpu.memory_space<hbm>>) target(%arg16 : memref<128x64xf32, #tpu.memory_space<vmem>>) offsets(%dma_start3A_271 : memref<128xi32, #tpu.memory_space<vmem>>) semaphore(%arg26 : memref<!tpu.dma_semaphore, #tpu.memory_space<semaphore_mem>>)
      } else {
      }
    }
    %scan3A_51 = arith.constant 16 : i32
    %dma_wait3A = arith.constant 9600 : i32
    %dma_wait3A_52 = tpu.memref_slice %arg11[%dma_wait3A] : memref<10240xi32, #tpu.memory_space<vmem>> -> memref<128xi32, #tpu.memory_space<vmem>>
    %dma_wait3A_53 = arith.constant 0 : i32
    %dma_wait3A_54 = arith.constant 0 : i32
    %dma_wait3A_55 = tpu.memref_slice %arg20[%dma_wait3A_53, %dma_wait3A_54] : memref<10240x64xf32, #tpu.memory_space<vmem_shared>> -> memref<10240x64xf32, #tpu.memory_space<vmem_shared>>
    tpu.wait_indirect_dma semaphore(%arg27 : memref<!tpu.dma_semaphore, #tpu.memory_space<semaphore_mem>>) src(%arg12 : memref<128x64xf32, #tpu.memory_space<vmem>>) dst(%dma_wait3A_55 : memref<10240x64xf32, #tpu.memory_space<vmem_shared>>)
    %dma_wait3A_56 = arith.constant 9600 : i32
    %dma_wait3A_57 = tpu.memref_slice %arg11[%dma_wait3A_56] : memref<10240xi32, #tpu.memory_space<vmem>> -> memref<128xi32, #tpu.memory_space<vmem>>
    %dma_wait3A_58 = arith.constant 0 : i32
    %dma_wait3A_59 = arith.constant 0 : i32
    %dma_wait3A_60 = tpu.memref_slice %arg21[%dma_wait3A_58, %dma_wait3A_59] : memref<10240x16xf32, #tpu.memory_space<vmem_shared>> -> memref<10240x16xf32, #tpu.memory_space<vmem_shared>>
    tpu.wait_indirect_dma semaphore(%arg32 : memref<!tpu.dma_semaphore, #tpu.memory_space<semaphore_mem>>) src(%arg18 : memref<128x16xf32, #tpu.memory_space<vmem>>) dst(%dma_wait3A_60 : memref<10240x16xf32, #tpu.memory_space<vmem_shared>>)
    %dma_wait3A_61 = arith.constant 9728 : i32
    %dma_wait3A_62 = tpu.memref_slice %arg11[%dma_wait3A_61] : memref<10240xi32, #tpu.memory_space<vmem>> -> memref<128xi32, #tpu.memory_space<vmem>>
    %dma_wait3A_63 = arith.constant 0 : i32
    %dma_wait3A_64 = arith.constant 0 : i32
    %dma_wait3A_65 = tpu.memref_slice %arg20[%dma_wait3A_63, %dma_wait3A_64] : memref<10240x64xf32, #tpu.memory_space<vmem_shared>> -> memref<10240x64xf32, #tpu.memory_space<vmem_shared>>
    tpu.wait_indirect_dma semaphore(%arg28 : memref<!tpu.dma_semaphore, #tpu.memory_space<semaphore_mem>>) src(%arg13 : memref<128x64xf32, #tpu.memory_space<vmem>>) dst(%dma_wait3A_65 : memref<10240x64xf32, #tpu.memory_space<vmem_shared>>)
    %dma_wait3A_66 = arith.constant 9728 : i32
    %dma_wait3A_67 = tpu.memref_slice %arg11[%dma_wait3A_66] : memref<10240xi32, #tpu.memory_space<vmem>> -> memref<128xi32, #tpu.memory_space<vmem>>
    %dma_wait3A_68 = arith.constant 0 : i32
    %dma_wait3A_69 = arith.constant 0 : i32
    %dma_wait3A_70 = tpu.memref_slice %arg21[%dma_wait3A_68, %dma_wait3A_69] : memref<10240x16xf32, #tpu.memory_space<vmem_shared>> -> memref<10240x16xf32, #tpu.memory_space<vmem_shared>>
    tpu.wait_indirect_dma semaphore(%arg33 : memref<!tpu.dma_semaphore, #tpu.memory_space<semaphore_mem>>) src(%arg18 : memref<128x16xf32, #tpu.memory_space<vmem>>) dst(%dma_wait3A_70 : memref<10240x16xf32, #tpu.memory_space<vmem_shared>>)
    %dma_wait3A_71 = arith.constant 9856 : i32
    %dma_wait3A_72 = tpu.memref_slice %arg11[%dma_wait3A_71] : memref<10240xi32, #tpu.memory_space<vmem>> -> memref<128xi32, #tpu.memory_space<vmem>>
    %dma_wait3A_73 = arith.constant 0 : i32
    %dma_wait3A_74 = arith.constant 0 : i32
    %dma_wait3A_75 = tpu.memref_slice %arg20[%dma_wait3A_73, %dma_wait3A_74] : memref<10240x64xf32, #tpu.memory_space<vmem_shared>> -> memref<10240x64xf32, #tpu.memory_space<vmem_shared>>
    tpu.wait_indirect_dma semaphore(%arg29 : memref<!tpu.dma_semaphore, #tpu.memory_space<semaphore_mem>>) src(%arg14 : memref<128x64xf32, #tpu.memory_space<vmem>>) dst(%dma_wait3A_75 : memref<10240x64xf32, #tpu.memory_space<vmem_shared>>)
    %dma_wait3A_76 = arith.constant 9856 : i32
    %dma_wait3A_77 = tpu.memref_slice %arg11[%dma_wait3A_76] : memref<10240xi32, #tpu.memory_space<vmem>> -> memref<128xi32, #tpu.memory_space<vmem>>
    %dma_wait3A_78 = arith.constant 0 : i32
    %dma_wait3A_79 = arith.constant 0 : i32
    %dma_wait3A_80 = tpu.memref_slice %arg21[%dma_wait3A_78, %dma_wait3A_79] : memref<10240x16xf32, #tpu.memory_space<vmem_shared>> -> memref<10240x16xf32, #tpu.memory_space<vmem_shared>>
    tpu.wait_indirect_dma semaphore(%arg34 : memref<!tpu.dma_semaphore, #tpu.memory_space<semaphore_mem>>) src(%arg18 : memref<128x16xf32, #tpu.memory_space<vmem>>) dst(%dma_wait3A_80 : memref<10240x16xf32, #tpu.memory_space<vmem_shared>>)
    %dma_wait3A_81 = arith.constant 9984 : i32
    %dma_wait3A_82 = tpu.memref_slice %arg11[%dma_wait3A_81] : memref<10240xi32, #tpu.memory_space<vmem>> -> memref<128xi32, #tpu.memory_space<vmem>>
    %dma_wait3A_83 = arith.constant 0 : i32
    %dma_wait3A_84 = arith.constant 0 : i32
    %dma_wait3A_85 = tpu.memref_slice %arg20[%dma_wait3A_83, %dma_wait3A_84] : memref<10240x64xf32, #tpu.memory_space<vmem_shared>> -> memref<10240x64xf32, #tpu.memory_space<vmem_shared>>
    tpu.wait_indirect_dma semaphore(%arg30 : memref<!tpu.dma_semaphore, #tpu.memory_space<semaphore_mem>>) src(%arg15 : memref<128x64xf32, #tpu.memory_space<vmem>>) dst(%dma_wait3A_85 : memref<10240x64xf32, #tpu.memory_space<vmem_shared>>)
    %dma_wait3A_86 = arith.constant 9984 : i32
    %dma_wait3A_87 = tpu.memref_slice %arg11[%dma_wait3A_86] : memref<10240xi32, #tpu.memory_space<vmem>> -> memref<128xi32, #tpu.memory_space<vmem>>
    %dma_wait3A_88 = arith.constant 0 : i32
    %dma_wait3A_89 = arith.constant 0 : i32
    %dma_wait3A_90 = tpu.memref_slice %arg21[%dma_wait3A_88, %dma_wait3A_89] : memref<10240x16xf32, #tpu.memory_space<vmem_shared>> -> memref<10240x16xf32, #tpu.memory_space<vmem_shared>>
    tpu.wait_indirect_dma semaphore(%arg35 : memref<!tpu.dma_semaphore, #tpu.memory_space<semaphore_mem>>) src(%arg18 : memref<128x16xf32, #tpu.memory_space<vmem>>) dst(%dma_wait3A_90 : memref<10240x16xf32, #tpu.memory_space<vmem_shared>>)
    %dma_wait3A_91 = arith.constant 10112 : i32
    %dma_wait3A_92 = tpu.memref_slice %arg11[%dma_wait3A_91] : memref<10240xi32, #tpu.memory_space<vmem>> -> memref<128xi32, #tpu.memory_space<vmem>>
    %dma_wait3A_93 = arith.constant 0 : i32
    %dma_wait3A_94 = arith.constant 0 : i32
    %dma_wait3A_95 = tpu.memref_slice %arg20[%dma_wait3A_93, %dma_wait3A_94] : memref<10240x64xf32, #tpu.memory_space<vmem_shared>> -> memref<10240x64xf32, #tpu.memory_space<vmem_shared>>
    tpu.wait_indirect_dma semaphore(%arg31 : memref<!tpu.dma_semaphore, #tpu.memory_space<semaphore_mem>>) src(%arg16 : memref<128x64xf32, #tpu.memory_space<vmem>>) dst(%dma_wait3A_95 : memref<10240x64xf32, #tpu.memory_space<vmem_shared>>)
    %dma_wait3A_96 = arith.constant 10112 : i32
    %dma_wait3A_97 = tpu.memref_slice %arg11[%dma_wait3A_96] : memref<10240xi32, #tpu.memory_space<vmem>> -> memref<128xi32, #tpu.memory_space<vmem>>
    %dma_wait3A_98 = arith.constant 0 : i32
    %dma_wait3A_99 = arith.constant 0 : i32
    %dma_wait3A_100 = tpu.memref_slice %arg21[%dma_wait3A_98, %dma_wait3A_99] : memref<10240x16xf32, #tpu.memory_space<vmem_shared>> -> memref<10240x16xf32, #tpu.memory_space<vmem_shared>>
    tpu.wait_indirect_dma semaphore(%arg36 : memref<!tpu.dma_semaphore, #tpu.memory_space<semaphore_mem>>) src(%arg18 : memref<128x16xf32, #tpu.memory_space<vmem>>) dst(%dma_wait3A_100 : memref<10240x16xf32, #tpu.memory_space<vmem_shared>>)
    %barrier3A_101 = arith.constant 0 : index
    tpu.barrier barrier_id(%barrier3A_101)
    %mul3A_102 = arith.constant 640 : i32
    %mul3A_103 = arith.muli %arg1, %mul3A_102 : i32
    %add3A_104 = arith.constant 0 : i32
    %add3A_105 = arith.addi %mul3A_103, %add3A_104 : i32
    "tpu.region"() ({
      %run_scoped3A = tpu.sem_alloc : memref<!tpu.dma_semaphore, #tpu.memory_space<semaphore_mem>>
      %dma_start3A_122 = arith.constant 0 : i32
      %dma_start3A_123 = tpu.memref_slice %arg20[%add3A_105, %dma_start3A_122] : memref<10240x64xf32, #tpu.memory_space<vmem_shared>> -> memref<128x64xf32, #tpu.memory_space<vmem_shared>>
      %dma_start3A_124 = arith.constant 0 : i32
      %dma_start3A_125 = tpu.memref_slice %arg20[%add3A_105, %dma_start3A_124] : memref<10240x64xf32, #tpu.memory_space<vmem_shared>> -> memref<128x64xf32, #tpu.memory_space<vmem_shared>>
      tpu.enqueue_dma source(%dma_start3A_125 : memref<128x64xf32, #tpu.memory_space<vmem_shared>>) target(%arg17 : memref<128x64xf32, #tpu.memory_space<vmem>>) target_semaphore(%run_scoped3A : memref<!tpu.dma_semaphore, #tpu.memory_space<semaphore_mem>>)
      %dma_wait3A_126 = arith.constant 0 : i32
      %dma_wait3A_127 = tpu.memref_slice %arg20[%add3A_105, %dma_wait3A_126] : memref<10240x64xf32, #tpu.memory_space<vmem_shared>> -> memref<128x64xf32, #tpu.memory_space<vmem_shared>>
      %dma_wait3A_128 = arith.constant 0 : i32
      %dma_wait3A_129 = tpu.memref_slice %arg20[%add3A_105, %dma_wait3A_128] : memref<10240x64xf32, #tpu.memory_space<vmem_shared>> -> memref<128x64xf32, #tpu.memory_space<vmem_shared>>
      tpu.wait_dma2 semaphore(%run_scoped3A : memref<!tpu.dma_semaphore, #tpu.memory_space<semaphore_mem>>) src(%dma_wait3A_129 : memref<128x64xf32, #tpu.memory_space<vmem_shared>>) dst(%arg17 : memref<128x64xf32, #tpu.memory_space<vmem>>)
      tpu.yield
    }) : () -> ()
    "tpu.region"() ({
      %run_scoped3A = tpu.sem_alloc : memref<!tpu.dma_semaphore, #tpu.memory_space<semaphore_mem>>
      %dma_start3A_122 = arith.constant 0 : i32
      %dma_start3A_123 = tpu.memref_slice %arg8[%arg0, %add3A_105, %dma_start3A_122] : memref<2x10240x64xf32, #tpu.memory_space<hbm>> -> memref<1x128x64xf32, #tpu.memory_space<hbm>>
      %dma_start3A_124 = tpu.memref_squeeze %dma_start3A_123 : memref<1x128x64xf32, #tpu.memory_space<hbm>> -> memref<128x64xf32, #tpu.memory_space<hbm>>
      %dma_start3A_125 = arith.constant 0 : i32
      %dma_start3A_126 = tpu.memref_slice %arg8[%arg0, %add3A_105, %dma_start3A_125] : memref<2x10240x64xf32, #tpu.memory_space<hbm>> -> memref<1x128x64xf32, #tpu.memory_space<hbm>>
      %dma_start3A_127 = tpu.memref_squeeze %dma_start3A_126 : memref<1x128x64xf32, #tpu.memory_space<hbm>> -> memref<128x64xf32, #tpu.memory_space<hbm>>
      tpu.enqueue_dma source(%arg17 : memref<128x64xf32, #tpu.memory_space<vmem>>) target(%dma_start3A_127 : memref<128x64xf32, #tpu.memory_space<hbm>>) target_semaphore(%run_scoped3A : memref<!tpu.dma_semaphore, #tpu.memory_space<semaphore_mem>>)
      %dma_wait3A_128 = arith.constant 0 : i32
      %dma_wait3A_129 = tpu.memref_slice %arg8[%arg0, %add3A_105, %dma_wait3A_128] : memref<2x10240x64xf32, #tpu.memory_space<hbm>> -> memref<1x128x64xf32, #tpu.memory_space<hbm>>
      %dma_wait3A_130 = tpu.memref_squeeze %dma_wait3A_129 : memref<1x128x64xf32, #tpu.memory_space<hbm>> -> memref<128x64xf32, #tpu.memory_space<hbm>>
      %dma_wait3A_131 = arith.constant 0 : i32
      %dma_wait3A_132 = tpu.memref_slice %arg8[%arg0, %add3A_105, %dma_wait3A_131] : memref<2x10240x64xf32, #tpu.memory_space<hbm>> -> memref<1x128x64xf32, #tpu.memory_space<hbm>>
      %dma_wait3A_133 = tpu.memref_squeeze %dma_wait3A_132 : memref<1x128x64xf32, #tpu.memory_space<hbm>> -> memref<128x64xf32, #tpu.memory_space<hbm>>
      tpu.wait_dma2 semaphore(%run_scoped3A : memref<!tpu.dma_semaphore, #tpu.memory_space<semaphore_mem>>) src(%arg17 : memref<128x64xf32, #tpu.memory_space<vmem>>) dst(%dma_wait3A_133 : memref<128x64xf32, #tpu.memory_space<hbm>>)
      tpu.yield
    }) : () -> ()
    "tpu.region"() ({
      %run_scoped3A = tpu.sem_alloc : memref<!tpu.dma_semaphore, #tpu.memory_space<semaphore_mem>>
      %dma_start3A_122 = arith.constant 0 : i32
      %dma_start3A_123 = tpu.memref_slice %arg21[%add3A_105, %dma_start3A_122] : memref<10240x16xf32, #tpu.memory_space<vmem_shared>> -> memref<128x16xf32, #tpu.memory_space<vmem_shared>>
      %dma_start3A_124 = arith.constant 0 : i32
      %dma_start3A_125 = tpu.memref_slice %arg21[%add3A_105, %dma_start3A_124] : memref<10240x16xf32, #tpu.memory_space<vmem_shared>> -> memref<128x16xf32, #tpu.memory_space<vmem_shared>>
      tpu.enqueue_dma source(%dma_start3A_125 : memref<128x16xf32, #tpu.memory_space<vmem_shared>>) target(%arg19 : memref<128x16xf32, #tpu.memory_space<vmem>>) target_semaphore(%run_scoped3A : memref<!tpu.dma_semaphore, #tpu.memory_space<semaphore_mem>>)
      %dma_wait3A_126 = arith.constant 0 : i32
      %dma_wait3A_127 = tpu.memref_slice %arg21[%add3A_105, %dma_wait3A_126] : memref<10240x16xf32, #tpu.memory_space<vmem_shared>> -> memref<128x16xf32, #tpu.memory_space<vmem_shared>>
      %dma_wait3A_128 = arith.constant 0 : i32
      %dma_wait3A_129 = tpu.memref_slice %arg21[%add3A_105, %dma_wait3A_128] : memref<10240x16xf32, #tpu.memory_space<vmem_shared>> -> memref<128x16xf32, #tpu.memory_space<vmem_shared>>
      tpu.wait_dma2 semaphore(%run_scoped3A : memref<!tpu.dma_semaphore, #tpu.memory_space<semaphore_mem>>) src(%dma_wait3A_129 : memref<128x16xf32, #tpu.memory_space<vmem_shared>>) dst(%arg19 : memref<128x16xf32, #tpu.memory_space<vmem>>)
      tpu.yield
    }) : () -> ()
    "tpu.region"() ({
      %run_scoped3A = tpu.sem_alloc : memref<!tpu.dma_semaphore, #tpu.memory_space<semaphore_mem>>
      %dma_start3A_122 = arith.constant 0 : i32
      %dma_start3A_123 = tpu.memref_slice %arg9[%arg0, %add3A_105, %dma_start3A_122] : memref<2x10240x16xf32, #tpu.memory_space<hbm>> -> memref<1x128x16xf32, #tpu.memory_space<hbm>>
      %dma_start3A_124 = tpu.memref_squeeze %dma_start3A_123 : memref<1x128x16xf32, #tpu.memory_space<hbm>> -> memref<128x16xf32, #tpu.memory_space<hbm>>
      %dma_start3A_125 = arith.constant 0 : i32
      %dma_start3A_126 = tpu.memref_slice %arg9[%arg0, %add3A_105, %dma_start3A_125] : memref<2x10240x16xf32, #tpu.memory_space<hbm>> -> memref<1x128x16xf32, #tpu.memory_space<hbm>>
      %dma_start3A_127 = tpu.memref_squeeze %dma_start3A_126 : memref<1x128x16xf32, #tpu.memory_space<hbm>> -> memref<128x16xf32, #tpu.memory_space<hbm>>
      tpu.enqueue_dma source(%arg19 : memref<128x16xf32, #tpu.memory_space<vmem>>) target(%dma_start3A_127 : memref<128x16xf32, #tpu.memory_space<hbm>>) target_semaphore(%run_scoped3A : memref<!tpu.dma_semaphore, #tpu.memory_space<semaphore_mem>>)
      %dma_wait3A_128 = arith.constant 0 : i32
      %dma_wait3A_129 = tpu.memref_slice %arg9[%arg0, %add3A_105, %dma_wait3A_128] : memref<2x10240x16xf32, #tpu.memory_space<hbm>> -> memref<1x128x16xf32, #tpu.memory_space<hbm>>
      %dma_wait3A_130 = tpu.memref_squeeze %dma_wait3A_129 : memref<1x128x16xf32, #tpu.memory_space<hbm>> -> memref<128x16xf32, #tpu.memory_space<hbm>>
      %dma_wait3A_131 = arith.constant 0 : i32
      %dma_wait3A_132 = tpu.memref_slice %arg9[%arg0, %add3A_105, %dma_wait3A_131] : memref<2x10240x16xf32, #tpu.memory_space<hbm>> -> memref<1x128x16xf32, #tpu.memory_space<hbm>>
      %dma_wait3A_133 = tpu.memref_squeeze %dma_wait3A_132 : memref<1x128x16xf32, #tpu.memory_space<hbm>> -> memref<128x16xf32, #tpu.memory_space<hbm>>
      tpu.wait_dma2 semaphore(%run_scoped3A : memref<!tpu.dma_semaphore, #tpu.memory_space<semaphore_mem>>) src(%arg19 : memref<128x16xf32, #tpu.memory_space<vmem>>) dst(%dma_wait3A_133 : memref<128x16xf32, #tpu.memory_space<hbm>>)
      tpu.yield
    }) : () -> ()
    %mul3A_106 = arith.constant 640 : i32
    %mul3A_107 = arith.muli %arg1, %mul3A_106 : i32
    %add3A_108 = arith.constant 128 : i32
    %add3A_109 = arith.addi %mul3A_107, %add3A_108 : i32
    "tpu.region"() ({
      %run_scoped3A = tpu.sem_alloc : memref<!tpu.dma_semaphore, #tpu.memory_space<semaphore_mem>>
      %dma_start3A_122 = arith.constant 0 : i32
      %dma_start3A_123 = tpu.memref_slice %arg20[%add3A_109, %dma_start3A_122] : memref<10240x64xf32, #tpu.memory_space<vmem_shared>> -> memref<128x64xf32, #tpu.memory_space<vmem_shared>>
      %dma_start3A_124 = arith.constant 0 : i32
      %dma_start3A_125 = tpu.memref_slice %arg20[%add3A_109, %dma_start3A_124] : memref<10240x64xf32, #tpu.memory_space<vmem_shared>> -> memref<128x64xf32, #tpu.memory_space<vmem_shared>>
      tpu.enqueue_dma source(%dma_start3A_125 : memref<128x64xf32, #tpu.memory_space<vmem_shared>>) target(%arg17 : memref<128x64xf32, #tpu.memory_space<vmem>>) target_semaphore(%run_scoped3A : memref<!tpu.dma_semaphore, #tpu.memory_space<semaphore_mem>>)
      %dma_wait3A_126 = arith.constant 0 : i32
      %dma_wait3A_127 = tpu.memref_slice %arg20[%add3A_109, %dma_wait3A_126] : memref<10240x64xf32, #tpu.memory_space<vmem_shared>> -> memref<128x64xf32, #tpu.memory_space<vmem_shared>>
      %dma_wait3A_128 = arith.constant 0 : i32
      %dma_wait3A_129 = tpu.memref_slice %arg20[%add3A_109, %dma_wait3A_128] : memref<10240x64xf32, #tpu.memory_space<vmem_shared>> -> memref<128x64xf32, #tpu.memory_space<vmem_shared>>
      tpu.wait_dma2 semaphore(%run_scoped3A : memref<!tpu.dma_semaphore, #tpu.memory_space<semaphore_mem>>) src(%dma_wait3A_129 : memref<128x64xf32, #tpu.memory_space<vmem_shared>>) dst(%arg17 : memref<128x64xf32, #tpu.memory_space<vmem>>)
      tpu.yield
    }) : () -> ()
    "tpu.region"() ({
      %run_scoped3A = tpu.sem_alloc : memref<!tpu.dma_semaphore, #tpu.memory_space<semaphore_mem>>
      %dma_start3A_122 = arith.constant 0 : i32
      %dma_start3A_123 = tpu.memref_slice %arg8[%arg0, %add3A_109, %dma_start3A_122] : memref<2x10240x64xf32, #tpu.memory_space<hbm>> -> memref<1x128x64xf32, #tpu.memory_space<hbm>>
      %dma_start3A_124 = tpu.memref_squeeze %dma_start3A_123 : memref<1x128x64xf32, #tpu.memory_space<hbm>> -> memref<128x64xf32, #tpu.memory_space<hbm>>
      %dma_start3A_125 = arith.constant 0 : i32
      %dma_start3A_126 = tpu.memref_slice %arg8[%arg0, %add3A_109, %dma_start3A_125] : memref<2x10240x64xf32, #tpu.memory_space<hbm>> -> memref<1x128x64xf32, #tpu.memory_space<hbm>>
      %dma_start3A_127 = tpu.memref_squeeze %dma_start3A_126 : memref<1x128x64xf32, #tpu.memory_space<hbm>> -> memref<128x64xf32, #tpu.memory_space<hbm>>
      tpu.enqueue_dma source(%arg17 : memref<128x64xf32, #tpu.memory_space<vmem>>) target(%dma_start3A_127 : memref<128x64xf32, #tpu.memory_space<hbm>>) target_semaphore(%run_scoped3A : memref<!tpu.dma_semaphore, #tpu.memory_space<semaphore_mem>>)
      %dma_wait3A_128 = arith.constant 0 : i32
      %dma_wait3A_129 = tpu.memref_slice %arg8[%arg0, %add3A_109, %dma_wait3A_128] : memref<2x10240x64xf32, #tpu.memory_space<hbm>> -> memref<1x128x64xf32, #tpu.memory_space<hbm>>
      %dma_wait3A_130 = tpu.memref_squeeze %dma_wait3A_129 : memref<1x128x64xf32, #tpu.memory_space<hbm>> -> memref<128x64xf32, #tpu.memory_space<hbm>>
      %dma_wait3A_131 = arith.constant 0 : i32
      %dma_wait3A_132 = tpu.memref_slice %arg8[%arg0, %add3A_109, %dma_wait3A_131] : memref<2x10240x64xf32, #tpu.memory_space<hbm>> -> memref<1x128x64xf32, #tpu.memory_space<hbm>>
      %dma_wait3A_133 = tpu.memref_squeeze %dma_wait3A_132 : memref<1x128x64xf32, #tpu.memory_space<hbm>> -> memref<128x64xf32, #tpu.memory_space<hbm>>
      tpu.wait_dma2 semaphore(%run_scoped3A : memref<!tpu.dma_semaphore, #tpu.memory_space<semaphore_mem>>) src(%arg17 : memref<128x64xf32, #tpu.memory_space<vmem>>) dst(%dma_wait3A_133 : memref<128x64xf32, #tpu.memory_space<hbm>>)
      tpu.yield
    }) : () -> ()
    "tpu.region"() ({
      %run_scoped3A = tpu.sem_alloc : memref<!tpu.dma_semaphore, #tpu.memory_space<semaphore_mem>>
      %dma_start3A_122 = arith.constant 0 : i32
      %dma_start3A_123 = tpu.memref_slice %arg21[%add3A_109, %dma_start3A_122] : memref<10240x16xf32, #tpu.memory_space<vmem_shared>> -> memref<128x16xf32, #tpu.memory_space<vmem_shared>>
      %dma_start3A_124 = arith.constant 0 : i32
      %dma_start3A_125 = tpu.memref_slice %arg21[%add3A_109, %dma_start3A_124] : memref<10240x16xf32, #tpu.memory_space<vmem_shared>> -> memref<128x16xf32, #tpu.memory_space<vmem_shared>>
      tpu.enqueue_dma source(%dma_start3A_125 : memref<128x16xf32, #tpu.memory_space<vmem_shared>>) target(%arg19 : memref<128x16xf32, #tpu.memory_space<vmem>>) target_semaphore(%run_scoped3A : memref<!tpu.dma_semaphore, #tpu.memory_space<semaphore_mem>>)
      %dma_wait3A_126 = arith.constant 0 : i32
      %dma_wait3A_127 = tpu.memref_slice %arg21[%add3A_109, %dma_wait3A_126] : memref<10240x16xf32, #tpu.memory_space<vmem_shared>> -> memref<128x16xf32, #tpu.memory_space<vmem_shared>>
      %dma_wait3A_128 = arith.constant 0 : i32
      %dma_wait3A_129 = tpu.memref_slice %arg21[%add3A_109, %dma_wait3A_128] : memref<10240x16xf32, #tpu.memory_space<vmem_shared>> -> memref<128x16xf32, #tpu.memory_space<vmem_shared>>
      tpu.wait_dma2 semaphore(%run_scoped3A : memref<!tpu.dma_semaphore, #tpu.memory_space<semaphore_mem>>) src(%dma_wait3A_129 : memref<128x16xf32, #tpu.memory_space<vmem_shared>>) dst(%arg19 : memref<128x16xf32, #tpu.memory_space<vmem>>)
      tpu.yield
    }) : () -> ()
    "tpu.region"() ({
      %run_scoped3A = tpu.sem_alloc : memref<!tpu.dma_semaphore, #tpu.memory_space<semaphore_mem>>
      %dma_start3A_122 = arith.constant 0 : i32
      %dma_start3A_123 = tpu.memref_slice %arg9[%arg0, %add3A_109, %dma_start3A_122] : memref<2x10240x16xf32, #tpu.memory_space<hbm>> -> memref<1x128x16xf32, #tpu.memory_space<hbm>>
      %dma_start3A_124 = tpu.memref_squeeze %dma_start3A_123 : memref<1x128x16xf32, #tpu.memory_space<hbm>> -> memref<128x16xf32, #tpu.memory_space<hbm>>
      %dma_start3A_125 = arith.constant 0 : i32
      %dma_start3A_126 = tpu.memref_slice %arg9[%arg0, %add3A_109, %dma_start3A_125] : memref<2x10240x16xf32, #tpu.memory_space<hbm>> -> memref<1x128x16xf32, #tpu.memory_space<hbm>>
      %dma_start3A_127 = tpu.memref_squeeze %dma_start3A_126 : memref<1x128x16xf32, #tpu.memory_space<hbm>> -> memref<128x16xf32, #tpu.memory_space<hbm>>
      tpu.enqueue_dma source(%arg19 : memref<128x16xf32, #tpu.memory_space<vmem>>) target(%dma_start3A_127 : memref<128x16xf32, #tpu.memory_space<hbm>>) target_semaphore(%run_scoped3A : memref<!tpu.dma_semaphore, #tpu.memory_space<semaphore_mem>>)
      %dma_wait3A_128 = arith.constant 0 : i32
      %dma_wait3A_129 = tpu.memref_slice %arg9[%arg0, %add3A_109, %dma_wait3A_128] : memref<2x10240x16xf32, #tpu.memory_space<hbm>> -> memref<1x128x16xf32, #tpu.memory_space<hbm>>
      %dma_wait3A_130 = tpu.memref_squeeze %dma_wait3A_129 : memref<1x128x16xf32, #tpu.memory_space<hbm>> -> memref<128x16xf32, #tpu.memory_space<hbm>>
      %dma_wait3A_131 = arith.constant 0 : i32
      %dma_wait3A_132 = tpu.memref_slice %arg9[%arg0, %add3A_109, %dma_wait3A_131] : memref<2x10240x16xf32, #tpu.memory_space<hbm>> -> memref<1x128x16xf32, #tpu.memory_space<hbm>>
      %dma_wait3A_133 = tpu.memref_squeeze %dma_wait3A_132 : memref<1x128x16xf32, #tpu.memory_space<hbm>> -> memref<128x16xf32, #tpu.memory_space<hbm>>
      tpu.wait_dma2 semaphore(%run_scoped3A : memref<!tpu.dma_semaphore, #tpu.memory_space<semaphore_mem>>) src(%arg19 : memref<128x16xf32, #tpu.memory_space<vmem>>) dst(%dma_wait3A_133 : memref<128x16xf32, #tpu.memory_space<hbm>>)
      tpu.yield
    }) : () -> ()
    %mul3A_110 = arith.constant 640 : i32
    %mul3A_111 = arith.muli %arg1, %mul3A_110 : i32
    %add3A_112 = arith.constant 256 : i32
    %add3A_113 = arith.addi %mul3A_111, %add3A_112 : i32
    "tpu.region"() ({
      %run_scoped3A = tpu.sem_alloc : memref<!tpu.dma_semaphore, #tpu.memory_space<semaphore_mem>>
      %dma_start3A_122 = arith.constant 0 : i32
      %dma_start3A_123 = tpu.memref_slice %arg20[%add3A_113, %dma_start3A_122] : memref<10240x64xf32, #tpu.memory_space<vmem_shared>> -> memref<128x64xf32, #tpu.memory_space<vmem_shared>>
      %dma_start3A_124 = arith.constant 0 : i32
      %dma_start3A_125 = tpu.memref_slice %arg20[%add3A_113, %dma_start3A_124] : memref<10240x64xf32, #tpu.memory_space<vmem_shared>> -> memref<128x64xf32, #tpu.memory_space<vmem_shared>>
      tpu.enqueue_dma source(%dma_start3A_125 : memref<128x64xf32, #tpu.memory_space<vmem_shared>>) target(%arg17 : memref<128x64xf32, #tpu.memory_space<vmem>>) target_semaphore(%run_scoped3A : memref<!tpu.dma_semaphore, #tpu.memory_space<semaphore_mem>>)
      %dma_wait3A_126 = arith.constant 0 : i32
      %dma_wait3A_127 = tpu.memref_slice %arg20[%add3A_113, %dma_wait3A_126] : memref<10240x64xf32, #tpu.memory_space<vmem_shared>> -> memref<128x64xf32, #tpu.memory_space<vmem_shared>>
      %dma_wait3A_128 = arith.constant 0 : i32
      %dma_wait3A_129 = tpu.memref_slice %arg20[%add3A_113, %dma_wait3A_128] : memref<10240x64xf32, #tpu.memory_space<vmem_shared>> -> memref<128x64xf32, #tpu.memory_space<vmem_shared>>
      tpu.wait_dma2 semaphore(%run_scoped3A : memref<!tpu.dma_semaphore, #tpu.memory_space<semaphore_mem>>) src(%dma_wait3A_129 : memref<128x64xf32, #tpu.memory_space<vmem_shared>>) dst(%arg17 : memref<128x64xf32, #tpu.memory_space<vmem>>)
      tpu.yield
    }) : () -> ()
    "tpu.region"() ({
      %run_scoped3A = tpu.sem_alloc : memref<!tpu.dma_semaphore, #tpu.memory_space<semaphore_mem>>
      %dma_start3A_122 = arith.constant 0 : i32
      %dma_start3A_123 = tpu.memref_slice %arg8[%arg0, %add3A_113, %dma_start3A_122] : memref<2x10240x64xf32, #tpu.memory_space<hbm>> -> memref<1x128x64xf32, #tpu.memory_space<hbm>>
      %dma_start3A_124 = tpu.memref_squeeze %dma_start3A_123 : memref<1x128x64xf32, #tpu.memory_space<hbm>> -> memref<128x64xf32, #tpu.memory_space<hbm>>
      %dma_start3A_125 = arith.constant 0 : i32
      %dma_start3A_126 = tpu.memref_slice %arg8[%arg0, %add3A_113, %dma_start3A_125] : memref<2x10240x64xf32, #tpu.memory_space<hbm>> -> memref<1x128x64xf32, #tpu.memory_space<hbm>>
      %dma_start3A_127 = tpu.memref_squeeze %dma_start3A_126 : memref<1x128x64xf32, #tpu.memory_space<hbm>> -> memref<128x64xf32, #tpu.memory_space<hbm>>
      tpu.enqueue_dma source(%arg17 : memref<128x64xf32, #tpu.memory_space<vmem>>) target(%dma_start3A_127 : memref<128x64xf32, #tpu.memory_space<hbm>>) target_semaphore(%run_scoped3A : memref<!tpu.dma_semaphore, #tpu.memory_space<semaphore_mem>>)
      %dma_wait3A_128 = arith.constant 0 : i32
      %dma_wait3A_129 = tpu.memref_slice %arg8[%arg0, %add3A_113, %dma_wait3A_128] : memref<2x10240x64xf32, #tpu.memory_space<hbm>> -> memref<1x128x64xf32, #tpu.memory_space<hbm>>
      %dma_wait3A_130 = tpu.memref_squeeze %dma_wait3A_129 : memref<1x128x64xf32, #tpu.memory_space<hbm>> -> memref<128x64xf32, #tpu.memory_space<hbm>>
      %dma_wait3A_131 = arith.constant 0 : i32
      %dma_wait3A_132 = tpu.memref_slice %arg8[%arg0, %add3A_113, %dma_wait3A_131] : memref<2x10240x64xf32, #tpu.memory_space<hbm>> -> memref<1x128x64xf32, #tpu.memory_space<hbm>>
      %dma_wait3A_133 = tpu.memref_squeeze %dma_wait3A_132 : memref<1x128x64xf32, #tpu.memory_space<hbm>> -> memref<128x64xf32, #tpu.memory_space<hbm>>
      tpu.wait_dma2 semaphore(%run_scoped3A : memref<!tpu.dma_semaphore, #tpu.memory_space<semaphore_mem>>) src(%arg17 : memref<128x64xf32, #tpu.memory_space<vmem>>) dst(%dma_wait3A_133 : memref<128x64xf32, #tpu.memory_space<hbm>>)
      tpu.yield
    }) : () -> ()
    "tpu.region"() ({
      %run_scoped3A = tpu.sem_alloc : memref<!tpu.dma_semaphore, #tpu.memory_space<semaphore_mem>>
      %dma_start3A_122 = arith.constant 0 : i32
      %dma_start3A_123 = tpu.memref_slice %arg21[%add3A_113, %dma_start3A_122] : memref<10240x16xf32, #tpu.memory_space<vmem_shared>> -> memref<128x16xf32, #tpu.memory_space<vmem_shared>>
      %dma_start3A_124 = arith.constant 0 : i32
      %dma_start3A_125 = tpu.memref_slice %arg21[%add3A_113, %dma_start3A_124] : memref<10240x16xf32, #tpu.memory_space<vmem_shared>> -> memref<128x16xf32, #tpu.memory_space<vmem_shared>>
      tpu.enqueue_dma source(%dma_start3A_125 : memref<128x16xf32, #tpu.memory_space<vmem_shared>>) target(%arg19 : memref<128x16xf32, #tpu.memory_space<vmem>>) target_semaphore(%run_scoped3A : memref<!tpu.dma_semaphore, #tpu.memory_space<semaphore_mem>>)
      %dma_wait3A_126 = arith.constant 0 : i32
      %dma_wait3A_127 = tpu.memref_slice %arg21[%add3A_113, %dma_wait3A_126] : memref<10240x16xf32, #tpu.memory_space<vmem_shared>> -> memref<128x16xf32, #tpu.memory_space<vmem_shared>>
      %dma_wait3A_128 = arith.constant 0 : i32
      %dma_wait3A_129 = tpu.memref_slice %arg21[%add3A_113, %dma_wait3A_128] : memref<10240x16xf32, #tpu.memory_space<vmem_shared>> -> memref<128x16xf32, #tpu.memory_space<vmem_shared>>
      tpu.wait_dma2 semaphore(%run_scoped3A : memref<!tpu.dma_semaphore, #tpu.memory_space<semaphore_mem>>) src(%dma_wait3A_129 : memref<128x16xf32, #tpu.memory_space<vmem_shared>>) dst(%arg19 : memref<128x16xf32, #tpu.memory_space<vmem>>)
      tpu.yield
    }) : () -> ()
    "tpu.region"() ({
      %run_scoped3A = tpu.sem_alloc : memref<!tpu.dma_semaphore, #tpu.memory_space<semaphore_mem>>
      %dma_start3A_122 = arith.constant 0 : i32
      %dma_start3A_123 = tpu.memref_slice %arg9[%arg0, %add3A_113, %dma_start3A_122] : memref<2x10240x16xf32, #tpu.memory_space<hbm>> -> memref<1x128x16xf32, #tpu.memory_space<hbm>>
      %dma_start3A_124 = tpu.memref_squeeze %dma_start3A_123 : memref<1x128x16xf32, #tpu.memory_space<hbm>> -> memref<128x16xf32, #tpu.memory_space<hbm>>
      %dma_start3A_125 = arith.constant 0 : i32
      %dma_start3A_126 = tpu.memref_slice %arg9[%arg0, %add3A_113, %dma_start3A_125] : memref<2x10240x16xf32, #tpu.memory_space<hbm>> -> memref<1x128x16xf32, #tpu.memory_space<hbm>>
      %dma_start3A_127 = tpu.memref_squeeze %dma_start3A_126 : memref<1x128x16xf32, #tpu.memory_space<hbm>> -> memref<128x16xf32, #tpu.memory_space<hbm>>
      tpu.enqueue_dma source(%arg19 : memref<128x16xf32, #tpu.memory_space<vmem>>) target(%dma_start3A_127 : memref<128x16xf32, #tpu.memory_space<hbm>>) target_semaphore(%run_scoped3A : memref<!tpu.dma_semaphore, #tpu.memory_space<semaphore_mem>>)
      %dma_wait3A_128 = arith.constant 0 : i32
      %dma_wait3A_129 = tpu.memref_slice %arg9[%arg0, %add3A_113, %dma_wait3A_128] : memref<2x10240x16xf32, #tpu.memory_space<hbm>> -> memref<1x128x16xf32, #tpu.memory_space<hbm>>
      %dma_wait3A_130 = tpu.memref_squeeze %dma_wait3A_129 : memref<1x128x16xf32, #tpu.memory_space<hbm>> -> memref<128x16xf32, #tpu.memory_space<hbm>>
      %dma_wait3A_131 = arith.constant 0 : i32
      %dma_wait3A_132 = tpu.memref_slice %arg9[%arg0, %add3A_113, %dma_wait3A_131] : memref<2x10240x16xf32, #tpu.memory_space<hbm>> -> memref<1x128x16xf32, #tpu.memory_space<hbm>>
      %dma_wait3A_133 = tpu.memref_squeeze %dma_wait3A_132 : memref<1x128x16xf32, #tpu.memory_space<hbm>> -> memref<128x16xf32, #tpu.memory_space<hbm>>
      tpu.wait_dma2 semaphore(%run_scoped3A : memref<!tpu.dma_semaphore, #tpu.memory_space<semaphore_mem>>) src(%arg19 : memref<128x16xf32, #tpu.memory_space<vmem>>) dst(%dma_wait3A_133 : memref<128x16xf32, #tpu.memory_space<hbm>>)
      tpu.yield
    }) : () -> ()
    %mul3A_114 = arith.constant 640 : i32
    %mul3A_115 = arith.muli %arg1, %mul3A_114 : i32
    %add3A_116 = arith.constant 384 : i32
    %add3A_117 = arith.addi %mul3A_115, %add3A_116 : i32
    "tpu.region"() ({
      %run_scoped3A = tpu.sem_alloc : memref<!tpu.dma_semaphore, #tpu.memory_space<semaphore_mem>>
      %dma_start3A_122 = arith.constant 0 : i32
      %dma_start3A_123 = tpu.memref_slice %arg20[%add3A_117, %dma_start3A_122] : memref<10240x64xf32, #tpu.memory_space<vmem_shared>> -> memref<128x64xf32, #tpu.memory_space<vmem_shared>>
      %dma_start3A_124 = arith.constant 0 : i32
      %dma_start3A_125 = tpu.memref_slice %arg20[%add3A_117, %dma_start3A_124] : memref<10240x64xf32, #tpu.memory_space<vmem_shared>> -> memref<128x64xf32, #tpu.memory_space<vmem_shared>>
      tpu.enqueue_dma source(%dma_start3A_125 : memref<128x64xf32, #tpu.memory_space<vmem_shared>>) target(%arg17 : memref<128x64xf32, #tpu.memory_space<vmem>>) target_semaphore(%run_scoped3A : memref<!tpu.dma_semaphore, #tpu.memory_space<semaphore_mem>>)
      %dma_wait3A_126 = arith.constant 0 : i32
      %dma_wait3A_127 = tpu.memref_slice %arg20[%add3A_117, %dma_wait3A_126] : memref<10240x64xf32, #tpu.memory_space<vmem_shared>> -> memref<128x64xf32, #tpu.memory_space<vmem_shared>>
      %dma_wait3A_128 = arith.constant 0 : i32
      %dma_wait3A_129 = tpu.memref_slice %arg20[%add3A_117, %dma_wait3A_128] : memref<10240x64xf32, #tpu.memory_space<vmem_shared>> -> memref<128x64xf32, #tpu.memory_space<vmem_shared>>
      tpu.wait_dma2 semaphore(%run_scoped3A : memref<!tpu.dma_semaphore, #tpu.memory_space<semaphore_mem>>) src(%dma_wait3A_129 : memref<128x64xf32, #tpu.memory_space<vmem_shared>>) dst(%arg17 : memref<128x64xf32, #tpu.memory_space<vmem>>)
      tpu.yield
    }) : () -> ()
    "tpu.region"() ({
      %run_scoped3A = tpu.sem_alloc : memref<!tpu.dma_semaphore, #tpu.memory_space<semaphore_mem>>
      %dma_start3A_122 = arith.constant 0 : i32
      %dma_start3A_123 = tpu.memref_slice %arg8[%arg0, %add3A_117, %dma_start3A_122] : memref<2x10240x64xf32, #tpu.memory_space<hbm>> -> memref<1x128x64xf32, #tpu.memory_space<hbm>>
      %dma_start3A_124 = tpu.memref_squeeze %dma_start3A_123 : memref<1x128x64xf32, #tpu.memory_space<hbm>> -> memref<128x64xf32, #tpu.memory_space<hbm>>
      %dma_start3A_125 = arith.constant 0 : i32
      %dma_start3A_126 = tpu.memref_slice %arg8[%arg0, %add3A_117, %dma_start3A_125] : memref<2x10240x64xf32, #tpu.memory_space<hbm>> -> memref<1x128x64xf32, #tpu.memory_space<hbm>>
      %dma_start3A_127 = tpu.memref_squeeze %dma_start3A_126 : memref<1x128x64xf32, #tpu.memory_space<hbm>> -> memref<128x64xf32, #tpu.memory_space<hbm>>
      tpu.enqueue_dma source(%arg17 : memref<128x64xf32, #tpu.memory_space<vmem>>) target(%dma_start3A_127 : memref<128x64xf32, #tpu.memory_space<hbm>>) target_semaphore(%run_scoped3A : memref<!tpu.dma_semaphore, #tpu.memory_space<semaphore_mem>>)
      %dma_wait3A_128 = arith.constant 0 : i32
      %dma_wait3A_129 = tpu.memref_slice %arg8[%arg0, %add3A_117, %dma_wait3A_128] : memref<2x10240x64xf32, #tpu.memory_space<hbm>> -> memref<1x128x64xf32, #tpu.memory_space<hbm>>
      %dma_wait3A_130 = tpu.memref_squeeze %dma_wait3A_129 : memref<1x128x64xf32, #tpu.memory_space<hbm>> -> memref<128x64xf32, #tpu.memory_space<hbm>>
      %dma_wait3A_131 = arith.constant 0 : i32
      %dma_wait3A_132 = tpu.memref_slice %arg8[%arg0, %add3A_117, %dma_wait3A_131] : memref<2x10240x64xf32, #tpu.memory_space<hbm>> -> memref<1x128x64xf32, #tpu.memory_space<hbm>>
      %dma_wait3A_133 = tpu.memref_squeeze %dma_wait3A_132 : memref<1x128x64xf32, #tpu.memory_space<hbm>> -> memref<128x64xf32, #tpu.memory_space<hbm>>
      tpu.wait_dma2 semaphore(%run_scoped3A : memref<!tpu.dma_semaphore, #tpu.memory_space<semaphore_mem>>) src(%arg17 : memref<128x64xf32, #tpu.memory_space<vmem>>) dst(%dma_wait3A_133 : memref<128x64xf32, #tpu.memory_space<hbm>>)
      tpu.yield
    }) : () -> ()
    "tpu.region"() ({
      %run_scoped3A = tpu.sem_alloc : memref<!tpu.dma_semaphore, #tpu.memory_space<semaphore_mem>>
      %dma_start3A_122 = arith.constant 0 : i32
      %dma_start3A_123 = tpu.memref_slice %arg21[%add3A_117, %dma_start3A_122] : memref<10240x16xf32, #tpu.memory_space<vmem_shared>> -> memref<128x16xf32, #tpu.memory_space<vmem_shared>>
      %dma_start3A_124 = arith.constant 0 : i32
      %dma_start3A_125 = tpu.memref_slice %arg21[%add3A_117, %dma_start3A_124] : memref<10240x16xf32, #tpu.memory_space<vmem_shared>> -> memref<128x16xf32, #tpu.memory_space<vmem_shared>>
      tpu.enqueue_dma source(%dma_start3A_125 : memref<128x16xf32, #tpu.memory_space<vmem_shared>>) target(%arg19 : memref<128x16xf32, #tpu.memory_space<vmem>>) target_semaphore(%run_scoped3A : memref<!tpu.dma_semaphore, #tpu.memory_space<semaphore_mem>>)
      %dma_wait3A_126 = arith.constant 0 : i32
      %dma_wait3A_127 = tpu.memref_slice %arg21[%add3A_117, %dma_wait3A_126] : memref<10240x16xf32, #tpu.memory_space<vmem_shared>> -> memref<128x16xf32, #tpu.memory_space<vmem_shared>>
      %dma_wait3A_128 = arith.constant 0 : i32
      %dma_wait3A_129 = tpu.memref_slice %arg21[%add3A_117, %dma_wait3A_128] : memref<10240x16xf32, #tpu.memory_space<vmem_shared>> -> memref<128x16xf32, #tpu.memory_space<vmem_shared>>
      tpu.wait_dma2 semaphore(%run_scoped3A : memref<!tpu.dma_semaphore, #tpu.memory_space<semaphore_mem>>) src(%dma_wait3A_129 : memref<128x16xf32, #tpu.memory_space<vmem_shared>>) dst(%arg19 : memref<128x16xf32, #tpu.memory_space<vmem>>)
      tpu.yield
    }) : () -> ()
    "tpu.region"() ({
      %run_scoped3A = tpu.sem_alloc : memref<!tpu.dma_semaphore, #tpu.memory_space<semaphore_mem>>
      %dma_start3A_122 = arith.constant 0 : i32
      %dma_start3A_123 = tpu.memref_slice %arg9[%arg0, %add3A_117, %dma_start3A_122] : memref<2x10240x16xf32, #tpu.memory_space<hbm>> -> memref<1x128x16xf32, #tpu.memory_space<hbm>>
      %dma_start3A_124 = tpu.memref_squeeze %dma_start3A_123 : memref<1x128x16xf32, #tpu.memory_space<hbm>> -> memref<128x16xf32, #tpu.memory_space<hbm>>
      %dma_start3A_125 = arith.constant 0 : i32
      %dma_start3A_126 = tpu.memref_slice %arg9[%arg0, %add3A_117, %dma_start3A_125] : memref<2x10240x16xf32, #tpu.memory_space<hbm>> -> memref<1x128x16xf32, #tpu.memory_space<hbm>>
      %dma_start3A_127 = tpu.memref_squeeze %dma_start3A_126 : memref<1x128x16xf32, #tpu.memory_space<hbm>> -> memref<128x16xf32, #tpu.memory_space<hbm>>
      tpu.enqueue_dma source(%arg19 : memref<128x16xf32, #tpu.memory_space<vmem>>) target(%dma_start3A_127 : memref<128x16xf32, #tpu.memory_space<hbm>>) target_semaphore(%run_scoped3A : memref<!tpu.dma_semaphore, #tpu.memory_space<semaphore_mem>>)
      %dma_wait3A_128 = arith.constant 0 : i32
      %dma_wait3A_129 = tpu.memref_slice %arg9[%arg0, %add3A_117, %dma_wait3A_128] : memref<2x10240x16xf32, #tpu.memory_space<hbm>> -> memref<1x128x16xf32, #tpu.memory_space<hbm>>
      %dma_wait3A_130 = tpu.memref_squeeze %dma_wait3A_129 : memref<1x128x16xf32, #tpu.memory_space<hbm>> -> memref<128x16xf32, #tpu.memory_space<hbm>>
      %dma_wait3A_131 = arith.constant 0 : i32
      %dma_wait3A_132 = tpu.memref_slice %arg9[%arg0, %add3A_117, %dma_wait3A_131] : memref<2x10240x16xf32, #tpu.memory_space<hbm>> -> memref<1x128x16xf32, #tpu.memory_space<hbm>>
      %dma_wait3A_133 = tpu.memref_squeeze %dma_wait3A_132 : memref<1x128x16xf32, #tpu.memory_space<hbm>> -> memref<128x16xf32, #tpu.memory_space<hbm>>
      tpu.wait_dma2 semaphore(%run_scoped3A : memref<!tpu.dma_semaphore, #tpu.memory_space<semaphore_mem>>) src(%arg19 : memref<128x16xf32, #tpu.memory_space<vmem>>) dst(%dma_wait3A_133 : memref<128x16xf32, #tpu.memory_space<hbm>>)
      tpu.yield
    }) : () -> ()
    %mul3A_118 = arith.constant 640 : i32
    %mul3A_119 = arith.muli %arg1, %mul3A_118 : i32
    %add3A_120 = arith.constant 512 : i32
    %add3A_121 = arith.addi %mul3A_119, %add3A_120 : i32
    "tpu.region"() ({
      %run_scoped3A = tpu.sem_alloc : memref<!tpu.dma_semaphore, #tpu.memory_space<semaphore_mem>>
      %dma_start3A_122 = arith.constant 0 : i32
      %dma_start3A_123 = tpu.memref_slice %arg20[%add3A_121, %dma_start3A_122] : memref<10240x64xf32, #tpu.memory_space<vmem_shared>> -> memref<128x64xf32, #tpu.memory_space<vmem_shared>>
      %dma_start3A_124 = arith.constant 0 : i32
      %dma_start3A_125 = tpu.memref_slice %arg20[%add3A_121, %dma_start3A_124] : memref<10240x64xf32, #tpu.memory_space<vmem_shared>> -> memref<128x64xf32, #tpu.memory_space<vmem_shared>>
      tpu.enqueue_dma source(%dma_start3A_125 : memref<128x64xf32, #tpu.memory_space<vmem_shared>>) target(%arg17 : memref<128x64xf32, #tpu.memory_space<vmem>>) target_semaphore(%run_scoped3A : memref<!tpu.dma_semaphore, #tpu.memory_space<semaphore_mem>>)
      %dma_wait3A_126 = arith.constant 0 : i32
      %dma_wait3A_127 = tpu.memref_slice %arg20[%add3A_121, %dma_wait3A_126] : memref<10240x64xf32, #tpu.memory_space<vmem_shared>> -> memref<128x64xf32, #tpu.memory_space<vmem_shared>>
      %dma_wait3A_128 = arith.constant 0 : i32
      %dma_wait3A_129 = tpu.memref_slice %arg20[%add3A_121, %dma_wait3A_128] : memref<10240x64xf32, #tpu.memory_space<vmem_shared>> -> memref<128x64xf32, #tpu.memory_space<vmem_shared>>
      tpu.wait_dma2 semaphore(%run_scoped3A : memref<!tpu.dma_semaphore, #tpu.memory_space<semaphore_mem>>) src(%dma_wait3A_129 : memref<128x64xf32, #tpu.memory_space<vmem_shared>>) dst(%arg17 : memref<128x64xf32, #tpu.memory_space<vmem>>)
      tpu.yield
    }) : () -> ()
    "tpu.region"() ({
      %run_scoped3A = tpu.sem_alloc : memref<!tpu.dma_semaphore, #tpu.memory_space<semaphore_mem>>
      %dma_start3A_122 = arith.constant 0 : i32
      %dma_start3A_123 = tpu.memref_slice %arg8[%arg0, %add3A_121, %dma_start3A_122] : memref<2x10240x64xf32, #tpu.memory_space<hbm>> -> memref<1x128x64xf32, #tpu.memory_space<hbm>>
      %dma_start3A_124 = tpu.memref_squeeze %dma_start3A_123 : memref<1x128x64xf32, #tpu.memory_space<hbm>> -> memref<128x64xf32, #tpu.memory_space<hbm>>
      %dma_start3A_125 = arith.constant 0 : i32
      %dma_start3A_126 = tpu.memref_slice %arg8[%arg0, %add3A_121, %dma_start3A_125] : memref<2x10240x64xf32, #tpu.memory_space<hbm>> -> memref<1x128x64xf32, #tpu.memory_space<hbm>>
      %dma_start3A_127 = tpu.memref_squeeze %dma_start3A_126 : memref<1x128x64xf32, #tpu.memory_space<hbm>> -> memref<128x64xf32, #tpu.memory_space<hbm>>
      tpu.enqueue_dma source(%arg17 : memref<128x64xf32, #tpu.memory_space<vmem>>) target(%dma_start3A_127 : memref<128x64xf32, #tpu.memory_space<hbm>>) target_semaphore(%run_scoped3A : memref<!tpu.dma_semaphore, #tpu.memory_space<semaphore_mem>>)
      %dma_wait3A_128 = arith.constant 0 : i32
      %dma_wait3A_129 = tpu.memref_slice %arg8[%arg0, %add3A_121, %dma_wait3A_128] : memref<2x10240x64xf32, #tpu.memory_space<hbm>> -> memref<1x128x64xf32, #tpu.memory_space<hbm>>
      %dma_wait3A_130 = tpu.memref_squeeze %dma_wait3A_129 : memref<1x128x64xf32, #tpu.memory_space<hbm>> -> memref<128x64xf32, #tpu.memory_space<hbm>>
      %dma_wait3A_131 = arith.constant 0 : i32
      %dma_wait3A_132 = tpu.memref_slice %arg8[%arg0, %add3A_121, %dma_wait3A_131] : memref<2x10240x64xf32, #tpu.memory_space<hbm>> -> memref<1x128x64xf32, #tpu.memory_space<hbm>>
      %dma_wait3A_133 = tpu.memref_squeeze %dma_wait3A_132 : memref<1x128x64xf32, #tpu.memory_space<hbm>> -> memref<128x64xf32, #tpu.memory_space<hbm>>
      tpu.wait_dma2 semaphore(%run_scoped3A : memref<!tpu.dma_semaphore, #tpu.memory_space<semaphore_mem>>) src(%arg17 : memref<128x64xf32, #tpu.memory_space<vmem>>) dst(%dma_wait3A_133 : memref<128x64xf32, #tpu.memory_space<hbm>>)
      tpu.yield
    }) : () -> ()
    "tpu.region"() ({
      %run_scoped3A = tpu.sem_alloc : memref<!tpu.dma_semaphore, #tpu.memory_space<semaphore_mem>>
      %dma_start3A_122 = arith.constant 0 : i32
      %dma_start3A_123 = tpu.memref_slice %arg21[%add3A_121, %dma_start3A_122] : memref<10240x16xf32, #tpu.memory_space<vmem_shared>> -> memref<128x16xf32, #tpu.memory_space<vmem_shared>>
      %dma_start3A_124 = arith.constant 0 : i32
      %dma_start3A_125 = tpu.memref_slice %arg21[%add3A_121, %dma_start3A_124] : memref<10240x16xf32, #tpu.memory_space<vmem_shared>> -> memref<128x16xf32, #tpu.memory_space<vmem_shared>>
      tpu.enqueue_dma source(%dma_start3A_125 : memref<128x16xf32, #tpu.memory_space<vmem_shared>>) target(%arg19 : memref<128x16xf32, #tpu.memory_space<vmem>>) target_semaphore(%run_scoped3A : memref<!tpu.dma_semaphore, #tpu.memory_space<semaphore_mem>>)
      %dma_wait3A_126 = arith.constant 0 : i32
      %dma_wait3A_127 = tpu.memref_slice %arg21[%add3A_121, %dma_wait3A_126] : memref<10240x16xf32, #tpu.memory_space<vmem_shared>> -> memref<128x16xf32, #tpu.memory_space<vmem_shared>>
      %dma_wait3A_128 = arith.constant 0 : i32
      %dma_wait3A_129 = tpu.memref_slice %arg21[%add3A_121, %dma_wait3A_128] : memref<10240x16xf32, #tpu.memory_space<vmem_shared>> -> memref<128x16xf32, #tpu.memory_space<vmem_shared>>
      tpu.wait_dma2 semaphore(%run_scoped3A : memref<!tpu.dma_semaphore, #tpu.memory_space<semaphore_mem>>) src(%dma_wait3A_129 : memref<128x16xf32, #tpu.memory_space<vmem_shared>>) dst(%arg19 : memref<128x16xf32, #tpu.memory_space<vmem>>)
      tpu.yield
    }) : () -> ()
    "tpu.region"() ({
      %run_scoped3A = tpu.sem_alloc : memref<!tpu.dma_semaphore, #tpu.memory_space<semaphore_mem>>
      %dma_start3A_122 = arith.constant 0 : i32
      %dma_start3A_123 = tpu.memref_slice %arg9[%arg0, %add3A_121, %dma_start3A_122] : memref<2x10240x16xf32, #tpu.memory_space<hbm>> -> memref<1x128x16xf32, #tpu.memory_space<hbm>>
      %dma_start3A_124 = tpu.memref_squeeze %dma_start3A_123 : memref<1x128x16xf32, #tpu.memory_space<hbm>> -> memref<128x16xf32, #tpu.memory_space<hbm>>
      %dma_start3A_125 = arith.constant 0 : i32
      %dma_start3A_126 = tpu.memref_slice %arg9[%arg0, %add3A_121, %dma_start3A_125] : memref<2x10240x16xf32, #tpu.memory_space<hbm>> -> memref<1x128x16xf32, #tpu.memory_space<hbm>>
      %dma_start3A_127 = tpu.memref_squeeze %dma_start3A_126 : memref<1x128x16xf32, #tpu.memory_space<hbm>> -> memref<128x16xf32, #tpu.memory_space<hbm>>
      tpu.enqueue_dma source(%arg19 : memref<128x16xf32, #tpu.memory_space<vmem>>) target(%dma_start3A_127 : memref<128x16xf32, #tpu.memory_space<hbm>>) target_semaphore(%run_scoped3A : memref<!tpu.dma_semaphore, #tpu.memory_space<semaphore_mem>>)
      %dma_wait3A_128 = arith.constant 0 : i32
      %dma_wait3A_129 = tpu.memref_slice %arg9[%arg0, %add3A_121, %dma_wait3A_128] : memref<2x10240x16xf32, #tpu.memory_space<hbm>> -> memref<1x128x16xf32, #tpu.memory_space<hbm>>
      %dma_wait3A_130 = tpu.memref_squeeze %dma_wait3A_129 : memref<1x128x16xf32, #tpu.memory_space<hbm>> -> memref<128x16xf32, #tpu.memory_space<hbm>>
      %dma_wait3A_131 = arith.constant 0 : i32
      %dma_wait3A_132 = tpu.memref_slice %arg9[%arg0, %add3A_121, %dma_wait3A_131] : memref<2x10240x16xf32, #tpu.memory_space<hbm>> -> memref<1x128x16xf32, #tpu.memory_space<hbm>>
      %dma_wait3A_133 = tpu.memref_squeeze %dma_wait3A_132 : memref<1x128x16xf32, #tpu.memory_space<hbm>> -> memref<128x16xf32, #tpu.memory_space<hbm>>
      tpu.wait_dma2 semaphore(%run_scoped3A : memref<!tpu.dma_semaphore, #tpu.memory_space<semaphore_mem>>) src(%arg19 : memref<128x16xf32, #tpu.memory_space<vmem>>) dst(%dma_wait3A_133 : memref<128x16xf32, #tpu.memory_space<hbm>>)
      tpu.yield
    }) : () -> ()
    return
  }
}

#map = affine_map<(d0, d1) -> (0, 0)>
#map1 = affine_map<(d0, d1) -> (0)>
#map2 = affine_map<(d0, d1) -> (0, 0, 0)>
module attributes {stable_mosaic.version = 14 : i64} {
  func.func @body(%arg0: i32, %arg1: i32, %arg2: memref<10240x16xf32, #tpu.memory_space<hbm>>, %arg3: memref<327680xi32, #tpu.memory_space<hbm>>, %arg4: memref<327680xi32, #tpu.memory_space<hbm>>, %arg5: memref<128x16xf32, #tpu.memory_space<hbm>>, %arg6: memref<2x10240x16xf32, #tpu.memory_space<hbm>>, %arg7: memref<10240xi32, #tpu.memory_space<vmem>>, %arg8: memref<10240xi32, #tpu.memory_space<vmem>>, %arg9: memref<128x16xf32, #tpu.memory_space<vmem>>, %arg10: memref<128x16xf32, #tpu.memory_space<vmem>>, %arg11: memref<128x16xf32, #tpu.memory_space<vmem>>, %arg12: memref<128x16xf32, #tpu.memory_space<vmem>>, %arg13: memref<128x16xf32, #tpu.memory_space<vmem>>, %arg14: memref<128x16xf32, #tpu.memory_space<vmem>>, %arg15: memref<128x16xf32, #tpu.memory_space<vmem>>, %arg16: memref<128x16xf32, #tpu.memory_space<vmem>>, %arg17: memref<128x16xf32, #tpu.memory_space<vmem>>, %arg18: memref<10240x16xf32, #tpu.memory_space<vmem_shared>>, %arg19: memref<!tpu.dma_semaphore, #tpu.memory_space<semaphore_mem>>, %arg20: memref<!tpu.dma_semaphore, #tpu.memory_space<semaphore_mem>>, %arg21: memref<!tpu.dma_semaphore, #tpu.memory_space<semaphore_mem>>, %arg22: memref<!tpu.dma_semaphore, #tpu.memory_space<semaphore_mem>>, %arg23: memref<!tpu.dma_semaphore, #tpu.memory_space<semaphore_mem>>, %arg24: memref<!tpu.dma_semaphore, #tpu.memory_space<semaphore_mem>>, %arg25: memref<!tpu.dma_semaphore, #tpu.memory_space<semaphore_mem>>, %arg26: memref<!tpu.dma_semaphore, #tpu.memory_space<semaphore_mem>>, %arg27: memref<!tpu.dma_semaphore, #tpu.memory_space<semaphore_mem>>, %arg28: memref<!tpu.dma_semaphore, #tpu.memory_space<semaphore_mem>>, %arg29: memref<!tpu.dma_semaphore, #tpu.memory_space<semaphore_mem>>, %arg30: memref<!tpu.dma_semaphore, #tpu.memory_space<semaphore_mem>>, %arg31: memref<!tpu.dma_semaphore, #tpu.memory_space<semaphore_mem>>, %arg32: memref<!tpu.dma_semaphore, #tpu.memory_space<semaphore_mem>>, %arg33: memref<!tpu.dma_semaphore, #tpu.memory_space<semaphore_mem>>, %arg34: memref<!tpu.dma_semaphore, #tpu.memory_space<semaphore_mem>>) attributes {dimension_semantics = [#tpu.dimension_semantics<core_parallel>, #tpu.dimension_semantics<subcore_parallel>], iteration_bounds = array<i64: 2, 16>, scalar_prefetch = 0 : i64, scratch_operands = 28 : i64, tpu.core_type = #tpu.core_type<sc_vector_subcore>, window_params = [{transform_indices = #map}, {transform_indices = #map1}, {transform_indices = #map1}, {transform_indices = #map}, {transform_indices = #map2}]} {
    %mul3A = arith.constant 16 : i32
    %mul3A_0 = arith.muli %arg0, %mul3A : i32
    %add3A = arith.addi %mul3A_0, %arg1 : i32
    "tpu.region"() ({
      %run_scoped3A = tpu.sem_alloc : memref<!tpu.dma_semaphore, #tpu.memory_space<semaphore_mem>>
      tpu.enqueue_dma source(%arg5 : memref<128x16xf32, #tpu.memory_space<hbm>>) target(%arg17 : memref<128x16xf32, #tpu.memory_space<vmem>>) target_semaphore(%run_scoped3A : memref<!tpu.dma_semaphore, #tpu.memory_space<semaphore_mem>>)
      tpu.wait_dma2 semaphore(%run_scoped3A : memref<!tpu.dma_semaphore, #tpu.memory_space<semaphore_mem>>) src(%arg5 : memref<128x16xf32, #tpu.memory_space<hbm>>) dst(%arg17 : memref<128x16xf32, #tpu.memory_space<vmem>>)
      tpu.yield
    }) : () -> ()
    %mul3A_1 = arith.constant 640 : i32
    %mul3A_2 = arith.muli %arg1, %mul3A_1 : i32
    %add3A_3 = arith.constant 0 : i32
    %add3A_4 = arith.addi %mul3A_2, %add3A_3 : i32
    "tpu.region"() ({
      %run_scoped3A = tpu.sem_alloc : memref<!tpu.dma_semaphore, #tpu.memory_space<semaphore_mem>>
      %dma_start3A_127 = arith.constant 0 : i32
      %dma_start3A_128 = tpu.memref_slice %arg18[%add3A_4, %dma_start3A_127] : memref<10240x16xf32, #tpu.memory_space<vmem_shared>> -> memref<128x16xf32, #tpu.memory_space<vmem_shared>>
      %dma_start3A_129 = arith.constant 0 : i32
      %dma_start3A_130 = tpu.memref_slice %arg18[%add3A_4, %dma_start3A_129] : memref<10240x16xf32, #tpu.memory_space<vmem_shared>> -> memref<128x16xf32, #tpu.memory_space<vmem_shared>>
      tpu.enqueue_dma source(%arg17 : memref<128x16xf32, #tpu.memory_space<vmem>>) target(%dma_start3A_130 : memref<128x16xf32, #tpu.memory_space<vmem_shared>>) target_semaphore(%run_scoped3A : memref<!tpu.dma_semaphore, #tpu.memory_space<semaphore_mem>>)
      %dma_wait3A_131 = arith.constant 0 : i32
      %dma_wait3A_132 = tpu.memref_slice %arg18[%add3A_4, %dma_wait3A_131] : memref<10240x16xf32, #tpu.memory_space<vmem_shared>> -> memref<128x16xf32, #tpu.memory_space<vmem_shared>>
      %dma_wait3A_133 = arith.constant 0 : i32
      %dma_wait3A_134 = tpu.memref_slice %arg18[%add3A_4, %dma_wait3A_133] : memref<10240x16xf32, #tpu.memory_space<vmem_shared>> -> memref<128x16xf32, #tpu.memory_space<vmem_shared>>
      tpu.wait_dma2 semaphore(%run_scoped3A : memref<!tpu.dma_semaphore, #tpu.memory_space<semaphore_mem>>) src(%arg17 : memref<128x16xf32, #tpu.memory_space<vmem>>) dst(%dma_wait3A_134 : memref<128x16xf32, #tpu.memory_space<vmem_shared>>)
      tpu.yield
    }) : () -> ()
    %mul3A_5 = arith.constant 640 : i32
    %mul3A_6 = arith.muli %arg1, %mul3A_5 : i32
    %add3A_7 = arith.constant 128 : i32
    %add3A_8 = arith.addi %mul3A_6, %add3A_7 : i32
    "tpu.region"() ({
      %run_scoped3A = tpu.sem_alloc : memref<!tpu.dma_semaphore, #tpu.memory_space<semaphore_mem>>
      %dma_start3A_127 = arith.constant 0 : i32
      %dma_start3A_128 = tpu.memref_slice %arg18[%add3A_8, %dma_start3A_127] : memref<10240x16xf32, #tpu.memory_space<vmem_shared>> -> memref<128x16xf32, #tpu.memory_space<vmem_shared>>
      %dma_start3A_129 = arith.constant 0 : i32
      %dma_start3A_130 = tpu.memref_slice %arg18[%add3A_8, %dma_start3A_129] : memref<10240x16xf32, #tpu.memory_space<vmem_shared>> -> memref<128x16xf32, #tpu.memory_space<vmem_shared>>
      tpu.enqueue_dma source(%arg17 : memref<128x16xf32, #tpu.memory_space<vmem>>) target(%dma_start3A_130 : memref<128x16xf32, #tpu.memory_space<vmem_shared>>) target_semaphore(%run_scoped3A : memref<!tpu.dma_semaphore, #tpu.memory_space<semaphore_mem>>)
      %dma_wait3A_131 = arith.constant 0 : i32
      %dma_wait3A_132 = tpu.memref_slice %arg18[%add3A_8, %dma_wait3A_131] : memref<10240x16xf32, #tpu.memory_space<vmem_shared>> -> memref<128x16xf32, #tpu.memory_space<vmem_shared>>
      %dma_wait3A_133 = arith.constant 0 : i32
      %dma_wait3A_134 = tpu.memref_slice %arg18[%add3A_8, %dma_wait3A_133] : memref<10240x16xf32, #tpu.memory_space<vmem_shared>> -> memref<128x16xf32, #tpu.memory_space<vmem_shared>>
      tpu.wait_dma2 semaphore(%run_scoped3A : memref<!tpu.dma_semaphore, #tpu.memory_space<semaphore_mem>>) src(%arg17 : memref<128x16xf32, #tpu.memory_space<vmem>>) dst(%dma_wait3A_134 : memref<128x16xf32, #tpu.memory_space<vmem_shared>>)
      tpu.yield
    }) : () -> ()
    %mul3A_9 = arith.constant 640 : i32
    %mul3A_10 = arith.muli %arg1, %mul3A_9 : i32
    %add3A_11 = arith.constant 256 : i32
    %add3A_12 = arith.addi %mul3A_10, %add3A_11 : i32
    "tpu.region"() ({
      %run_scoped3A = tpu.sem_alloc : memref<!tpu.dma_semaphore, #tpu.memory_space<semaphore_mem>>
      %dma_start3A_127 = arith.constant 0 : i32
      %dma_start3A_128 = tpu.memref_slice %arg18[%add3A_12, %dma_start3A_127] : memref<10240x16xf32, #tpu.memory_space<vmem_shared>> -> memref<128x16xf32, #tpu.memory_space<vmem_shared>>
      %dma_start3A_129 = arith.constant 0 : i32
      %dma_start3A_130 = tpu.memref_slice %arg18[%add3A_12, %dma_start3A_129] : memref<10240x16xf32, #tpu.memory_space<vmem_shared>> -> memref<128x16xf32, #tpu.memory_space<vmem_shared>>
      tpu.enqueue_dma source(%arg17 : memref<128x16xf32, #tpu.memory_space<vmem>>) target(%dma_start3A_130 : memref<128x16xf32, #tpu.memory_space<vmem_shared>>) target_semaphore(%run_scoped3A : memref<!tpu.dma_semaphore, #tpu.memory_space<semaphore_mem>>)
      %dma_wait3A_131 = arith.constant 0 : i32
      %dma_wait3A_132 = tpu.memref_slice %arg18[%add3A_12, %dma_wait3A_131] : memref<10240x16xf32, #tpu.memory_space<vmem_shared>> -> memref<128x16xf32, #tpu.memory_space<vmem_shared>>
      %dma_wait3A_133 = arith.constant 0 : i32
      %dma_wait3A_134 = tpu.memref_slice %arg18[%add3A_12, %dma_wait3A_133] : memref<10240x16xf32, #tpu.memory_space<vmem_shared>> -> memref<128x16xf32, #tpu.memory_space<vmem_shared>>
      tpu.wait_dma2 semaphore(%run_scoped3A : memref<!tpu.dma_semaphore, #tpu.memory_space<semaphore_mem>>) src(%arg17 : memref<128x16xf32, #tpu.memory_space<vmem>>) dst(%dma_wait3A_134 : memref<128x16xf32, #tpu.memory_space<vmem_shared>>)
      tpu.yield
    }) : () -> ()
    %mul3A_13 = arith.constant 640 : i32
    %mul3A_14 = arith.muli %arg1, %mul3A_13 : i32
    %add3A_15 = arith.constant 384 : i32
    %add3A_16 = arith.addi %mul3A_14, %add3A_15 : i32
    "tpu.region"() ({
      %run_scoped3A = tpu.sem_alloc : memref<!tpu.dma_semaphore, #tpu.memory_space<semaphore_mem>>
      %dma_start3A_127 = arith.constant 0 : i32
      %dma_start3A_128 = tpu.memref_slice %arg18[%add3A_16, %dma_start3A_127] : memref<10240x16xf32, #tpu.memory_space<vmem_shared>> -> memref<128x16xf32, #tpu.memory_space<vmem_shared>>
      %dma_start3A_129 = arith.constant 0 : i32
      %dma_start3A_130 = tpu.memref_slice %arg18[%add3A_16, %dma_start3A_129] : memref<10240x16xf32, #tpu.memory_space<vmem_shared>> -> memref<128x16xf32, #tpu.memory_space<vmem_shared>>
      tpu.enqueue_dma source(%arg17 : memref<128x16xf32, #tpu.memory_space<vmem>>) target(%dma_start3A_130 : memref<128x16xf32, #tpu.memory_space<vmem_shared>>) target_semaphore(%run_scoped3A : memref<!tpu.dma_semaphore, #tpu.memory_space<semaphore_mem>>)
      %dma_wait3A_131 = arith.constant 0 : i32
      %dma_wait3A_132 = tpu.memref_slice %arg18[%add3A_16, %dma_wait3A_131] : memref<10240x16xf32, #tpu.memory_space<vmem_shared>> -> memref<128x16xf32, #tpu.memory_space<vmem_shared>>
      %dma_wait3A_133 = arith.constant 0 : i32
      %dma_wait3A_134 = tpu.memref_slice %arg18[%add3A_16, %dma_wait3A_133] : memref<10240x16xf32, #tpu.memory_space<vmem_shared>> -> memref<128x16xf32, #tpu.memory_space<vmem_shared>>
      tpu.wait_dma2 semaphore(%run_scoped3A : memref<!tpu.dma_semaphore, #tpu.memory_space<semaphore_mem>>) src(%arg17 : memref<128x16xf32, #tpu.memory_space<vmem>>) dst(%dma_wait3A_134 : memref<128x16xf32, #tpu.memory_space<vmem_shared>>)
      tpu.yield
    }) : () -> ()
    %mul3A_17 = arith.constant 640 : i32
    %mul3A_18 = arith.muli %arg1, %mul3A_17 : i32
    %add3A_19 = arith.constant 512 : i32
    %add3A_20 = arith.addi %mul3A_18, %add3A_19 : i32
    "tpu.region"() ({
      %run_scoped3A = tpu.sem_alloc : memref<!tpu.dma_semaphore, #tpu.memory_space<semaphore_mem>>
      %dma_start3A_127 = arith.constant 0 : i32
      %dma_start3A_128 = tpu.memref_slice %arg18[%add3A_20, %dma_start3A_127] : memref<10240x16xf32, #tpu.memory_space<vmem_shared>> -> memref<128x16xf32, #tpu.memory_space<vmem_shared>>
      %dma_start3A_129 = arith.constant 0 : i32
      %dma_start3A_130 = tpu.memref_slice %arg18[%add3A_20, %dma_start3A_129] : memref<10240x16xf32, #tpu.memory_space<vmem_shared>> -> memref<128x16xf32, #tpu.memory_space<vmem_shared>>
      tpu.enqueue_dma source(%arg17 : memref<128x16xf32, #tpu.memory_space<vmem>>) target(%dma_start3A_130 : memref<128x16xf32, #tpu.memory_space<vmem_shared>>) target_semaphore(%run_scoped3A : memref<!tpu.dma_semaphore, #tpu.memory_space<semaphore_mem>>)
      %dma_wait3A_131 = arith.constant 0 : i32
      %dma_wait3A_132 = tpu.memref_slice %arg18[%add3A_20, %dma_wait3A_131] : memref<10240x16xf32, #tpu.memory_space<vmem_shared>> -> memref<128x16xf32, #tpu.memory_space<vmem_shared>>
      %dma_wait3A_133 = arith.constant 0 : i32
      %dma_wait3A_134 = tpu.memref_slice %arg18[%add3A_20, %dma_wait3A_133] : memref<10240x16xf32, #tpu.memory_space<vmem_shared>> -> memref<128x16xf32, #tpu.memory_space<vmem_shared>>
      tpu.wait_dma2 semaphore(%run_scoped3A : memref<!tpu.dma_semaphore, #tpu.memory_space<semaphore_mem>>) src(%arg17 : memref<128x16xf32, #tpu.memory_space<vmem>>) dst(%dma_wait3A_134 : memref<128x16xf32, #tpu.memory_space<vmem_shared>>)
      tpu.yield
    }) : () -> ()
    %barrier3A = arith.constant 0 : index
    tpu.barrier barrier_id(%barrier3A)
    %mul3A_21 = arith.constant 10240 : i32
    %mul3A_22 = arith.muli %add3A, %mul3A_21 : i32
    "tpu.region"() ({
      %run_scoped3A = tpu.sem_alloc : memref<!tpu.dma_semaphore, #tpu.memory_space<semaphore_mem>>
      %dma_start3A_127 = tpu.memref_slice %arg3[%mul3A_22] : memref<327680xi32, #tpu.memory_space<hbm>> -> memref<10240xi32, #tpu.memory_space<hbm>>
      %dma_start3A_128 = tpu.memref_slice %arg3[%mul3A_22] : memref<327680xi32, #tpu.memory_space<hbm>> -> memref<10240xi32, #tpu.memory_space<hbm>>
      tpu.enqueue_dma source(%dma_start3A_128 : memref<10240xi32, #tpu.memory_space<hbm>>) target(%arg7 : memref<10240xi32, #tpu.memory_space<vmem>>) target_semaphore(%run_scoped3A : memref<!tpu.dma_semaphore, #tpu.memory_space<semaphore_mem>>)
      %dma_wait3A_129 = tpu.memref_slice %arg3[%mul3A_22] : memref<327680xi32, #tpu.memory_space<hbm>> -> memref<10240xi32, #tpu.memory_space<hbm>>
      %dma_wait3A_130 = tpu.memref_slice %arg3[%mul3A_22] : memref<327680xi32, #tpu.memory_space<hbm>> -> memref<10240xi32, #tpu.memory_space<hbm>>
      tpu.wait_dma2 semaphore(%run_scoped3A : memref<!tpu.dma_semaphore, #tpu.memory_space<semaphore_mem>>) src(%dma_wait3A_130 : memref<10240xi32, #tpu.memory_space<hbm>>) dst(%arg7 : memref<10240xi32, #tpu.memory_space<vmem>>)
      tpu.yield
    }) : () -> ()
    "tpu.region"() ({
      %run_scoped3A = tpu.sem_alloc : memref<!tpu.dma_semaphore, #tpu.memory_space<semaphore_mem>>
      %dma_start3A_127 = tpu.memref_slice %arg4[%mul3A_22] : memref<327680xi32, #tpu.memory_space<hbm>> -> memref<10240xi32, #tpu.memory_space<hbm>>
      %dma_start3A_128 = tpu.memref_slice %arg4[%mul3A_22] : memref<327680xi32, #tpu.memory_space<hbm>> -> memref<10240xi32, #tpu.memory_space<hbm>>
      tpu.enqueue_dma source(%dma_start3A_128 : memref<10240xi32, #tpu.memory_space<hbm>>) target(%arg8 : memref<10240xi32, #tpu.memory_space<vmem>>) target_semaphore(%run_scoped3A : memref<!tpu.dma_semaphore, #tpu.memory_space<semaphore_mem>>)
      %dma_wait3A_129 = tpu.memref_slice %arg4[%mul3A_22] : memref<327680xi32, #tpu.memory_space<hbm>> -> memref<10240xi32, #tpu.memory_space<hbm>>
      %dma_wait3A_130 = tpu.memref_slice %arg4[%mul3A_22] : memref<327680xi32, #tpu.memory_space<hbm>> -> memref<10240xi32, #tpu.memory_space<hbm>>
      tpu.wait_dma2 semaphore(%run_scoped3A : memref<!tpu.dma_semaphore, #tpu.memory_space<semaphore_mem>>) src(%dma_wait3A_130 : memref<10240xi32, #tpu.memory_space<hbm>>) dst(%arg8 : memref<10240xi32, #tpu.memory_space<vmem>>)
      tpu.yield
    }) : () -> ()
    %dma_start3A = arith.constant 0 : i32
    %dma_start3A_23 = tpu.memref_slice %arg7[%dma_start3A] : memref<10240xi32, #tpu.memory_space<vmem>> -> memref<128xi32, #tpu.memory_space<vmem>>
    %dma_start3A_24 = arith.constant 0 : i32
    %dma_start3A_25 = arith.constant 0 : i32
    %dma_start3A_26 = tpu.memref_slice %arg2[%dma_start3A_24, %dma_start3A_25] : memref<10240x16xf32, #tpu.memory_space<hbm>> -> memref<10240x16xf32, #tpu.memory_space<hbm>>
    tpu.enqueue_indirect_dma source(%dma_start3A_26 : memref<10240x16xf32, #tpu.memory_space<hbm>>) target(%arg9 : memref<128x16xf32, #tpu.memory_space<vmem>>) offsets(%dma_start3A_23 : memref<128xi32, #tpu.memory_space<vmem>>) semaphore(%arg19 : memref<!tpu.dma_semaphore, #tpu.memory_space<semaphore_mem>>)
    %dma_start3A_27 = arith.constant 128 : i32
    %dma_start3A_28 = tpu.memref_slice %arg7[%dma_start3A_27] : memref<10240xi32, #tpu.memory_space<vmem>> -> memref<128xi32, #tpu.memory_space<vmem>>
    %dma_start3A_29 = arith.constant 0 : i32
    %dma_start3A_30 = arith.constant 0 : i32
    %dma_start3A_31 = tpu.memref_slice %arg2[%dma_start3A_29, %dma_start3A_30] : memref<10240x16xf32, #tpu.memory_space<hbm>> -> memref<10240x16xf32, #tpu.memory_space<hbm>>
    tpu.enqueue_indirect_dma source(%dma_start3A_31 : memref<10240x16xf32, #tpu.memory_space<hbm>>) target(%arg10 : memref<128x16xf32, #tpu.memory_space<vmem>>) offsets(%dma_start3A_28 : memref<128xi32, #tpu.memory_space<vmem>>) semaphore(%arg20 : memref<!tpu.dma_semaphore, #tpu.memory_space<semaphore_mem>>)
    %dma_start3A_32 = arith.constant 256 : i32
    %dma_start3A_33 = tpu.memref_slice %arg7[%dma_start3A_32] : memref<10240xi32, #tpu.memory_space<vmem>> -> memref<128xi32, #tpu.memory_space<vmem>>
    %dma_start3A_34 = arith.constant 0 : i32
    %dma_start3A_35 = arith.constant 0 : i32
    %dma_start3A_36 = tpu.memref_slice %arg2[%dma_start3A_34, %dma_start3A_35] : memref<10240x16xf32, #tpu.memory_space<hbm>> -> memref<10240x16xf32, #tpu.memory_space<hbm>>
    tpu.enqueue_indirect_dma source(%dma_start3A_36 : memref<10240x16xf32, #tpu.memory_space<hbm>>) target(%arg11 : memref<128x16xf32, #tpu.memory_space<vmem>>) offsets(%dma_start3A_33 : memref<128xi32, #tpu.memory_space<vmem>>) semaphore(%arg21 : memref<!tpu.dma_semaphore, #tpu.memory_space<semaphore_mem>>)
    %dma_start3A_37 = arith.constant 384 : i32
    %dma_start3A_38 = tpu.memref_slice %arg7[%dma_start3A_37] : memref<10240xi32, #tpu.memory_space<vmem>> -> memref<128xi32, #tpu.memory_space<vmem>>
    %dma_start3A_39 = arith.constant 0 : i32
    %dma_start3A_40 = arith.constant 0 : i32
    %dma_start3A_41 = tpu.memref_slice %arg2[%dma_start3A_39, %dma_start3A_40] : memref<10240x16xf32, #tpu.memory_space<hbm>> -> memref<10240x16xf32, #tpu.memory_space<hbm>>
    tpu.enqueue_indirect_dma source(%dma_start3A_41 : memref<10240x16xf32, #tpu.memory_space<hbm>>) target(%arg12 : memref<128x16xf32, #tpu.memory_space<vmem>>) offsets(%dma_start3A_38 : memref<128xi32, #tpu.memory_space<vmem>>) semaphore(%arg22 : memref<!tpu.dma_semaphore, #tpu.memory_space<semaphore_mem>>)
    %dma_start3A_42 = arith.constant 512 : i32
    %dma_start3A_43 = tpu.memref_slice %arg7[%dma_start3A_42] : memref<10240xi32, #tpu.memory_space<vmem>> -> memref<128xi32, #tpu.memory_space<vmem>>
    %dma_start3A_44 = arith.constant 0 : i32
    %dma_start3A_45 = arith.constant 0 : i32
    %dma_start3A_46 = tpu.memref_slice %arg2[%dma_start3A_44, %dma_start3A_45] : memref<10240x16xf32, #tpu.memory_space<hbm>> -> memref<10240x16xf32, #tpu.memory_space<hbm>>
    tpu.enqueue_indirect_dma source(%dma_start3A_46 : memref<10240x16xf32, #tpu.memory_space<hbm>>) target(%arg13 : memref<128x16xf32, #tpu.memory_space<vmem>>) offsets(%dma_start3A_43 : memref<128xi32, #tpu.memory_space<vmem>>) semaphore(%arg23 : memref<!tpu.dma_semaphore, #tpu.memory_space<semaphore_mem>>)
    %dma_start3A_47 = arith.constant 640 : i32
    %dma_start3A_48 = tpu.memref_slice %arg7[%dma_start3A_47] : memref<10240xi32, #tpu.memory_space<vmem>> -> memref<128xi32, #tpu.memory_space<vmem>>
    %dma_start3A_49 = arith.constant 0 : i32
    %dma_start3A_50 = arith.constant 0 : i32
    %dma_start3A_51 = tpu.memref_slice %arg2[%dma_start3A_49, %dma_start3A_50] : memref<10240x16xf32, #tpu.memory_space<hbm>> -> memref<10240x16xf32, #tpu.memory_space<hbm>>
    tpu.enqueue_indirect_dma source(%dma_start3A_51 : memref<10240x16xf32, #tpu.memory_space<hbm>>) target(%arg14 : memref<128x16xf32, #tpu.memory_space<vmem>>) offsets(%dma_start3A_48 : memref<128xi32, #tpu.memory_space<vmem>>) semaphore(%arg24 : memref<!tpu.dma_semaphore, #tpu.memory_space<semaphore_mem>>)
    %dma_start3A_52 = arith.constant 768 : i32
    %dma_start3A_53 = tpu.memref_slice %arg7[%dma_start3A_52] : memref<10240xi32, #tpu.memory_space<vmem>> -> memref<128xi32, #tpu.memory_space<vmem>>
    %dma_start3A_54 = arith.constant 0 : i32
    %dma_start3A_55 = arith.constant 0 : i32
    %dma_start3A_56 = tpu.memref_slice %arg2[%dma_start3A_54, %dma_start3A_55] : memref<10240x16xf32, #tpu.memory_space<hbm>> -> memref<10240x16xf32, #tpu.memory_space<hbm>>
    tpu.enqueue_indirect_dma source(%dma_start3A_56 : memref<10240x16xf32, #tpu.memory_space<hbm>>) target(%arg15 : memref<128x16xf32, #tpu.memory_space<vmem>>) offsets(%dma_start3A_53 : memref<128xi32, #tpu.memory_space<vmem>>) semaphore(%arg25 : memref<!tpu.dma_semaphore, #tpu.memory_space<semaphore_mem>>)
    %dma_start3A_57 = arith.constant 896 : i32
    %dma_start3A_58 = tpu.memref_slice %arg7[%dma_start3A_57] : memref<10240xi32, #tpu.memory_space<vmem>> -> memref<128xi32, #tpu.memory_space<vmem>>
    %dma_start3A_59 = arith.constant 0 : i32
    %dma_start3A_60 = arith.constant 0 : i32
    %dma_start3A_61 = tpu.memref_slice %arg2[%dma_start3A_59, %dma_start3A_60] : memref<10240x16xf32, #tpu.memory_space<hbm>> -> memref<10240x16xf32, #tpu.memory_space<hbm>>
    tpu.enqueue_indirect_dma source(%dma_start3A_61 : memref<10240x16xf32, #tpu.memory_space<hbm>>) target(%arg16 : memref<128x16xf32, #tpu.memory_space<vmem>>) offsets(%dma_start3A_58 : memref<128xi32, #tpu.memory_space<vmem>>) semaphore(%arg26 : memref<!tpu.dma_semaphore, #tpu.memory_space<semaphore_mem>>)
    %scan3A = arith.constant 0 : i32
    %scan3A_62 = arith.constant 0 : i32
    %scan3A_63 = arith.constant 10 : i32
    %scan3A_64 = arith.addi %scan3A_62, %scan3A_63 : i32
    %scan3A_65 = arith.constant 1 : i32
    scf.for %scan3A_127 = %scan3A_62 to %scan3A_64 step %scan3A_65  : i32 {
      %mul3A_128 = arith.constant 8 : i32
      %mul3A_129 = arith.muli %mul3A_128, %scan3A_127 : i32
      %add3A_130 = arith.constant 0 : i32
      %add3A_131 = arith.addi %mul3A_129, %add3A_130 : i32
      %mul3A_132 = arith.constant 128 : i32
      %mul3A_133 = arith.muli %add3A_131, %mul3A_132 : i32
      %dma_wait3A_134 = tpu.memref_slice %arg7[%mul3A_133] : memref<10240xi32, #tpu.memory_space<vmem>> -> memref<128xi32, #tpu.memory_space<vmem>>
      %dma_wait3A_135 = arith.constant 0 : i32
      %dma_wait3A_136 = arith.constant 0 : i32
      %dma_wait3A_137 = tpu.memref_slice %arg2[%dma_wait3A_135, %dma_wait3A_136] : memref<10240x16xf32, #tpu.memory_space<hbm>> -> memref<10240x16xf32, #tpu.memory_space<hbm>>
      tpu.wait_indirect_dma semaphore(%arg19 : memref<!tpu.dma_semaphore, #tpu.memory_space<semaphore_mem>>) src(%dma_wait3A_137 : memref<10240x16xf32, #tpu.memory_space<hbm>>) dst(%arg9 : memref<128x16xf32, #tpu.memory_space<vmem>>)
      %mul3A_138 = arith.constant 128 : i32
      %mul3A_139 = arith.muli %add3A_131, %mul3A_138 : i32
      %dma_start3A_140 = tpu.memref_slice %arg8[%mul3A_139] : memref<10240xi32, #tpu.memory_space<vmem>> -> memref<128xi32, #tpu.memory_space<vmem>>
      %dma_start3A_141 = arith.constant 0 : i32
      %dma_start3A_142 = arith.constant 0 : i32
      %dma_start3A_143 = tpu.memref_slice %arg18[%dma_start3A_141, %dma_start3A_142] : memref<10240x16xf32, #tpu.memory_space<vmem_shared>> -> memref<10240x16xf32, #tpu.memory_space<vmem_shared>>
      tpu.enqueue_indirect_dma source(%arg9 : memref<128x16xf32, #tpu.memory_space<vmem>>) target(%dma_start3A_143 : memref<10240x16xf32, #tpu.memory_space<vmem_shared>>) offsets(%dma_start3A_140 : memref<128xi32, #tpu.memory_space<vmem>>) semaphore(%arg27 : memref<!tpu.dma_semaphore, #tpu.memory_space<semaphore_mem>>) {add = true}
      %lt3A = arith.constant 9 : i32
      %lt3A_144 = arith.cmpi slt, %scan3A_127, %lt3A : i32
      %convert_element_type3A = arith.extui %lt3A_144 : i1 to i32
      %cond3A = arith.constant 0 : i32
      %cond3A_145 = arith.cmpi ne, %convert_element_type3A, %cond3A : i32
      scf.if %cond3A_145 {
        %mul3A_293 = arith.constant 128 : i32
        %mul3A_294 = arith.muli %add3A_131, %mul3A_293 : i32
        %dma_wait3A_295 = tpu.memref_slice %arg8[%mul3A_294] : memref<10240xi32, #tpu.memory_space<vmem>> -> memref<128xi32, #tpu.memory_space<vmem>>
        %dma_wait3A_296 = arith.constant 0 : i32
        %dma_wait3A_297 = arith.constant 0 : i32
        %dma_wait3A_298 = tpu.memref_slice %arg18[%dma_wait3A_296, %dma_wait3A_297] : memref<10240x16xf32, #tpu.memory_space<vmem_shared>> -> memref<10240x16xf32, #tpu.memory_space<vmem_shared>>
        tpu.wait_indirect_dma semaphore(%arg27 : memref<!tpu.dma_semaphore, #tpu.memory_space<semaphore_mem>>) src(%arg9 : memref<128x16xf32, #tpu.memory_space<vmem>>) dst(%dma_wait3A_298 : memref<10240x16xf32, #tpu.memory_space<vmem_shared>>)
        %add3A_299 = arith.constant 8 : i32
        %add3A_300 = arith.addi %add3A_131, %add3A_299 : i32
        %mul3A_301 = arith.constant 128 : i32
        %mul3A_302 = arith.muli %add3A_300, %mul3A_301 : i32
        %dma_start3A_303 = tpu.memref_slice %arg7[%mul3A_302] : memref<10240xi32, #tpu.memory_space<vmem>> -> memref<128xi32, #tpu.memory_space<vmem>>
        %dma_start3A_304 = arith.constant 0 : i32
        %dma_start3A_305 = arith.constant 0 : i32
        %dma_start3A_306 = tpu.memref_slice %arg2[%dma_start3A_304, %dma_start3A_305] : memref<10240x16xf32, #tpu.memory_space<hbm>> -> memref<10240x16xf32, #tpu.memory_space<hbm>>
        tpu.enqueue_indirect_dma source(%dma_start3A_306 : memref<10240x16xf32, #tpu.memory_space<hbm>>) target(%arg9 : memref<128x16xf32, #tpu.memory_space<vmem>>) offsets(%dma_start3A_303 : memref<128xi32, #tpu.memory_space<vmem>>) semaphore(%arg19 : memref<!tpu.dma_semaphore, #tpu.memory_space<semaphore_mem>>)
      } else {
      }
      %mul3A_146 = arith.constant 8 : i32
      %mul3A_147 = arith.muli %mul3A_146, %scan3A_127 : i32
      %add3A_148 = arith.constant 1 : i32
      %add3A_149 = arith.addi %mul3A_147, %add3A_148 : i32
      %mul3A_150 = arith.constant 128 : i32
      %mul3A_151 = arith.muli %add3A_149, %mul3A_150 : i32
      %dma_wait3A_152 = tpu.memref_slice %arg7[%mul3A_151] : memref<10240xi32, #tpu.memory_space<vmem>> -> memref<128xi32, #tpu.memory_space<vmem>>
      %dma_wait3A_153 = arith.constant 0 : i32
      %dma_wait3A_154 = arith.constant 0 : i32
      %dma_wait3A_155 = tpu.memref_slice %arg2[%dma_wait3A_153, %dma_wait3A_154] : memref<10240x16xf32, #tpu.memory_space<hbm>> -> memref<10240x16xf32, #tpu.memory_space<hbm>>
      tpu.wait_indirect_dma semaphore(%arg20 : memref<!tpu.dma_semaphore, #tpu.memory_space<semaphore_mem>>) src(%dma_wait3A_155 : memref<10240x16xf32, #tpu.memory_space<hbm>>) dst(%arg10 : memref<128x16xf32, #tpu.memory_space<vmem>>)
      %mul3A_156 = arith.constant 128 : i32
      %mul3A_157 = arith.muli %add3A_149, %mul3A_156 : i32
      %dma_start3A_158 = tpu.memref_slice %arg8[%mul3A_157] : memref<10240xi32, #tpu.memory_space<vmem>> -> memref<128xi32, #tpu.memory_space<vmem>>
      %dma_start3A_159 = arith.constant 0 : i32
      %dma_start3A_160 = arith.constant 0 : i32
      %dma_start3A_161 = tpu.memref_slice %arg18[%dma_start3A_159, %dma_start3A_160] : memref<10240x16xf32, #tpu.memory_space<vmem_shared>> -> memref<10240x16xf32, #tpu.memory_space<vmem_shared>>
      tpu.enqueue_indirect_dma source(%arg10 : memref<128x16xf32, #tpu.memory_space<vmem>>) target(%dma_start3A_161 : memref<10240x16xf32, #tpu.memory_space<vmem_shared>>) offsets(%dma_start3A_158 : memref<128xi32, #tpu.memory_space<vmem>>) semaphore(%arg28 : memref<!tpu.dma_semaphore, #tpu.memory_space<semaphore_mem>>) {add = true}
      %lt3A_162 = arith.constant 9 : i32
      %lt3A_163 = arith.cmpi slt, %scan3A_127, %lt3A_162 : i32
      %convert_element_type3A_164 = arith.extui %lt3A_163 : i1 to i32
      %cond3A_165 = arith.constant 0 : i32
      %cond3A_166 = arith.cmpi ne, %convert_element_type3A_164, %cond3A_165 : i32
      scf.if %cond3A_166 {
        %mul3A_293 = arith.constant 128 : i32
        %mul3A_294 = arith.muli %add3A_149, %mul3A_293 : i32
        %dma_wait3A_295 = tpu.memref_slice %arg8[%mul3A_294] : memref<10240xi32, #tpu.memory_space<vmem>> -> memref<128xi32, #tpu.memory_space<vmem>>
        %dma_wait3A_296 = arith.constant 0 : i32
        %dma_wait3A_297 = arith.constant 0 : i32
        %dma_wait3A_298 = tpu.memref_slice %arg18[%dma_wait3A_296, %dma_wait3A_297] : memref<10240x16xf32, #tpu.memory_space<vmem_shared>> -> memref<10240x16xf32, #tpu.memory_space<vmem_shared>>
        tpu.wait_indirect_dma semaphore(%arg28 : memref<!tpu.dma_semaphore, #tpu.memory_space<semaphore_mem>>) src(%arg10 : memref<128x16xf32, #tpu.memory_space<vmem>>) dst(%dma_wait3A_298 : memref<10240x16xf32, #tpu.memory_space<vmem_shared>>)
        %add3A_299 = arith.constant 8 : i32
        %add3A_300 = arith.addi %add3A_149, %add3A_299 : i32
        %mul3A_301 = arith.constant 128 : i32
        %mul3A_302 = arith.muli %add3A_300, %mul3A_301 : i32
        %dma_start3A_303 = tpu.memref_slice %arg7[%mul3A_302] : memref<10240xi32, #tpu.memory_space<vmem>> -> memref<128xi32, #tpu.memory_space<vmem>>
        %dma_start3A_304 = arith.constant 0 : i32
        %dma_start3A_305 = arith.constant 0 : i32
        %dma_start3A_306 = tpu.memref_slice %arg2[%dma_start3A_304, %dma_start3A_305] : memref<10240x16xf32, #tpu.memory_space<hbm>> -> memref<10240x16xf32, #tpu.memory_space<hbm>>
        tpu.enqueue_indirect_dma source(%dma_start3A_306 : memref<10240x16xf32, #tpu.memory_space<hbm>>) target(%arg10 : memref<128x16xf32, #tpu.memory_space<vmem>>) offsets(%dma_start3A_303 : memref<128xi32, #tpu.memory_space<vmem>>) semaphore(%arg20 : memref<!tpu.dma_semaphore, #tpu.memory_space<semaphore_mem>>)
      } else {
      }
      %mul3A_167 = arith.constant 8 : i32
      %mul3A_168 = arith.muli %mul3A_167, %scan3A_127 : i32
      %add3A_169 = arith.constant 2 : i32
      %add3A_170 = arith.addi %mul3A_168, %add3A_169 : i32
      %mul3A_171 = arith.constant 128 : i32
      %mul3A_172 = arith.muli %add3A_170, %mul3A_171 : i32
      %dma_wait3A_173 = tpu.memref_slice %arg7[%mul3A_172] : memref<10240xi32, #tpu.memory_space<vmem>> -> memref<128xi32, #tpu.memory_space<vmem>>
      %dma_wait3A_174 = arith.constant 0 : i32
      %dma_wait3A_175 = arith.constant 0 : i32
      %dma_wait3A_176 = tpu.memref_slice %arg2[%dma_wait3A_174, %dma_wait3A_175] : memref<10240x16xf32, #tpu.memory_space<hbm>> -> memref<10240x16xf32, #tpu.memory_space<hbm>>
      tpu.wait_indirect_dma semaphore(%arg21 : memref<!tpu.dma_semaphore, #tpu.memory_space<semaphore_mem>>) src(%dma_wait3A_176 : memref<10240x16xf32, #tpu.memory_space<hbm>>) dst(%arg11 : memref<128x16xf32, #tpu.memory_space<vmem>>)
      %mul3A_177 = arith.constant 128 : i32
      %mul3A_178 = arith.muli %add3A_170, %mul3A_177 : i32
      %dma_start3A_179 = tpu.memref_slice %arg8[%mul3A_178] : memref<10240xi32, #tpu.memory_space<vmem>> -> memref<128xi32, #tpu.memory_space<vmem>>
      %dma_start3A_180 = arith.constant 0 : i32
      %dma_start3A_181 = arith.constant 0 : i32
      %dma_start3A_182 = tpu.memref_slice %arg18[%dma_start3A_180, %dma_start3A_181] : memref<10240x16xf32, #tpu.memory_space<vmem_shared>> -> memref<10240x16xf32, #tpu.memory_space<vmem_shared>>
      tpu.enqueue_indirect_dma source(%arg11 : memref<128x16xf32, #tpu.memory_space<vmem>>) target(%dma_start3A_182 : memref<10240x16xf32, #tpu.memory_space<vmem_shared>>) offsets(%dma_start3A_179 : memref<128xi32, #tpu.memory_space<vmem>>) semaphore(%arg29 : memref<!tpu.dma_semaphore, #tpu.memory_space<semaphore_mem>>) {add = true}
      %lt3A_183 = arith.constant 9 : i32
      %lt3A_184 = arith.cmpi slt, %scan3A_127, %lt3A_183 : i32
      %convert_element_type3A_185 = arith.extui %lt3A_184 : i1 to i32
      %cond3A_186 = arith.constant 0 : i32
      %cond3A_187 = arith.cmpi ne, %convert_element_type3A_185, %cond3A_186 : i32
      scf.if %cond3A_187 {
        %mul3A_293 = arith.constant 128 : i32
        %mul3A_294 = arith.muli %add3A_170, %mul3A_293 : i32
        %dma_wait3A_295 = tpu.memref_slice %arg8[%mul3A_294] : memref<10240xi32, #tpu.memory_space<vmem>> -> memref<128xi32, #tpu.memory_space<vmem>>
        %dma_wait3A_296 = arith.constant 0 : i32
        %dma_wait3A_297 = arith.constant 0 : i32
        %dma_wait3A_298 = tpu.memref_slice %arg18[%dma_wait3A_296, %dma_wait3A_297] : memref<10240x16xf32, #tpu.memory_space<vmem_shared>> -> memref<10240x16xf32, #tpu.memory_space<vmem_shared>>
        tpu.wait_indirect_dma semaphore(%arg29 : memref<!tpu.dma_semaphore, #tpu.memory_space<semaphore_mem>>) src(%arg11 : memref<128x16xf32, #tpu.memory_space<vmem>>) dst(%dma_wait3A_298 : memref<10240x16xf32, #tpu.memory_space<vmem_shared>>)
        %add3A_299 = arith.constant 8 : i32
        %add3A_300 = arith.addi %add3A_170, %add3A_299 : i32
        %mul3A_301 = arith.constant 128 : i32
        %mul3A_302 = arith.muli %add3A_300, %mul3A_301 : i32
        %dma_start3A_303 = tpu.memref_slice %arg7[%mul3A_302] : memref<10240xi32, #tpu.memory_space<vmem>> -> memref<128xi32, #tpu.memory_space<vmem>>
        %dma_start3A_304 = arith.constant 0 : i32
        %dma_start3A_305 = arith.constant 0 : i32
        %dma_start3A_306 = tpu.memref_slice %arg2[%dma_start3A_304, %dma_start3A_305] : memref<10240x16xf32, #tpu.memory_space<hbm>> -> memref<10240x16xf32, #tpu.memory_space<hbm>>
        tpu.enqueue_indirect_dma source(%dma_start3A_306 : memref<10240x16xf32, #tpu.memory_space<hbm>>) target(%arg11 : memref<128x16xf32, #tpu.memory_space<vmem>>) offsets(%dma_start3A_303 : memref<128xi32, #tpu.memory_space<vmem>>) semaphore(%arg21 : memref<!tpu.dma_semaphore, #tpu.memory_space<semaphore_mem>>)
      } else {
      }
      %mul3A_188 = arith.constant 8 : i32
      %mul3A_189 = arith.muli %mul3A_188, %scan3A_127 : i32
      %add3A_190 = arith.constant 3 : i32
      %add3A_191 = arith.addi %mul3A_189, %add3A_190 : i32
      %mul3A_192 = arith.constant 128 : i32
      %mul3A_193 = arith.muli %add3A_191, %mul3A_192 : i32
      %dma_wait3A_194 = tpu.memref_slice %arg7[%mul3A_193] : memref<10240xi32, #tpu.memory_space<vmem>> -> memref<128xi32, #tpu.memory_space<vmem>>
      %dma_wait3A_195 = arith.constant 0 : i32
      %dma_wait3A_196 = arith.constant 0 : i32
      %dma_wait3A_197 = tpu.memref_slice %arg2[%dma_wait3A_195, %dma_wait3A_196] : memref<10240x16xf32, #tpu.memory_space<hbm>> -> memref<10240x16xf32, #tpu.memory_space<hbm>>
      tpu.wait_indirect_dma semaphore(%arg22 : memref<!tpu.dma_semaphore, #tpu.memory_space<semaphore_mem>>) src(%dma_wait3A_197 : memref<10240x16xf32, #tpu.memory_space<hbm>>) dst(%arg12 : memref<128x16xf32, #tpu.memory_space<vmem>>)
      %mul3A_198 = arith.constant 128 : i32
      %mul3A_199 = arith.muli %add3A_191, %mul3A_198 : i32
      %dma_start3A_200 = tpu.memref_slice %arg8[%mul3A_199] : memref<10240xi32, #tpu.memory_space<vmem>> -> memref<128xi32, #tpu.memory_space<vmem>>
      %dma_start3A_201 = arith.constant 0 : i32
      %dma_start3A_202 = arith.constant 0 : i32
      %dma_start3A_203 = tpu.memref_slice %arg18[%dma_start3A_201, %dma_start3A_202] : memref<10240x16xf32, #tpu.memory_space<vmem_shared>> -> memref<10240x16xf32, #tpu.memory_space<vmem_shared>>
      tpu.enqueue_indirect_dma source(%arg12 : memref<128x16xf32, #tpu.memory_space<vmem>>) target(%dma_start3A_203 : memref<10240x16xf32, #tpu.memory_space<vmem_shared>>) offsets(%dma_start3A_200 : memref<128xi32, #tpu.memory_space<vmem>>) semaphore(%arg30 : memref<!tpu.dma_semaphore, #tpu.memory_space<semaphore_mem>>) {add = true}
      %lt3A_204 = arith.constant 9 : i32
      %lt3A_205 = arith.cmpi slt, %scan3A_127, %lt3A_204 : i32
      %convert_element_type3A_206 = arith.extui %lt3A_205 : i1 to i32
      %cond3A_207 = arith.constant 0 : i32
      %cond3A_208 = arith.cmpi ne, %convert_element_type3A_206, %cond3A_207 : i32
      scf.if %cond3A_208 {
        %mul3A_293 = arith.constant 128 : i32
        %mul3A_294 = arith.muli %add3A_191, %mul3A_293 : i32
        %dma_wait3A_295 = tpu.memref_slice %arg8[%mul3A_294] : memref<10240xi32, #tpu.memory_space<vmem>> -> memref<128xi32, #tpu.memory_space<vmem>>
        %dma_wait3A_296 = arith.constant 0 : i32
        %dma_wait3A_297 = arith.constant 0 : i32
        %dma_wait3A_298 = tpu.memref_slice %arg18[%dma_wait3A_296, %dma_wait3A_297] : memref<10240x16xf32, #tpu.memory_space<vmem_shared>> -> memref<10240x16xf32, #tpu.memory_space<vmem_shared>>
        tpu.wait_indirect_dma semaphore(%arg30 : memref<!tpu.dma_semaphore, #tpu.memory_space<semaphore_mem>>) src(%arg12 : memref<128x16xf32, #tpu.memory_space<vmem>>) dst(%dma_wait3A_298 : memref<10240x16xf32, #tpu.memory_space<vmem_shared>>)
        %add3A_299 = arith.constant 8 : i32
        %add3A_300 = arith.addi %add3A_191, %add3A_299 : i32
        %mul3A_301 = arith.constant 128 : i32
        %mul3A_302 = arith.muli %add3A_300, %mul3A_301 : i32
        %dma_start3A_303 = tpu.memref_slice %arg7[%mul3A_302] : memref<10240xi32, #tpu.memory_space<vmem>> -> memref<128xi32, #tpu.memory_space<vmem>>
        %dma_start3A_304 = arith.constant 0 : i32
        %dma_start3A_305 = arith.constant 0 : i32
        %dma_start3A_306 = tpu.memref_slice %arg2[%dma_start3A_304, %dma_start3A_305] : memref<10240x16xf32, #tpu.memory_space<hbm>> -> memref<10240x16xf32, #tpu.memory_space<hbm>>
        tpu.enqueue_indirect_dma source(%dma_start3A_306 : memref<10240x16xf32, #tpu.memory_space<hbm>>) target(%arg12 : memref<128x16xf32, #tpu.memory_space<vmem>>) offsets(%dma_start3A_303 : memref<128xi32, #tpu.memory_space<vmem>>) semaphore(%arg22 : memref<!tpu.dma_semaphore, #tpu.memory_space<semaphore_mem>>)
      } else {
      }
      %mul3A_209 = arith.constant 8 : i32
      %mul3A_210 = arith.muli %mul3A_209, %scan3A_127 : i32
      %add3A_211 = arith.constant 4 : i32
      %add3A_212 = arith.addi %mul3A_210, %add3A_211 : i32
      %mul3A_213 = arith.constant 128 : i32
      %mul3A_214 = arith.muli %add3A_212, %mul3A_213 : i32
      %dma_wait3A_215 = tpu.memref_slice %arg7[%mul3A_214] : memref<10240xi32, #tpu.memory_space<vmem>> -> memref<128xi32, #tpu.memory_space<vmem>>
      %dma_wait3A_216 = arith.constant 0 : i32
      %dma_wait3A_217 = arith.constant 0 : i32
      %dma_wait3A_218 = tpu.memref_slice %arg2[%dma_wait3A_216, %dma_wait3A_217] : memref<10240x16xf32, #tpu.memory_space<hbm>> -> memref<10240x16xf32, #tpu.memory_space<hbm>>
      tpu.wait_indirect_dma semaphore(%arg23 : memref<!tpu.dma_semaphore, #tpu.memory_space<semaphore_mem>>) src(%dma_wait3A_218 : memref<10240x16xf32, #tpu.memory_space<hbm>>) dst(%arg13 : memref<128x16xf32, #tpu.memory_space<vmem>>)
      %mul3A_219 = arith.constant 128 : i32
      %mul3A_220 = arith.muli %add3A_212, %mul3A_219 : i32
      %dma_start3A_221 = tpu.memref_slice %arg8[%mul3A_220] : memref<10240xi32, #tpu.memory_space<vmem>> -> memref<128xi32, #tpu.memory_space<vmem>>
      %dma_start3A_222 = arith.constant 0 : i32
      %dma_start3A_223 = arith.constant 0 : i32
      %dma_start3A_224 = tpu.memref_slice %arg18[%dma_start3A_222, %dma_start3A_223] : memref<10240x16xf32, #tpu.memory_space<vmem_shared>> -> memref<10240x16xf32, #tpu.memory_space<vmem_shared>>
      tpu.enqueue_indirect_dma source(%arg13 : memref<128x16xf32, #tpu.memory_space<vmem>>) target(%dma_start3A_224 : memref<10240x16xf32, #tpu.memory_space<vmem_shared>>) offsets(%dma_start3A_221 : memref<128xi32, #tpu.memory_space<vmem>>) semaphore(%arg31 : memref<!tpu.dma_semaphore, #tpu.memory_space<semaphore_mem>>) {add = true}
      %lt3A_225 = arith.constant 9 : i32
      %lt3A_226 = arith.cmpi slt, %scan3A_127, %lt3A_225 : i32
      %convert_element_type3A_227 = arith.extui %lt3A_226 : i1 to i32
      %cond3A_228 = arith.constant 0 : i32
      %cond3A_229 = arith.cmpi ne, %convert_element_type3A_227, %cond3A_228 : i32
      scf.if %cond3A_229 {
        %mul3A_293 = arith.constant 128 : i32
        %mul3A_294 = arith.muli %add3A_212, %mul3A_293 : i32
        %dma_wait3A_295 = tpu.memref_slice %arg8[%mul3A_294] : memref<10240xi32, #tpu.memory_space<vmem>> -> memref<128xi32, #tpu.memory_space<vmem>>
        %dma_wait3A_296 = arith.constant 0 : i32
        %dma_wait3A_297 = arith.constant 0 : i32
        %dma_wait3A_298 = tpu.memref_slice %arg18[%dma_wait3A_296, %dma_wait3A_297] : memref<10240x16xf32, #tpu.memory_space<vmem_shared>> -> memref<10240x16xf32, #tpu.memory_space<vmem_shared>>
        tpu.wait_indirect_dma semaphore(%arg31 : memref<!tpu.dma_semaphore, #tpu.memory_space<semaphore_mem>>) src(%arg13 : memref<128x16xf32, #tpu.memory_space<vmem>>) dst(%dma_wait3A_298 : memref<10240x16xf32, #tpu.memory_space<vmem_shared>>)
        %add3A_299 = arith.constant 8 : i32
        %add3A_300 = arith.addi %add3A_212, %add3A_299 : i32
        %mul3A_301 = arith.constant 128 : i32
        %mul3A_302 = arith.muli %add3A_300, %mul3A_301 : i32
        %dma_start3A_303 = tpu.memref_slice %arg7[%mul3A_302] : memref<10240xi32, #tpu.memory_space<vmem>> -> memref<128xi32, #tpu.memory_space<vmem>>
        %dma_start3A_304 = arith.constant 0 : i32
        %dma_start3A_305 = arith.constant 0 : i32
        %dma_start3A_306 = tpu.memref_slice %arg2[%dma_start3A_304, %dma_start3A_305] : memref<10240x16xf32, #tpu.memory_space<hbm>> -> memref<10240x16xf32, #tpu.memory_space<hbm>>
        tpu.enqueue_indirect_dma source(%dma_start3A_306 : memref<10240x16xf32, #tpu.memory_space<hbm>>) target(%arg13 : memref<128x16xf32, #tpu.memory_space<vmem>>) offsets(%dma_start3A_303 : memref<128xi32, #tpu.memory_space<vmem>>) semaphore(%arg23 : memref<!tpu.dma_semaphore, #tpu.memory_space<semaphore_mem>>)
      } else {
      }
      %mul3A_230 = arith.constant 8 : i32
      %mul3A_231 = arith.muli %mul3A_230, %scan3A_127 : i32
      %add3A_232 = arith.constant 5 : i32
      %add3A_233 = arith.addi %mul3A_231, %add3A_232 : i32
      %mul3A_234 = arith.constant 128 : i32
      %mul3A_235 = arith.muli %add3A_233, %mul3A_234 : i32
      %dma_wait3A_236 = tpu.memref_slice %arg7[%mul3A_235] : memref<10240xi32, #tpu.memory_space<vmem>> -> memref<128xi32, #tpu.memory_space<vmem>>
      %dma_wait3A_237 = arith.constant 0 : i32
      %dma_wait3A_238 = arith.constant 0 : i32
      %dma_wait3A_239 = tpu.memref_slice %arg2[%dma_wait3A_237, %dma_wait3A_238] : memref<10240x16xf32, #tpu.memory_space<hbm>> -> memref<10240x16xf32, #tpu.memory_space<hbm>>
      tpu.wait_indirect_dma semaphore(%arg24 : memref<!tpu.dma_semaphore, #tpu.memory_space<semaphore_mem>>) src(%dma_wait3A_239 : memref<10240x16xf32, #tpu.memory_space<hbm>>) dst(%arg14 : memref<128x16xf32, #tpu.memory_space<vmem>>)
      %mul3A_240 = arith.constant 128 : i32
      %mul3A_241 = arith.muli %add3A_233, %mul3A_240 : i32
      %dma_start3A_242 = tpu.memref_slice %arg8[%mul3A_241] : memref<10240xi32, #tpu.memory_space<vmem>> -> memref<128xi32, #tpu.memory_space<vmem>>
      %dma_start3A_243 = arith.constant 0 : i32
      %dma_start3A_244 = arith.constant 0 : i32
      %dma_start3A_245 = tpu.memref_slice %arg18[%dma_start3A_243, %dma_start3A_244] : memref<10240x16xf32, #tpu.memory_space<vmem_shared>> -> memref<10240x16xf32, #tpu.memory_space<vmem_shared>>
      tpu.enqueue_indirect_dma source(%arg14 : memref<128x16xf32, #tpu.memory_space<vmem>>) target(%dma_start3A_245 : memref<10240x16xf32, #tpu.memory_space<vmem_shared>>) offsets(%dma_start3A_242 : memref<128xi32, #tpu.memory_space<vmem>>) semaphore(%arg32 : memref<!tpu.dma_semaphore, #tpu.memory_space<semaphore_mem>>) {add = true}
      %lt3A_246 = arith.constant 9 : i32
      %lt3A_247 = arith.cmpi slt, %scan3A_127, %lt3A_246 : i32
      %convert_element_type3A_248 = arith.extui %lt3A_247 : i1 to i32
      %cond3A_249 = arith.constant 0 : i32
      %cond3A_250 = arith.cmpi ne, %convert_element_type3A_248, %cond3A_249 : i32
      scf.if %cond3A_250 {
        %mul3A_293 = arith.constant 128 : i32
        %mul3A_294 = arith.muli %add3A_233, %mul3A_293 : i32
        %dma_wait3A_295 = tpu.memref_slice %arg8[%mul3A_294] : memref<10240xi32, #tpu.memory_space<vmem>> -> memref<128xi32, #tpu.memory_space<vmem>>
        %dma_wait3A_296 = arith.constant 0 : i32
        %dma_wait3A_297 = arith.constant 0 : i32
        %dma_wait3A_298 = tpu.memref_slice %arg18[%dma_wait3A_296, %dma_wait3A_297] : memref<10240x16xf32, #tpu.memory_space<vmem_shared>> -> memref<10240x16xf32, #tpu.memory_space<vmem_shared>>
        tpu.wait_indirect_dma semaphore(%arg32 : memref<!tpu.dma_semaphore, #tpu.memory_space<semaphore_mem>>) src(%arg14 : memref<128x16xf32, #tpu.memory_space<vmem>>) dst(%dma_wait3A_298 : memref<10240x16xf32, #tpu.memory_space<vmem_shared>>)
        %add3A_299 = arith.constant 8 : i32
        %add3A_300 = arith.addi %add3A_233, %add3A_299 : i32
        %mul3A_301 = arith.constant 128 : i32
        %mul3A_302 = arith.muli %add3A_300, %mul3A_301 : i32
        %dma_start3A_303 = tpu.memref_slice %arg7[%mul3A_302] : memref<10240xi32, #tpu.memory_space<vmem>> -> memref<128xi32, #tpu.memory_space<vmem>>
        %dma_start3A_304 = arith.constant 0 : i32
        %dma_start3A_305 = arith.constant 0 : i32
        %dma_start3A_306 = tpu.memref_slice %arg2[%dma_start3A_304, %dma_start3A_305] : memref<10240x16xf32, #tpu.memory_space<hbm>> -> memref<10240x16xf32, #tpu.memory_space<hbm>>
        tpu.enqueue_indirect_dma source(%dma_start3A_306 : memref<10240x16xf32, #tpu.memory_space<hbm>>) target(%arg14 : memref<128x16xf32, #tpu.memory_space<vmem>>) offsets(%dma_start3A_303 : memref<128xi32, #tpu.memory_space<vmem>>) semaphore(%arg24 : memref<!tpu.dma_semaphore, #tpu.memory_space<semaphore_mem>>)
      } else {
      }
      %mul3A_251 = arith.constant 8 : i32
      %mul3A_252 = arith.muli %mul3A_251, %scan3A_127 : i32
      %add3A_253 = arith.constant 6 : i32
      %add3A_254 = arith.addi %mul3A_252, %add3A_253 : i32
      %mul3A_255 = arith.constant 128 : i32
      %mul3A_256 = arith.muli %add3A_254, %mul3A_255 : i32
      %dma_wait3A_257 = tpu.memref_slice %arg7[%mul3A_256] : memref<10240xi32, #tpu.memory_space<vmem>> -> memref<128xi32, #tpu.memory_space<vmem>>
      %dma_wait3A_258 = arith.constant 0 : i32
      %dma_wait3A_259 = arith.constant 0 : i32
      %dma_wait3A_260 = tpu.memref_slice %arg2[%dma_wait3A_258, %dma_wait3A_259] : memref<10240x16xf32, #tpu.memory_space<hbm>> -> memref<10240x16xf32, #tpu.memory_space<hbm>>
      tpu.wait_indirect_dma semaphore(%arg25 : memref<!tpu.dma_semaphore, #tpu.memory_space<semaphore_mem>>) src(%dma_wait3A_260 : memref<10240x16xf32, #tpu.memory_space<hbm>>) dst(%arg15 : memref<128x16xf32, #tpu.memory_space<vmem>>)
      %mul3A_261 = arith.constant 128 : i32
      %mul3A_262 = arith.muli %add3A_254, %mul3A_261 : i32
      %dma_start3A_263 = tpu.memref_slice %arg8[%mul3A_262] : memref<10240xi32, #tpu.memory_space<vmem>> -> memref<128xi32, #tpu.memory_space<vmem>>
      %dma_start3A_264 = arith.constant 0 : i32
      %dma_start3A_265 = arith.constant 0 : i32
      %dma_start3A_266 = tpu.memref_slice %arg18[%dma_start3A_264, %dma_start3A_265] : memref<10240x16xf32, #tpu.memory_space<vmem_shared>> -> memref<10240x16xf32, #tpu.memory_space<vmem_shared>>
      tpu.enqueue_indirect_dma source(%arg15 : memref<128x16xf32, #tpu.memory_space<vmem>>) target(%dma_start3A_266 : memref<10240x16xf32, #tpu.memory_space<vmem_shared>>) offsets(%dma_start3A_263 : memref<128xi32, #tpu.memory_space<vmem>>) semaphore(%arg33 : memref<!tpu.dma_semaphore, #tpu.memory_space<semaphore_mem>>) {add = true}
      %lt3A_267 = arith.constant 9 : i32
      %lt3A_268 = arith.cmpi slt, %scan3A_127, %lt3A_267 : i32
      %convert_element_type3A_269 = arith.extui %lt3A_268 : i1 to i32
      %cond3A_270 = arith.constant 0 : i32
      %cond3A_271 = arith.cmpi ne, %convert_element_type3A_269, %cond3A_270 : i32
      scf.if %cond3A_271 {
        %mul3A_293 = arith.constant 128 : i32
        %mul3A_294 = arith.muli %add3A_254, %mul3A_293 : i32
        %dma_wait3A_295 = tpu.memref_slice %arg8[%mul3A_294] : memref<10240xi32, #tpu.memory_space<vmem>> -> memref<128xi32, #tpu.memory_space<vmem>>
        %dma_wait3A_296 = arith.constant 0 : i32
        %dma_wait3A_297 = arith.constant 0 : i32
        %dma_wait3A_298 = tpu.memref_slice %arg18[%dma_wait3A_296, %dma_wait3A_297] : memref<10240x16xf32, #tpu.memory_space<vmem_shared>> -> memref<10240x16xf32, #tpu.memory_space<vmem_shared>>
        tpu.wait_indirect_dma semaphore(%arg33 : memref<!tpu.dma_semaphore, #tpu.memory_space<semaphore_mem>>) src(%arg15 : memref<128x16xf32, #tpu.memory_space<vmem>>) dst(%dma_wait3A_298 : memref<10240x16xf32, #tpu.memory_space<vmem_shared>>)
        %add3A_299 = arith.constant 8 : i32
        %add3A_300 = arith.addi %add3A_254, %add3A_299 : i32
        %mul3A_301 = arith.constant 128 : i32
        %mul3A_302 = arith.muli %add3A_300, %mul3A_301 : i32
        %dma_start3A_303 = tpu.memref_slice %arg7[%mul3A_302] : memref<10240xi32, #tpu.memory_space<vmem>> -> memref<128xi32, #tpu.memory_space<vmem>>
        %dma_start3A_304 = arith.constant 0 : i32
        %dma_start3A_305 = arith.constant 0 : i32
        %dma_start3A_306 = tpu.memref_slice %arg2[%dma_start3A_304, %dma_start3A_305] : memref<10240x16xf32, #tpu.memory_space<hbm>> -> memref<10240x16xf32, #tpu.memory_space<hbm>>
        tpu.enqueue_indirect_dma source(%dma_start3A_306 : memref<10240x16xf32, #tpu.memory_space<hbm>>) target(%arg15 : memref<128x16xf32, #tpu.memory_space<vmem>>) offsets(%dma_start3A_303 : memref<128xi32, #tpu.memory_space<vmem>>) semaphore(%arg25 : memref<!tpu.dma_semaphore, #tpu.memory_space<semaphore_mem>>)
      } else {
      }
      %mul3A_272 = arith.constant 8 : i32
      %mul3A_273 = arith.muli %mul3A_272, %scan3A_127 : i32
      %add3A_274 = arith.constant 7 : i32
      %add3A_275 = arith.addi %mul3A_273, %add3A_274 : i32
      %mul3A_276 = arith.constant 128 : i32
      %mul3A_277 = arith.muli %add3A_275, %mul3A_276 : i32
      %dma_wait3A_278 = tpu.memref_slice %arg7[%mul3A_277] : memref<10240xi32, #tpu.memory_space<vmem>> -> memref<128xi32, #tpu.memory_space<vmem>>
      %dma_wait3A_279 = arith.constant 0 : i32
      %dma_wait3A_280 = arith.constant 0 : i32
      %dma_wait3A_281 = tpu.memref_slice %arg2[%dma_wait3A_279, %dma_wait3A_280] : memref<10240x16xf32, #tpu.memory_space<hbm>> -> memref<10240x16xf32, #tpu.memory_space<hbm>>
      tpu.wait_indirect_dma semaphore(%arg26 : memref<!tpu.dma_semaphore, #tpu.memory_space<semaphore_mem>>) src(%dma_wait3A_281 : memref<10240x16xf32, #tpu.memory_space<hbm>>) dst(%arg16 : memref<128x16xf32, #tpu.memory_space<vmem>>)
      %mul3A_282 = arith.constant 128 : i32
      %mul3A_283 = arith.muli %add3A_275, %mul3A_282 : i32
      %dma_start3A_284 = tpu.memref_slice %arg8[%mul3A_283] : memref<10240xi32, #tpu.memory_space<vmem>> -> memref<128xi32, #tpu.memory_space<vmem>>
      %dma_start3A_285 = arith.constant 0 : i32
      %dma_start3A_286 = arith.constant 0 : i32
      %dma_start3A_287 = tpu.memref_slice %arg18[%dma_start3A_285, %dma_start3A_286] : memref<10240x16xf32, #tpu.memory_space<vmem_shared>> -> memref<10240x16xf32, #tpu.memory_space<vmem_shared>>
      tpu.enqueue_indirect_dma source(%arg16 : memref<128x16xf32, #tpu.memory_space<vmem>>) target(%dma_start3A_287 : memref<10240x16xf32, #tpu.memory_space<vmem_shared>>) offsets(%dma_start3A_284 : memref<128xi32, #tpu.memory_space<vmem>>) semaphore(%arg34 : memref<!tpu.dma_semaphore, #tpu.memory_space<semaphore_mem>>) {add = true}
      %lt3A_288 = arith.constant 9 : i32
      %lt3A_289 = arith.cmpi slt, %scan3A_127, %lt3A_288 : i32
      %convert_element_type3A_290 = arith.extui %lt3A_289 : i1 to i32
      %cond3A_291 = arith.constant 0 : i32
      %cond3A_292 = arith.cmpi ne, %convert_element_type3A_290, %cond3A_291 : i32
      scf.if %cond3A_292 {
        %mul3A_293 = arith.constant 128 : i32
        %mul3A_294 = arith.muli %add3A_275, %mul3A_293 : i32
        %dma_wait3A_295 = tpu.memref_slice %arg8[%mul3A_294] : memref<10240xi32, #tpu.memory_space<vmem>> -> memref<128xi32, #tpu.memory_space<vmem>>
        %dma_wait3A_296 = arith.constant 0 : i32
        %dma_wait3A_297 = arith.constant 0 : i32
        %dma_wait3A_298 = tpu.memref_slice %arg18[%dma_wait3A_296, %dma_wait3A_297] : memref<10240x16xf32, #tpu.memory_space<vmem_shared>> -> memref<10240x16xf32, #tpu.memory_space<vmem_shared>>
        tpu.wait_indirect_dma semaphore(%arg34 : memref<!tpu.dma_semaphore, #tpu.memory_space<semaphore_mem>>) src(%arg16 : memref<128x16xf32, #tpu.memory_space<vmem>>) dst(%dma_wait3A_298 : memref<10240x16xf32, #tpu.memory_space<vmem_shared>>)
        %add3A_299 = arith.constant 8 : i32
        %add3A_300 = arith.addi %add3A_275, %add3A_299 : i32
        %mul3A_301 = arith.constant 128 : i32
        %mul3A_302 = arith.muli %add3A_300, %mul3A_301 : i32
        %dma_start3A_303 = tpu.memref_slice %arg7[%mul3A_302] : memref<10240xi32, #tpu.memory_space<vmem>> -> memref<128xi32, #tpu.memory_space<vmem>>
        %dma_start3A_304 = arith.constant 0 : i32
        %dma_start3A_305 = arith.constant 0 : i32
        %dma_start3A_306 = tpu.memref_slice %arg2[%dma_start3A_304, %dma_start3A_305] : memref<10240x16xf32, #tpu.memory_space<hbm>> -> memref<10240x16xf32, #tpu.memory_space<hbm>>
        tpu.enqueue_indirect_dma source(%dma_start3A_306 : memref<10240x16xf32, #tpu.memory_space<hbm>>) target(%arg16 : memref<128x16xf32, #tpu.memory_space<vmem>>) offsets(%dma_start3A_303 : memref<128xi32, #tpu.memory_space<vmem>>) semaphore(%arg26 : memref<!tpu.dma_semaphore, #tpu.memory_space<semaphore_mem>>)
      } else {
      }
    }
    %scan3A_66 = arith.constant 10 : i32
    %dma_wait3A = arith.constant 9216 : i32
    %dma_wait3A_67 = tpu.memref_slice %arg8[%dma_wait3A] : memref<10240xi32, #tpu.memory_space<vmem>> -> memref<128xi32, #tpu.memory_space<vmem>>
    %dma_wait3A_68 = arith.constant 0 : i32
    %dma_wait3A_69 = arith.constant 0 : i32
    %dma_wait3A_70 = tpu.memref_slice %arg18[%dma_wait3A_68, %dma_wait3A_69] : memref<10240x16xf32, #tpu.memory_space<vmem_shared>> -> memref<10240x16xf32, #tpu.memory_space<vmem_shared>>
    tpu.wait_indirect_dma semaphore(%arg27 : memref<!tpu.dma_semaphore, #tpu.memory_space<semaphore_mem>>) src(%arg9 : memref<128x16xf32, #tpu.memory_space<vmem>>) dst(%dma_wait3A_70 : memref<10240x16xf32, #tpu.memory_space<vmem_shared>>)
    %dma_wait3A_71 = arith.constant 9344 : i32
    %dma_wait3A_72 = tpu.memref_slice %arg8[%dma_wait3A_71] : memref<10240xi32, #tpu.memory_space<vmem>> -> memref<128xi32, #tpu.memory_space<vmem>>
    %dma_wait3A_73 = arith.constant 0 : i32
    %dma_wait3A_74 = arith.constant 0 : i32
    %dma_wait3A_75 = tpu.memref_slice %arg18[%dma_wait3A_73, %dma_wait3A_74] : memref<10240x16xf32, #tpu.memory_space<vmem_shared>> -> memref<10240x16xf32, #tpu.memory_space<vmem_shared>>
    tpu.wait_indirect_dma semaphore(%arg28 : memref<!tpu.dma_semaphore, #tpu.memory_space<semaphore_mem>>) src(%arg10 : memref<128x16xf32, #tpu.memory_space<vmem>>) dst(%dma_wait3A_75 : memref<10240x16xf32, #tpu.memory_space<vmem_shared>>)
    %dma_wait3A_76 = arith.constant 9472 : i32
    %dma_wait3A_77 = tpu.memref_slice %arg8[%dma_wait3A_76] : memref<10240xi32, #tpu.memory_space<vmem>> -> memref<128xi32, #tpu.memory_space<vmem>>
    %dma_wait3A_78 = arith.constant 0 : i32
    %dma_wait3A_79 = arith.constant 0 : i32
    %dma_wait3A_80 = tpu.memref_slice %arg18[%dma_wait3A_78, %dma_wait3A_79] : memref<10240x16xf32, #tpu.memory_space<vmem_shared>> -> memref<10240x16xf32, #tpu.memory_space<vmem_shared>>
    tpu.wait_indirect_dma semaphore(%arg29 : memref<!tpu.dma_semaphore, #tpu.memory_space<semaphore_mem>>) src(%arg11 : memref<128x16xf32, #tpu.memory_space<vmem>>) dst(%dma_wait3A_80 : memref<10240x16xf32, #tpu.memory_space<vmem_shared>>)
    %dma_wait3A_81 = arith.constant 9600 : i32
    %dma_wait3A_82 = tpu.memref_slice %arg8[%dma_wait3A_81] : memref<10240xi32, #tpu.memory_space<vmem>> -> memref<128xi32, #tpu.memory_space<vmem>>
    %dma_wait3A_83 = arith.constant 0 : i32
    %dma_wait3A_84 = arith.constant 0 : i32
    %dma_wait3A_85 = tpu.memref_slice %arg18[%dma_wait3A_83, %dma_wait3A_84] : memref<10240x16xf32, #tpu.memory_space<vmem_shared>> -> memref<10240x16xf32, #tpu.memory_space<vmem_shared>>
    tpu.wait_indirect_dma semaphore(%arg30 : memref<!tpu.dma_semaphore, #tpu.memory_space<semaphore_mem>>) src(%arg12 : memref<128x16xf32, #tpu.memory_space<vmem>>) dst(%dma_wait3A_85 : memref<10240x16xf32, #tpu.memory_space<vmem_shared>>)
    %dma_wait3A_86 = arith.constant 9728 : i32
    %dma_wait3A_87 = tpu.memref_slice %arg8[%dma_wait3A_86] : memref<10240xi32, #tpu.memory_space<vmem>> -> memref<128xi32, #tpu.memory_space<vmem>>
    %dma_wait3A_88 = arith.constant 0 : i32
    %dma_wait3A_89 = arith.constant 0 : i32
    %dma_wait3A_90 = tpu.memref_slice %arg18[%dma_wait3A_88, %dma_wait3A_89] : memref<10240x16xf32, #tpu.memory_space<vmem_shared>> -> memref<10240x16xf32, #tpu.memory_space<vmem_shared>>
    tpu.wait_indirect_dma semaphore(%arg31 : memref<!tpu.dma_semaphore, #tpu.memory_space<semaphore_mem>>) src(%arg13 : memref<128x16xf32, #tpu.memory_space<vmem>>) dst(%dma_wait3A_90 : memref<10240x16xf32, #tpu.memory_space<vmem_shared>>)
    %dma_wait3A_91 = arith.constant 9856 : i32
    %dma_wait3A_92 = tpu.memref_slice %arg8[%dma_wait3A_91] : memref<10240xi32, #tpu.memory_space<vmem>> -> memref<128xi32, #tpu.memory_space<vmem>>
    %dma_wait3A_93 = arith.constant 0 : i32
    %dma_wait3A_94 = arith.constant 0 : i32
    %dma_wait3A_95 = tpu.memref_slice %arg18[%dma_wait3A_93, %dma_wait3A_94] : memref<10240x16xf32, #tpu.memory_space<vmem_shared>> -> memref<10240x16xf32, #tpu.memory_space<vmem_shared>>
    tpu.wait_indirect_dma semaphore(%arg32 : memref<!tpu.dma_semaphore, #tpu.memory_space<semaphore_mem>>) src(%arg14 : memref<128x16xf32, #tpu.memory_space<vmem>>) dst(%dma_wait3A_95 : memref<10240x16xf32, #tpu.memory_space<vmem_shared>>)
    %dma_wait3A_96 = arith.constant 9984 : i32
    %dma_wait3A_97 = tpu.memref_slice %arg8[%dma_wait3A_96] : memref<10240xi32, #tpu.memory_space<vmem>> -> memref<128xi32, #tpu.memory_space<vmem>>
    %dma_wait3A_98 = arith.constant 0 : i32
    %dma_wait3A_99 = arith.constant 0 : i32
    %dma_wait3A_100 = tpu.memref_slice %arg18[%dma_wait3A_98, %dma_wait3A_99] : memref<10240x16xf32, #tpu.memory_space<vmem_shared>> -> memref<10240x16xf32, #tpu.memory_space<vmem_shared>>
    tpu.wait_indirect_dma semaphore(%arg33 : memref<!tpu.dma_semaphore, #tpu.memory_space<semaphore_mem>>) src(%arg15 : memref<128x16xf32, #tpu.memory_space<vmem>>) dst(%dma_wait3A_100 : memref<10240x16xf32, #tpu.memory_space<vmem_shared>>)
    %dma_wait3A_101 = arith.constant 10112 : i32
    %dma_wait3A_102 = tpu.memref_slice %arg8[%dma_wait3A_101] : memref<10240xi32, #tpu.memory_space<vmem>> -> memref<128xi32, #tpu.memory_space<vmem>>
    %dma_wait3A_103 = arith.constant 0 : i32
    %dma_wait3A_104 = arith.constant 0 : i32
    %dma_wait3A_105 = tpu.memref_slice %arg18[%dma_wait3A_103, %dma_wait3A_104] : memref<10240x16xf32, #tpu.memory_space<vmem_shared>> -> memref<10240x16xf32, #tpu.memory_space<vmem_shared>>
    tpu.wait_indirect_dma semaphore(%arg34 : memref<!tpu.dma_semaphore, #tpu.memory_space<semaphore_mem>>) src(%arg16 : memref<128x16xf32, #tpu.memory_space<vmem>>) dst(%dma_wait3A_105 : memref<10240x16xf32, #tpu.memory_space<vmem_shared>>)
    %barrier3A_106 = arith.constant 0 : index
    tpu.barrier barrier_id(%barrier3A_106)
    %mul3A_107 = arith.constant 640 : i32
    %mul3A_108 = arith.muli %arg1, %mul3A_107 : i32
    %add3A_109 = arith.constant 0 : i32
    %add3A_110 = arith.addi %mul3A_108, %add3A_109 : i32
    "tpu.region"() ({
      %run_scoped3A = tpu.sem_alloc : memref<!tpu.dma_semaphore, #tpu.memory_space<semaphore_mem>>
      %dma_start3A_127 = arith.constant 0 : i32
      %dma_start3A_128 = tpu.memref_slice %arg18[%add3A_110, %dma_start3A_127] : memref<10240x16xf32, #tpu.memory_space<vmem_shared>> -> memref<128x16xf32, #tpu.memory_space<vmem_shared>>
      %dma_start3A_129 = arith.constant 0 : i32
      %dma_start3A_130 = tpu.memref_slice %arg18[%add3A_110, %dma_start3A_129] : memref<10240x16xf32, #tpu.memory_space<vmem_shared>> -> memref<128x16xf32, #tpu.memory_space<vmem_shared>>
      tpu.enqueue_dma source(%dma_start3A_130 : memref<128x16xf32, #tpu.memory_space<vmem_shared>>) target(%arg17 : memref<128x16xf32, #tpu.memory_space<vmem>>) target_semaphore(%run_scoped3A : memref<!tpu.dma_semaphore, #tpu.memory_space<semaphore_mem>>)
      %dma_wait3A_131 = arith.constant 0 : i32
      %dma_wait3A_132 = tpu.memref_slice %arg18[%add3A_110, %dma_wait3A_131] : memref<10240x16xf32, #tpu.memory_space<vmem_shared>> -> memref<128x16xf32, #tpu.memory_space<vmem_shared>>
      %dma_wait3A_133 = arith.constant 0 : i32
      %dma_wait3A_134 = tpu.memref_slice %arg18[%add3A_110, %dma_wait3A_133] : memref<10240x16xf32, #tpu.memory_space<vmem_shared>> -> memref<128x16xf32, #tpu.memory_space<vmem_shared>>
      tpu.wait_dma2 semaphore(%run_scoped3A : memref<!tpu.dma_semaphore, #tpu.memory_space<semaphore_mem>>) src(%dma_wait3A_134 : memref<128x16xf32, #tpu.memory_space<vmem_shared>>) dst(%arg17 : memref<128x16xf32, #tpu.memory_space<vmem>>)
      tpu.yield
    }) : () -> ()
    "tpu.region"() ({
      %run_scoped3A = tpu.sem_alloc : memref<!tpu.dma_semaphore, #tpu.memory_space<semaphore_mem>>
      %dma_start3A_127 = arith.constant 0 : i32
      %dma_start3A_128 = tpu.memref_slice %arg6[%arg0, %add3A_110, %dma_start3A_127] : memref<2x10240x16xf32, #tpu.memory_space<hbm>> -> memref<1x128x16xf32, #tpu.memory_space<hbm>>
      %dma_start3A_129 = tpu.memref_squeeze %dma_start3A_128 : memref<1x128x16xf32, #tpu.memory_space<hbm>> -> memref<128x16xf32, #tpu.memory_space<hbm>>
      %dma_start3A_130 = arith.constant 0 : i32
      %dma_start3A_131 = tpu.memref_slice %arg6[%arg0, %add3A_110, %dma_start3A_130] : memref<2x10240x16xf32, #tpu.memory_space<hbm>> -> memref<1x128x16xf32, #tpu.memory_space<hbm>>
      %dma_start3A_132 = tpu.memref_squeeze %dma_start3A_131 : memref<1x128x16xf32, #tpu.memory_space<hbm>> -> memref<128x16xf32, #tpu.memory_space<hbm>>
      tpu.enqueue_dma source(%arg17 : memref<128x16xf32, #tpu.memory_space<vmem>>) target(%dma_start3A_132 : memref<128x16xf32, #tpu.memory_space<hbm>>) target_semaphore(%run_scoped3A : memref<!tpu.dma_semaphore, #tpu.memory_space<semaphore_mem>>)
      %dma_wait3A_133 = arith.constant 0 : i32
      %dma_wait3A_134 = tpu.memref_slice %arg6[%arg0, %add3A_110, %dma_wait3A_133] : memref<2x10240x16xf32, #tpu.memory_space<hbm>> -> memref<1x128x16xf32, #tpu.memory_space<hbm>>
      %dma_wait3A_135 = tpu.memref_squeeze %dma_wait3A_134 : memref<1x128x16xf32, #tpu.memory_space<hbm>> -> memref<128x16xf32, #tpu.memory_space<hbm>>
      %dma_wait3A_136 = arith.constant 0 : i32
      %dma_wait3A_137 = tpu.memref_slice %arg6[%arg0, %add3A_110, %dma_wait3A_136] : memref<2x10240x16xf32, #tpu.memory_space<hbm>> -> memref<1x128x16xf32, #tpu.memory_space<hbm>>
      %dma_wait3A_138 = tpu.memref_squeeze %dma_wait3A_137 : memref<1x128x16xf32, #tpu.memory_space<hbm>> -> memref<128x16xf32, #tpu.memory_space<hbm>>
      tpu.wait_dma2 semaphore(%run_scoped3A : memref<!tpu.dma_semaphore, #tpu.memory_space<semaphore_mem>>) src(%arg17 : memref<128x16xf32, #tpu.memory_space<vmem>>) dst(%dma_wait3A_138 : memref<128x16xf32, #tpu.memory_space<hbm>>)
      tpu.yield
    }) : () -> ()
    %mul3A_111 = arith.constant 640 : i32
    %mul3A_112 = arith.muli %arg1, %mul3A_111 : i32
    %add3A_113 = arith.constant 128 : i32
    %add3A_114 = arith.addi %mul3A_112, %add3A_113 : i32
    "tpu.region"() ({
      %run_scoped3A = tpu.sem_alloc : memref<!tpu.dma_semaphore, #tpu.memory_space<semaphore_mem>>
      %dma_start3A_127 = arith.constant 0 : i32
      %dma_start3A_128 = tpu.memref_slice %arg18[%add3A_114, %dma_start3A_127] : memref<10240x16xf32, #tpu.memory_space<vmem_shared>> -> memref<128x16xf32, #tpu.memory_space<vmem_shared>>
      %dma_start3A_129 = arith.constant 0 : i32
      %dma_start3A_130 = tpu.memref_slice %arg18[%add3A_114, %dma_start3A_129] : memref<10240x16xf32, #tpu.memory_space<vmem_shared>> -> memref<128x16xf32, #tpu.memory_space<vmem_shared>>
      tpu.enqueue_dma source(%dma_start3A_130 : memref<128x16xf32, #tpu.memory_space<vmem_shared>>) target(%arg17 : memref<128x16xf32, #tpu.memory_space<vmem>>) target_semaphore(%run_scoped3A : memref<!tpu.dma_semaphore, #tpu.memory_space<semaphore_mem>>)
      %dma_wait3A_131 = arith.constant 0 : i32
      %dma_wait3A_132 = tpu.memref_slice %arg18[%add3A_114, %dma_wait3A_131] : memref<10240x16xf32, #tpu.memory_space<vmem_shared>> -> memref<128x16xf32, #tpu.memory_space<vmem_shared>>
      %dma_wait3A_133 = arith.constant 0 : i32
      %dma_wait3A_134 = tpu.memref_slice %arg18[%add3A_114, %dma_wait3A_133] : memref<10240x16xf32, #tpu.memory_space<vmem_shared>> -> memref<128x16xf32, #tpu.memory_space<vmem_shared>>
      tpu.wait_dma2 semaphore(%run_scoped3A : memref<!tpu.dma_semaphore, #tpu.memory_space<semaphore_mem>>) src(%dma_wait3A_134 : memref<128x16xf32, #tpu.memory_space<vmem_shared>>) dst(%arg17 : memref<128x16xf32, #tpu.memory_space<vmem>>)
      tpu.yield
    }) : () -> ()
    "tpu.region"() ({
      %run_scoped3A = tpu.sem_alloc : memref<!tpu.dma_semaphore, #tpu.memory_space<semaphore_mem>>
      %dma_start3A_127 = arith.constant 0 : i32
      %dma_start3A_128 = tpu.memref_slice %arg6[%arg0, %add3A_114, %dma_start3A_127] : memref<2x10240x16xf32, #tpu.memory_space<hbm>> -> memref<1x128x16xf32, #tpu.memory_space<hbm>>
      %dma_start3A_129 = tpu.memref_squeeze %dma_start3A_128 : memref<1x128x16xf32, #tpu.memory_space<hbm>> -> memref<128x16xf32, #tpu.memory_space<hbm>>
      %dma_start3A_130 = arith.constant 0 : i32
      %dma_start3A_131 = tpu.memref_slice %arg6[%arg0, %add3A_114, %dma_start3A_130] : memref<2x10240x16xf32, #tpu.memory_space<hbm>> -> memref<1x128x16xf32, #tpu.memory_space<hbm>>
      %dma_start3A_132 = tpu.memref_squeeze %dma_start3A_131 : memref<1x128x16xf32, #tpu.memory_space<hbm>> -> memref<128x16xf32, #tpu.memory_space<hbm>>
      tpu.enqueue_dma source(%arg17 : memref<128x16xf32, #tpu.memory_space<vmem>>) target(%dma_start3A_132 : memref<128x16xf32, #tpu.memory_space<hbm>>) target_semaphore(%run_scoped3A : memref<!tpu.dma_semaphore, #tpu.memory_space<semaphore_mem>>)
      %dma_wait3A_133 = arith.constant 0 : i32
      %dma_wait3A_134 = tpu.memref_slice %arg6[%arg0, %add3A_114, %dma_wait3A_133] : memref<2x10240x16xf32, #tpu.memory_space<hbm>> -> memref<1x128x16xf32, #tpu.memory_space<hbm>>
      %dma_wait3A_135 = tpu.memref_squeeze %dma_wait3A_134 : memref<1x128x16xf32, #tpu.memory_space<hbm>> -> memref<128x16xf32, #tpu.memory_space<hbm>>
      %dma_wait3A_136 = arith.constant 0 : i32
      %dma_wait3A_137 = tpu.memref_slice %arg6[%arg0, %add3A_114, %dma_wait3A_136] : memref<2x10240x16xf32, #tpu.memory_space<hbm>> -> memref<1x128x16xf32, #tpu.memory_space<hbm>>
      %dma_wait3A_138 = tpu.memref_squeeze %dma_wait3A_137 : memref<1x128x16xf32, #tpu.memory_space<hbm>> -> memref<128x16xf32, #tpu.memory_space<hbm>>
      tpu.wait_dma2 semaphore(%run_scoped3A : memref<!tpu.dma_semaphore, #tpu.memory_space<semaphore_mem>>) src(%arg17 : memref<128x16xf32, #tpu.memory_space<vmem>>) dst(%dma_wait3A_138 : memref<128x16xf32, #tpu.memory_space<hbm>>)
      tpu.yield
    }) : () -> ()
    %mul3A_115 = arith.constant 640 : i32
    %mul3A_116 = arith.muli %arg1, %mul3A_115 : i32
    %add3A_117 = arith.constant 256 : i32
    %add3A_118 = arith.addi %mul3A_116, %add3A_117 : i32
    "tpu.region"() ({
      %run_scoped3A = tpu.sem_alloc : memref<!tpu.dma_semaphore, #tpu.memory_space<semaphore_mem>>
      %dma_start3A_127 = arith.constant 0 : i32
      %dma_start3A_128 = tpu.memref_slice %arg18[%add3A_118, %dma_start3A_127] : memref<10240x16xf32, #tpu.memory_space<vmem_shared>> -> memref<128x16xf32, #tpu.memory_space<vmem_shared>>
      %dma_start3A_129 = arith.constant 0 : i32
      %dma_start3A_130 = tpu.memref_slice %arg18[%add3A_118, %dma_start3A_129] : memref<10240x16xf32, #tpu.memory_space<vmem_shared>> -> memref<128x16xf32, #tpu.memory_space<vmem_shared>>
      tpu.enqueue_dma source(%dma_start3A_130 : memref<128x16xf32, #tpu.memory_space<vmem_shared>>) target(%arg17 : memref<128x16xf32, #tpu.memory_space<vmem>>) target_semaphore(%run_scoped3A : memref<!tpu.dma_semaphore, #tpu.memory_space<semaphore_mem>>)
      %dma_wait3A_131 = arith.constant 0 : i32
      %dma_wait3A_132 = tpu.memref_slice %arg18[%add3A_118, %dma_wait3A_131] : memref<10240x16xf32, #tpu.memory_space<vmem_shared>> -> memref<128x16xf32, #tpu.memory_space<vmem_shared>>
      %dma_wait3A_133 = arith.constant 0 : i32
      %dma_wait3A_134 = tpu.memref_slice %arg18[%add3A_118, %dma_wait3A_133] : memref<10240x16xf32, #tpu.memory_space<vmem_shared>> -> memref<128x16xf32, #tpu.memory_space<vmem_shared>>
      tpu.wait_dma2 semaphore(%run_scoped3A : memref<!tpu.dma_semaphore, #tpu.memory_space<semaphore_mem>>) src(%dma_wait3A_134 : memref<128x16xf32, #tpu.memory_space<vmem_shared>>) dst(%arg17 : memref<128x16xf32, #tpu.memory_space<vmem>>)
      tpu.yield
    }) : () -> ()
    "tpu.region"() ({
      %run_scoped3A = tpu.sem_alloc : memref<!tpu.dma_semaphore, #tpu.memory_space<semaphore_mem>>
      %dma_start3A_127 = arith.constant 0 : i32
      %dma_start3A_128 = tpu.memref_slice %arg6[%arg0, %add3A_118, %dma_start3A_127] : memref<2x10240x16xf32, #tpu.memory_space<hbm>> -> memref<1x128x16xf32, #tpu.memory_space<hbm>>
      %dma_start3A_129 = tpu.memref_squeeze %dma_start3A_128 : memref<1x128x16xf32, #tpu.memory_space<hbm>> -> memref<128x16xf32, #tpu.memory_space<hbm>>
      %dma_start3A_130 = arith.constant 0 : i32
      %dma_start3A_131 = tpu.memref_slice %arg6[%arg0, %add3A_118, %dma_start3A_130] : memref<2x10240x16xf32, #tpu.memory_space<hbm>> -> memref<1x128x16xf32, #tpu.memory_space<hbm>>
      %dma_start3A_132 = tpu.memref_squeeze %dma_start3A_131 : memref<1x128x16xf32, #tpu.memory_space<hbm>> -> memref<128x16xf32, #tpu.memory_space<hbm>>
      tpu.enqueue_dma source(%arg17 : memref<128x16xf32, #tpu.memory_space<vmem>>) target(%dma_start3A_132 : memref<128x16xf32, #tpu.memory_space<hbm>>) target_semaphore(%run_scoped3A : memref<!tpu.dma_semaphore, #tpu.memory_space<semaphore_mem>>)
      %dma_wait3A_133 = arith.constant 0 : i32
      %dma_wait3A_134 = tpu.memref_slice %arg6[%arg0, %add3A_118, %dma_wait3A_133] : memref<2x10240x16xf32, #tpu.memory_space<hbm>> -> memref<1x128x16xf32, #tpu.memory_space<hbm>>
      %dma_wait3A_135 = tpu.memref_squeeze %dma_wait3A_134 : memref<1x128x16xf32, #tpu.memory_space<hbm>> -> memref<128x16xf32, #tpu.memory_space<hbm>>
      %dma_wait3A_136 = arith.constant 0 : i32
      %dma_wait3A_137 = tpu.memref_slice %arg6[%arg0, %add3A_118, %dma_wait3A_136] : memref<2x10240x16xf32, #tpu.memory_space<hbm>> -> memref<1x128x16xf32, #tpu.memory_space<hbm>>
      %dma_wait3A_138 = tpu.memref_squeeze %dma_wait3A_137 : memref<1x128x16xf32, #tpu.memory_space<hbm>> -> memref<128x16xf32, #tpu.memory_space<hbm>>
      tpu.wait_dma2 semaphore(%run_scoped3A : memref<!tpu.dma_semaphore, #tpu.memory_space<semaphore_mem>>) src(%arg17 : memref<128x16xf32, #tpu.memory_space<vmem>>) dst(%dma_wait3A_138 : memref<128x16xf32, #tpu.memory_space<hbm>>)
      tpu.yield
    }) : () -> ()
    %mul3A_119 = arith.constant 640 : i32
    %mul3A_120 = arith.muli %arg1, %mul3A_119 : i32
    %add3A_121 = arith.constant 384 : i32
    %add3A_122 = arith.addi %mul3A_120, %add3A_121 : i32
    "tpu.region"() ({
      %run_scoped3A = tpu.sem_alloc : memref<!tpu.dma_semaphore, #tpu.memory_space<semaphore_mem>>
      %dma_start3A_127 = arith.constant 0 : i32
      %dma_start3A_128 = tpu.memref_slice %arg18[%add3A_122, %dma_start3A_127] : memref<10240x16xf32, #tpu.memory_space<vmem_shared>> -> memref<128x16xf32, #tpu.memory_space<vmem_shared>>
      %dma_start3A_129 = arith.constant 0 : i32
      %dma_start3A_130 = tpu.memref_slice %arg18[%add3A_122, %dma_start3A_129] : memref<10240x16xf32, #tpu.memory_space<vmem_shared>> -> memref<128x16xf32, #tpu.memory_space<vmem_shared>>
      tpu.enqueue_dma source(%dma_start3A_130 : memref<128x16xf32, #tpu.memory_space<vmem_shared>>) target(%arg17 : memref<128x16xf32, #tpu.memory_space<vmem>>) target_semaphore(%run_scoped3A : memref<!tpu.dma_semaphore, #tpu.memory_space<semaphore_mem>>)
      %dma_wait3A_131 = arith.constant 0 : i32
      %dma_wait3A_132 = tpu.memref_slice %arg18[%add3A_122, %dma_wait3A_131] : memref<10240x16xf32, #tpu.memory_space<vmem_shared>> -> memref<128x16xf32, #tpu.memory_space<vmem_shared>>
      %dma_wait3A_133 = arith.constant 0 : i32
      %dma_wait3A_134 = tpu.memref_slice %arg18[%add3A_122, %dma_wait3A_133] : memref<10240x16xf32, #tpu.memory_space<vmem_shared>> -> memref<128x16xf32, #tpu.memory_space<vmem_shared>>
      tpu.wait_dma2 semaphore(%run_scoped3A : memref<!tpu.dma_semaphore, #tpu.memory_space<semaphore_mem>>) src(%dma_wait3A_134 : memref<128x16xf32, #tpu.memory_space<vmem_shared>>) dst(%arg17 : memref<128x16xf32, #tpu.memory_space<vmem>>)
      tpu.yield
    }) : () -> ()
    "tpu.region"() ({
      %run_scoped3A = tpu.sem_alloc : memref<!tpu.dma_semaphore, #tpu.memory_space<semaphore_mem>>
      %dma_start3A_127 = arith.constant 0 : i32
      %dma_start3A_128 = tpu.memref_slice %arg6[%arg0, %add3A_122, %dma_start3A_127] : memref<2x10240x16xf32, #tpu.memory_space<hbm>> -> memref<1x128x16xf32, #tpu.memory_space<hbm>>
      %dma_start3A_129 = tpu.memref_squeeze %dma_start3A_128 : memref<1x128x16xf32, #tpu.memory_space<hbm>> -> memref<128x16xf32, #tpu.memory_space<hbm>>
      %dma_start3A_130 = arith.constant 0 : i32
      %dma_start3A_131 = tpu.memref_slice %arg6[%arg0, %add3A_122, %dma_start3A_130] : memref<2x10240x16xf32, #tpu.memory_space<hbm>> -> memref<1x128x16xf32, #tpu.memory_space<hbm>>
      %dma_start3A_132 = tpu.memref_squeeze %dma_start3A_131 : memref<1x128x16xf32, #tpu.memory_space<hbm>> -> memref<128x16xf32, #tpu.memory_space<hbm>>
      tpu.enqueue_dma source(%arg17 : memref<128x16xf32, #tpu.memory_space<vmem>>) target(%dma_start3A_132 : memref<128x16xf32, #tpu.memory_space<hbm>>) target_semaphore(%run_scoped3A : memref<!tpu.dma_semaphore, #tpu.memory_space<semaphore_mem>>)
      %dma_wait3A_133 = arith.constant 0 : i32
      %dma_wait3A_134 = tpu.memref_slice %arg6[%arg0, %add3A_122, %dma_wait3A_133] : memref<2x10240x16xf32, #tpu.memory_space<hbm>> -> memref<1x128x16xf32, #tpu.memory_space<hbm>>
      %dma_wait3A_135 = tpu.memref_squeeze %dma_wait3A_134 : memref<1x128x16xf32, #tpu.memory_space<hbm>> -> memref<128x16xf32, #tpu.memory_space<hbm>>
      %dma_wait3A_136 = arith.constant 0 : i32
      %dma_wait3A_137 = tpu.memref_slice %arg6[%arg0, %add3A_122, %dma_wait3A_136] : memref<2x10240x16xf32, #tpu.memory_space<hbm>> -> memref<1x128x16xf32, #tpu.memory_space<hbm>>
      %dma_wait3A_138 = tpu.memref_squeeze %dma_wait3A_137 : memref<1x128x16xf32, #tpu.memory_space<hbm>> -> memref<128x16xf32, #tpu.memory_space<hbm>>
      tpu.wait_dma2 semaphore(%run_scoped3A : memref<!tpu.dma_semaphore, #tpu.memory_space<semaphore_mem>>) src(%arg17 : memref<128x16xf32, #tpu.memory_space<vmem>>) dst(%dma_wait3A_138 : memref<128x16xf32, #tpu.memory_space<hbm>>)
      tpu.yield
    }) : () -> ()
    %mul3A_123 = arith.constant 640 : i32
    %mul3A_124 = arith.muli %arg1, %mul3A_123 : i32
    %add3A_125 = arith.constant 512 : i32
    %add3A_126 = arith.addi %mul3A_124, %add3A_125 : i32
    "tpu.region"() ({
      %run_scoped3A = tpu.sem_alloc : memref<!tpu.dma_semaphore, #tpu.memory_space<semaphore_mem>>
      %dma_start3A_127 = arith.constant 0 : i32
      %dma_start3A_128 = tpu.memref_slice %arg18[%add3A_126, %dma_start3A_127] : memref<10240x16xf32, #tpu.memory_space<vmem_shared>> -> memref<128x16xf32, #tpu.memory_space<vmem_shared>>
      %dma_start3A_129 = arith.constant 0 : i32
      %dma_start3A_130 = tpu.memref_slice %arg18[%add3A_126, %dma_start3A_129] : memref<10240x16xf32, #tpu.memory_space<vmem_shared>> -> memref<128x16xf32, #tpu.memory_space<vmem_shared>>
      tpu.enqueue_dma source(%dma_start3A_130 : memref<128x16xf32, #tpu.memory_space<vmem_shared>>) target(%arg17 : memref<128x16xf32, #tpu.memory_space<vmem>>) target_semaphore(%run_scoped3A : memref<!tpu.dma_semaphore, #tpu.memory_space<semaphore_mem>>)
      %dma_wait3A_131 = arith.constant 0 : i32
      %dma_wait3A_132 = tpu.memref_slice %arg18[%add3A_126, %dma_wait3A_131] : memref<10240x16xf32, #tpu.memory_space<vmem_shared>> -> memref<128x16xf32, #tpu.memory_space<vmem_shared>>
      %dma_wait3A_133 = arith.constant 0 : i32
      %dma_wait3A_134 = tpu.memref_slice %arg18[%add3A_126, %dma_wait3A_133] : memref<10240x16xf32, #tpu.memory_space<vmem_shared>> -> memref<128x16xf32, #tpu.memory_space<vmem_shared>>
      tpu.wait_dma2 semaphore(%run_scoped3A : memref<!tpu.dma_semaphore, #tpu.memory_space<semaphore_mem>>) src(%dma_wait3A_134 : memref<128x16xf32, #tpu.memory_space<vmem_shared>>) dst(%arg17 : memref<128x16xf32, #tpu.memory_space<vmem>>)
      tpu.yield
    }) : () -> ()
    "tpu.region"() ({
      %run_scoped3A = tpu.sem_alloc : memref<!tpu.dma_semaphore, #tpu.memory_space<semaphore_mem>>
      %dma_start3A_127 = arith.constant 0 : i32
      %dma_start3A_128 = tpu.memref_slice %arg6[%arg0, %add3A_126, %dma_start3A_127] : memref<2x10240x16xf32, #tpu.memory_space<hbm>> -> memref<1x128x16xf32, #tpu.memory_space<hbm>>
      %dma_start3A_129 = tpu.memref_squeeze %dma_start3A_128 : memref<1x128x16xf32, #tpu.memory_space<hbm>> -> memref<128x16xf32, #tpu.memory_space<hbm>>
      %dma_start3A_130 = arith.constant 0 : i32
      %dma_start3A_131 = tpu.memref_slice %arg6[%arg0, %add3A_126, %dma_start3A_130] : memref<2x10240x16xf32, #tpu.memory_space<hbm>> -> memref<1x128x16xf32, #tpu.memory_space<hbm>>
      %dma_start3A_132 = tpu.memref_squeeze %dma_start3A_131 : memref<1x128x16xf32, #tpu.memory_space<hbm>> -> memref<128x16xf32, #tpu.memory_space<hbm>>
      tpu.enqueue_dma source(%arg17 : memref<128x16xf32, #tpu.memory_space<vmem>>) target(%dma_start3A_132 : memref<128x16xf32, #tpu.memory_space<hbm>>) target_semaphore(%run_scoped3A : memref<!tpu.dma_semaphore, #tpu.memory_space<semaphore_mem>>)
      %dma_wait3A_133 = arith.constant 0 : i32
      %dma_wait3A_134 = tpu.memref_slice %arg6[%arg0, %add3A_126, %dma_wait3A_133] : memref<2x10240x16xf32, #tpu.memory_space<hbm>> -> memref<1x128x16xf32, #tpu.memory_space<hbm>>
      %dma_wait3A_135 = tpu.memref_squeeze %dma_wait3A_134 : memref<1x128x16xf32, #tpu.memory_space<hbm>> -> memref<128x16xf32, #tpu.memory_space<hbm>>
      %dma_wait3A_136 = arith.constant 0 : i32
      %dma_wait3A_137 = tpu.memref_slice %arg6[%arg0, %add3A_126, %dma_wait3A_136] : memref<2x10240x16xf32, #tpu.memory_space<hbm>> -> memref<1x128x16xf32, #tpu.memory_space<hbm>>
      %dma_wait3A_138 = tpu.memref_squeeze %dma_wait3A_137 : memref<1x128x16xf32, #tpu.memory_space<hbm>> -> memref<128x16xf32, #tpu.memory_space<hbm>>
      tpu.wait_dma2 semaphore(%run_scoped3A : memref<!tpu.dma_semaphore, #tpu.memory_space<semaphore_mem>>) src(%arg17 : memref<128x16xf32, #tpu.memory_space<vmem>>) dst(%dma_wait3A_138 : memref<128x16xf32, #tpu.memory_space<hbm>>)
      tpu.yield
    }) : () -> ()
    return
  }
}

module attributes {stable_mosaic.version = 14 : i64} {
  func.func @_tc_pre(%arg0: memref<10000x128xf32, #tpu.memory_space<vmem>>, %arg1: memref<64x128xf32, #tpu.memory_space<vmem>>, %arg2: memref<64x128xf32, #tpu.memory_space<vmem>>, %arg3: memref<2x320000xi32, #tpu.memory_space<vmem>>, %arg4: memref<10240x64xf32, #tpu.memory_space<vmem>>, %arg5: memref<10240x64xf32, #tpu.memory_space<vmem>>, %arg6: memref<327680xi32, #tpu.memory_space<vmem>>, %arg7: memref<327680xi32, #tpu.memory_space<vmem>>) attributes {dimension_semantics = [], scalar_prefetch = 0 : i64, scratch_operands = 0 : i64, tpu.core_type = #tpu.core_type<tc>} {
    %get3A = arith.constant 0 : index
    %get3A_0 = arith.constant 0 : index
    %get3A_1 = vector.load %arg0[%get3A, %get3A_0] : memref<10000x128xf32, #tpu.memory_space<vmem>>, vector<10000x128xf32>
    %get3A_2 = arith.constant 0 : index
    %get3A_3 = arith.constant 0 : index
    %get3A_4 = vector.load %arg1[%get3A_2, %get3A_3] : memref<64x128xf32, #tpu.memory_space<vmem>>, vector<64x128xf32>
    %dot_general3A = arith.constant dense<0.000000e+00> : vector<10000x64xf32>
    %dot_general3A_5 = tpu.matmul %get3A_1, %get3A_4, %dot_general3A {dimension_numbers = #tpu.dot_dimension_numbers<[1], [1], [0], [0], [0, 0, 1, 0], [], []>, transpose_lhs_hint = false} : vector<10000x128xf32>, vector<64x128xf32>, vector<10000x64xf32> -> vector<10000x64xf32>
    %get3A_6 = arith.constant 0 : index
    %get3A_7 = arith.constant 0 : index
    %get3A_8 = vector.load %arg2[%get3A_6, %get3A_7] : memref<64x128xf32, #tpu.memory_space<vmem>>, vector<64x128xf32>
    %dot_general3A_9 = arith.constant dense<0.000000e+00> : vector<10000x64xf32>
    %dot_general3A_10 = tpu.matmul %get3A_1, %get3A_8, %dot_general3A_9 {dimension_numbers = #tpu.dot_dimension_numbers<[1], [1], [0], [0], [0, 0, 1, 0], [], []>, transpose_lhs_hint = false} : vector<10000x128xf32>, vector<64x128xf32>, vector<10000x64xf32> -> vector<10000x64xf32>
    %broadcast_in_dim3A = arith.constant 0.000000e+00 : f32
    %broadcast_in_dim3A_11 = vector.broadcast %broadcast_in_dim3A : f32 to vector<240x64xf32>
    %concatenate3A = tpu.concatenate %dot_general3A_10, %broadcast_in_dim3A_11 in 0 : vector<10000x64xf32>, vector<240x64xf32> -> vector<10240x64xf32>
    %swap3A = arith.constant 0 : index
    %swap3A_12 = arith.constant 0 : index
    %swap3A_13 = vector.load %arg5[%swap3A, %swap3A_12] : memref<10240x64xf32, #tpu.memory_space<vmem>>, vector<10240x64xf32>
    tpu.vector_store %arg5[%swap3A, %swap3A_12], %concatenate3A {strides = array<i32>} : memref<10240x64xf32, #tpu.memory_space<vmem>>, vector<10240x64xf32>,
    %concatenate3A_14 = tpu.concatenate %dot_general3A_5, %broadcast_in_dim3A_11 in 0 : vector<10000x64xf32>, vector<240x64xf32> -> vector<10240x64xf32>
    %swap3A_15 = arith.constant 0 : index
    %swap3A_16 = arith.constant 0 : index
    %swap3A_17 = vector.load %arg4[%swap3A_15, %swap3A_16] : memref<10240x64xf32, #tpu.memory_space<vmem>>, vector<10240x64xf32>
    tpu.vector_store %arg4[%swap3A_15, %swap3A_16], %concatenate3A_14 {strides = array<i32>} : memref<10240x64xf32, #tpu.memory_space<vmem>>, vector<10240x64xf32>,
    %iota3A = tpu.iota {dimensions = array<i32: 0>} : vector<60x128xi32>
    %mul3A = arith.constant 128 : i32
    %mul3A_18 = vector.broadcast %mul3A : i32 to vector<60x128xi32>
    %mul3A_19 = arith.muli %iota3A, %mul3A_18 : vector<60x128xi32>
    %iota3A_20 = tpu.iota {dimensions = array<i32: 1>} : vector<60x128xi32>
    %add3A = arith.addi %mul3A_19, %iota3A_20 : vector<60x128xi32>
    %rem3A = arith.constant 240 : i32
    %rem3A_21 = vector.broadcast %rem3A : i32 to vector<60x128xi32>
    %rem3A_22 = arith.remsi %add3A, %rem3A_21 : vector<60x128xi32>
    %add3A_23 = arith.constant 10000 : i32
    %add3A_24 = vector.broadcast %add3A_23 : i32 to vector<60x128xi32>
    %add3A_25 = arith.addi %add3A_24, %rem3A_22 : vector<60x128xi32>
    %get3A_26 = arith.constant 0 : index
    %get3A_27 = arith.constant 0 : index
    %get3A_28 = vector.load %arg3[%get3A_26, %get3A_27] : memref<2x320000xi32, #tpu.memory_space<vmem>>, vector<1x320000xi32>
    %get3A_29 = vector.shape_cast %get3A_28 : vector<1x320000xi32> to vector<320000xi32>
    %reshape3A = vector.shape_cast %get3A_29 : vector<320000xi32> to vector<2500x128xi32>
    %concatenate3A_30 = tpu.concatenate %reshape3A, %add3A_25 in 0 : vector<2500x128xi32>, vector<60x128xi32> -> vector<2560x128xi32>
    %reshape3A_31 = vector.shape_cast %concatenate3A_30 : vector<2560x128xi32> to vector<327680xi32>
    %swap3A_32 = arith.constant 0 : index
    %swap3A_33 = vector.load %arg6[%swap3A_32] : memref<327680xi32, #tpu.memory_space<vmem>>, vector<327680xi32>
    tpu.vector_store %arg6[%swap3A_32], %reshape3A_31 {strides = array<i32>} : memref<327680xi32, #tpu.memory_space<vmem>>, vector<327680xi32>,
    %get3A_34 = arith.constant 1 : index
    %get3A_35 = arith.constant 0 : index
    %get3A_36 = vector.load %arg3[%get3A_34, %get3A_35] : memref<2x320000xi32, #tpu.memory_space<vmem>>, vector<1x320000xi32>
    %get3A_37 = vector.shape_cast %get3A_36 : vector<1x320000xi32> to vector<320000xi32>
    %reshape3A_38 = vector.shape_cast %get3A_37 : vector<320000xi32> to vector<2500x128xi32>
    %concatenate3A_39 = tpu.concatenate %reshape3A_38, %add3A_25 in 0 : vector<2500x128xi32>, vector<60x128xi32> -> vector<2560x128xi32>
    %reshape3A_40 = vector.shape_cast %concatenate3A_39 : vector<2560x128xi32> to vector<327680xi32>
    %swap3A_41 = arith.constant 0 : index
    %swap3A_42 = vector.load %arg7[%swap3A_41] : memref<327680xi32, #tpu.memory_space<vmem>>, vector<327680xi32>
    tpu.vector_store %arg7[%swap3A_41], %reshape3A_40 {strides = array<i32>} : memref<327680xi32, #tpu.memory_space<vmem>>, vector<327680xi32>,
    return
  }
}

module attributes {stable_mosaic.version = 14 : i64} {
  func.func @_tc_mid(%arg0: memref<2x10240x64xf32, #tpu.memory_space<vmem>>, %arg1: memref<2x10240x16xf32, #tpu.memory_space<vmem>>, %arg2: memref<10240x64xf32, #tpu.memory_space<vmem>>, %arg3: memref<1x64xf32, #tpu.memory_space<vmem>>, %arg4: memref<1x64xf32, #tpu.memory_space<vmem>>, %arg5: memref<1x64xf32, #tpu.memory_space<vmem>>, %arg6: memref<16x64xf32, #tpu.memory_space<vmem>>, %arg7: memref<16x64xf32, #tpu.memory_space<vmem>>, %arg8: memref<10240x16xf32, #tpu.memory_space<vmem>>, %arg9: memref<10240x16xf32, #tpu.memory_space<vmem>>, %arg10: memref<10240x1xf32, #tpu.memory_space<vmem>>) attributes {dimension_semantics = [], scalar_prefetch = 0 : i64, scratch_operands = 0 : i64, tpu.core_type = #tpu.core_type<tc>} {
    %get3A = arith.constant 0 : index
    %get3A_0 = arith.constant 0 : index
    %get3A_1 = arith.constant 0 : index
    %get3A_2 = vector.load %arg0[%get3A, %get3A_0, %get3A_1] : memref<2x10240x64xf32, #tpu.memory_space<vmem>>, vector<1x10240x64xf32>
    %get3A_3 = vector.shape_cast %get3A_2 : vector<1x10240x64xf32> to vector<10240x64xf32>
    %get3A_4 = arith.constant 1 : index
    %get3A_5 = arith.constant 0 : index
    %get3A_6 = arith.constant 0 : index
    %get3A_7 = vector.load %arg0[%get3A_4, %get3A_5, %get3A_6] : memref<2x10240x64xf32, #tpu.memory_space<vmem>>, vector<1x10240x64xf32>
    %get3A_8 = vector.shape_cast %get3A_7 : vector<1x10240x64xf32> to vector<10240x64xf32>
    %add3A = arith.addf %get3A_3, %get3A_8 : vector<10240x64xf32>
    %get3A_9 = arith.constant 0 : index
    %get3A_10 = arith.constant 0 : index
    %get3A_11 = arith.constant 0 : index
    %get3A_12 = vector.load %arg1[%get3A_9, %get3A_10, %get3A_11] : memref<2x10240x16xf32, #tpu.memory_space<vmem>>, vector<1x10240x1xf32>
    %get3A_13 = vector.shape_cast %get3A_12 : vector<1x10240x1xf32> to vector<10240x1xf32>
    %get3A_14 = arith.constant 1 : index
    %get3A_15 = arith.constant 0 : index
    %get3A_16 = arith.constant 0 : index
    %get3A_17 = vector.load %arg1[%get3A_14, %get3A_15, %get3A_16] : memref<2x10240x16xf32, #tpu.memory_space<vmem>>, vector<1x10240x1xf32>
    %get3A_18 = vector.shape_cast %get3A_17 : vector<1x10240x1xf32> to vector<10240x1xf32>
    %add3A_19 = arith.addf %get3A_13, %get3A_18 : vector<10240x1xf32>
    %max3A = arith.constant 1.000000e+00 : f32
    %max3A_20 = vector.broadcast %max3A : f32 to vector<10240x1xf32>
    %max3A_21 = arith.maximumf %add3A_19, %max3A_20 : vector<10240x1xf32>
    %div3A = arith.constant 1.000000e+00 : f32
    %div3A_22 = vector.broadcast %div3A : f32 to vector<10240x1xf32>
    %div3A_23 = arith.divf %div3A_22, %max3A_21 : vector<10240x1xf32>
    %swap3A = arith.constant 0 : index
    %swap3A_24 = arith.constant 0 : index
    %swap3A_25 = vector.load %arg10[%swap3A, %swap3A_24] : memref<10240x1xf32, #tpu.memory_space<vmem>>, vector<10240x1xf32>
    tpu.vector_store %arg10[%swap3A, %swap3A_24], %div3A_23 {strides = array<i32>} : memref<10240x1xf32, #tpu.memory_space<vmem>>, vector<10240x1xf32>,
    %mul3A = vector.broadcast %div3A_23 : vector<10240x1xf32> to vector<10240x64xf32>
    %mul3A_26 = arith.mulf %add3A, %mul3A : vector<10240x64xf32>
    %get3A_27 = arith.constant 0 : index
    %get3A_28 = arith.constant 0 : index
    %get3A_29 = vector.load %arg3[%get3A_27, %get3A_28] : memref<1x64xf32, #tpu.memory_space<vmem>>, vector<1x64xf32>
    %add3A_30 = vector.broadcast %get3A_29 : vector<1x64xf32> to vector<10240x64xf32>
    %add3A_31 = arith.addf %mul3A_26, %add3A_30 : vector<10240x64xf32>
    %get3A_32 = arith.constant 0 : index
    %get3A_33 = arith.constant 0 : index
    %get3A_34 = vector.load %arg2[%get3A_32, %get3A_33] : memref<10240x64xf32, #tpu.memory_space<vmem>>, vector<10240x64xf32>
    %add3A_35 = arith.addf %add3A_31, %get3A_34 : vector<10240x64xf32>
    %iota3A = tpu.iota {dimensions = array<i32: 0>} : vector<10240x1xi32>
    %lt3A = arith.constant 10000 : i32
    %lt3A_36 = vector.broadcast %lt3A : i32 to vector<10240x1xi32>
    %lt3A_37 = arith.cmpi slt, %iota3A, %lt3A_36 : vector<10240x1xi32>
    %jit3A = arith.constant 0.000000e+00 : f32
    %broadcast_in_dim3A = vector.shape_cast %lt3A_37 : vector<10240x1xi1> to vector<10240x1xi1>
    %broadcast_in_dim3A_38 = vector.broadcast %broadcast_in_dim3A : vector<10240x1xi1> to vector<10240x64xi1>
    %broadcast_in_dim3A_39 = vector.broadcast %jit3A : f32 to vector<10240x64xf32>
    %select_n3A = arith.select %broadcast_in_dim3A_38, %add3A_35, %broadcast_in_dim3A_39 : vector<10240x64xi1>, vector<10240x64xf32>
    %reduce_sum3A = arith.constant dense<0.000000e+00> : vector<64xf32>
    %reduce_sum3A_40 = vector.multi_reduction <add>, %select_n3A, %reduce_sum3A [0] : vector<10240x64xf32> to vector<64xf32>
    %broadcast_in_dim3A_41 = vector.shape_cast %reduce_sum3A_40 : vector<64xf32> to vector<1x64xf32>
    %mul3A_42 = arith.constant 9.99999974E-5 : f32
    %mul3A_43 = vector.broadcast %mul3A_42 : f32 to vector<1x64xf32>
    %mul3A_44 = arith.mulf %broadcast_in_dim3A_41, %mul3A_43 : vector<1x64xf32>
    %sub3A = vector.broadcast %mul3A_44 : vector<1x64xf32> to vector<10240x64xf32>
    %sub3A_45 = arith.subf %add3A_35, %sub3A : vector<10240x64xf32>
    %jit3A_46 = arith.constant 0.000000e+00 : f32
    %broadcast_in_dim3A_47 = vector.shape_cast %lt3A_37 : vector<10240x1xi1> to vector<10240x1xi1>
    %broadcast_in_dim3A_48 = vector.broadcast %broadcast_in_dim3A_47 : vector<10240x1xi1> to vector<10240x64xi1>
    %broadcast_in_dim3A_49 = vector.broadcast %jit3A_46 : f32 to vector<10240x64xf32>
    %select_n3A_50 = arith.select %broadcast_in_dim3A_48, %sub3A_45, %broadcast_in_dim3A_49 : vector<10240x64xi1>, vector<10240x64xf32>
    %mul3A_51 = arith.mulf %select_n3A_50, %select_n3A_50 : vector<10240x64xf32>
    %reduce_sum3A_52 = arith.constant dense<0.000000e+00> : vector<64xf32>
    %reduce_sum3A_53 = vector.multi_reduction <add>, %mul3A_51, %reduce_sum3A_52 [0] : vector<10240x64xf32> to vector<64xf32>
    %broadcast_in_dim3A_54 = vector.shape_cast %reduce_sum3A_53 : vector<64xf32> to vector<1x64xf32>
    %mul3A_55 = arith.constant 9.99999974E-5 : f32
    %mul3A_56 = vector.broadcast %mul3A_55 : f32 to vector<1x64xf32>
    %mul3A_57 = arith.mulf %broadcast_in_dim3A_54, %mul3A_56 : vector<1x64xf32>
    %sub3A_58 = vector.broadcast %mul3A_44 : vector<1x64xf32> to vector<10240x64xf32>
    %sub3A_59 = arith.subf %add3A_35, %sub3A_58 : vector<10240x64xf32>
    %add3A_60 = arith.constant 9.99999974E-6 : f32
    %add3A_61 = vector.broadcast %add3A_60 : f32 to vector<1x64xf32>
    %add3A_62 = arith.addf %mul3A_57, %add3A_61 : vector<1x64xf32>
    %rsqrt3A = math.rsqrt %add3A_62 : vector<1x64xf32>
    %mul3A_63 = vector.broadcast %rsqrt3A : vector<1x64xf32> to vector<10240x64xf32>
    %mul3A_64 = arith.mulf %sub3A_59, %mul3A_63 : vector<10240x64xf32>
    %get3A_65 = arith.constant 0 : index
    %get3A_66 = arith.constant 0 : index
    %get3A_67 = vector.load %arg4[%get3A_65, %get3A_66] : memref<1x64xf32, #tpu.memory_space<vmem>>, vector<1x64xf32>
    %mul3A_68 = vector.broadcast %get3A_67 : vector<1x64xf32> to vector<10240x64xf32>
    %mul3A_69 = arith.mulf %mul3A_64, %mul3A_68 : vector<10240x64xf32>
    %get3A_70 = arith.constant 0 : index
    %get3A_71 = arith.constant 0 : index
    %get3A_72 = vector.load %arg5[%get3A_70, %get3A_71] : memref<1x64xf32, #tpu.memory_space<vmem>>, vector<1x64xf32>
    %add3A_73 = vector.broadcast %get3A_72 : vector<1x64xf32> to vector<10240x64xf32>
    %add3A_74 = arith.addf %mul3A_69, %add3A_73 : vector<10240x64xf32>
    %max3A_75 = arith.constant 0.000000e+00 : f32
    %max3A_76 = vector.broadcast %max3A_75 : f32 to vector<10240x64xf32>
    %max3A_77 = arith.maximumf %add3A_74, %max3A_76 : vector<10240x64xf32>
    %get3A_78 = arith.constant 0 : index
    %get3A_79 = arith.constant 0 : index
    %get3A_80 = vector.load %arg6[%get3A_78, %get3A_79] : memref<16x64xf32, #tpu.memory_space<vmem>>, vector<16x64xf32>
    %dot_general3A = arith.constant dense<0.000000e+00> : vector<10240x16xf32>
    %dot_general3A_81 = tpu.matmul %max3A_77, %get3A_80, %dot_general3A {dimension_numbers = #tpu.dot_dimension_numbers<[1], [1], [0], [0], [0, 0, 1, 0], [], []>, transpose_lhs_hint = false} : vector<10240x64xf32>, vector<16x64xf32>, vector<10240x16xf32> -> vector<10240x16xf32>
    %swap3A_82 = arith.constant 0 : index
    %swap3A_83 = arith.constant 0 : index
    %swap3A_84 = vector.load %arg8[%swap3A_82, %swap3A_83] : memref<10240x16xf32, #tpu.memory_space<vmem>>, vector<10240x16xf32>
    tpu.vector_store %arg8[%swap3A_82, %swap3A_83], %dot_general3A_81 {strides = array<i32>} : memref<10240x16xf32, #tpu.memory_space<vmem>>, vector<10240x16xf32>,
    %get3A_85 = arith.constant 0 : index
    %get3A_86 = arith.constant 0 : index
    %get3A_87 = vector.load %arg7[%get3A_85, %get3A_86] : memref<16x64xf32, #tpu.memory_space<vmem>>, vector<16x64xf32>
    %dot_general3A_88 = arith.constant dense<0.000000e+00> : vector<10240x16xf32>
    %dot_general3A_89 = tpu.matmul %max3A_77, %get3A_87, %dot_general3A_88 {dimension_numbers = #tpu.dot_dimension_numbers<[1], [1], [0], [0], [0, 0, 1, 0], [], []>, transpose_lhs_hint = false} : vector<10240x64xf32>, vector<16x64xf32>, vector<10240x16xf32> -> vector<10240x16xf32>
    %swap3A_90 = arith.constant 0 : index
    %swap3A_91 = arith.constant 0 : index
    %swap3A_92 = vector.load %arg9[%swap3A_90, %swap3A_91] : memref<10240x16xf32, #tpu.memory_space<vmem>>, vector<10240x16xf32>
    tpu.vector_store %arg9[%swap3A_90, %swap3A_91], %dot_general3A_89 {strides = array<i32>} : memref<10240x16xf32, #tpu.memory_space<vmem>>, vector<10240x16xf32>,
    return
  }
}

module attributes {stable_mosaic.version = 14 : i64} {
  func.func @_tc_post(%arg0: memref<2x10240x16xf32, #tpu.memory_space<vmem>>, %arg1: memref<10240x16xf32, #tpu.memory_space<vmem>>, %arg2: memref<10240x1xf32, #tpu.memory_space<vmem>>, %arg3: memref<1x16xf32, #tpu.memory_space<vmem>>, %arg4: memref<10000x16xf32, #tpu.memory_space<vmem>>) attributes {dimension_semantics = [], scalar_prefetch = 0 : i64, scratch_operands = 0 : i64, tpu.core_type = #tpu.core_type<tc>} {
    %get3A = arith.constant 0 : index
    %get3A_0 = arith.constant 0 : index
    %get3A_1 = arith.constant 0 : index
    %get3A_2 = vector.load %arg0[%get3A, %get3A_0, %get3A_1] : memref<2x10240x16xf32, #tpu.memory_space<vmem>>, vector<1x10240x16xf32>
    %get3A_3 = vector.shape_cast %get3A_2 : vector<1x10240x16xf32> to vector<10240x16xf32>
    %get3A_4 = arith.constant 1 : index
    %get3A_5 = arith.constant 0 : index
    %get3A_6 = arith.constant 0 : index
    %get3A_7 = vector.load %arg0[%get3A_4, %get3A_5, %get3A_6] : memref<2x10240x16xf32, #tpu.memory_space<vmem>>, vector<1x10240x16xf32>
    %get3A_8 = vector.shape_cast %get3A_7 : vector<1x10240x16xf32> to vector<10240x16xf32>
    %add3A = arith.addf %get3A_3, %get3A_8 : vector<10240x16xf32>
    %get3A_9 = arith.constant 0 : index
    %get3A_10 = arith.constant 0 : index
    %get3A_11 = vector.load %arg2[%get3A_9, %get3A_10] : memref<10240x1xf32, #tpu.memory_space<vmem>>, vector<10240x1xf32>
    %mul3A = vector.broadcast %get3A_11 : vector<10240x1xf32> to vector<10240x16xf32>
    %mul3A_12 = arith.mulf %add3A, %mul3A : vector<10240x16xf32>
    %get3A_13 = arith.constant 0 : index
    %get3A_14 = arith.constant 0 : index
    %get3A_15 = vector.load %arg3[%get3A_13, %get3A_14] : memref<1x16xf32, #tpu.memory_space<vmem>>, vector<1x16xf32>
    %add3A_16 = vector.broadcast %get3A_15 : vector<1x16xf32> to vector<10240x16xf32>
    %add3A_17 = arith.addf %mul3A_12, %add3A_16 : vector<10240x16xf32>
    %get3A_18 = arith.constant 0 : index
    %get3A_19 = arith.constant 0 : index
    %get3A_20 = vector.load %arg1[%get3A_18, %get3A_19] : memref<10240x16xf32, #tpu.memory_space<vmem>>, vector<10240x16xf32>
    %add3A_21 = arith.addf %add3A_17, %get3A_20 : vector<10240x16xf32>
    %slice3A = vector.extract_strided_slice %add3A_21 {offsets = [0, 0], sizes = [10000, 16], strides = [1, 1]} : vector<10240x16xf32> to vector<10000x16xf32>
    %swap3A = arith.constant 0 : index
    %swap3A_22 = arith.constant 0 : index
    %swap3A_23 = vector.load %arg4[%swap3A, %swap3A_22] : memref<10000x16xf32, #tpu.memory_space<vmem>>, vector<10000x16xf32>
    tpu.vector_store %arg4[%swap3A, %swap3A_22], %slice3A {strides = array<i32>} : memref<10000x16xf32, #tpu.memory_space<vmem>>, vector<10000x16xf32>,
    return
  }
}

</mosaic_0001>

<sc_bundles>
// kernel: kernel.10.cloned.1.call-start
scs
__scs_entry_jumppad:
0x0: {  	(pc) =	sbr.rel $0x88, $3  }
0x1: {  	(tag) =	ssettag $0x0;
	lr =	simm.s32 $0x1  }
0x2: {  	[smem:$0x3F97] =	sst lr;
	_ =	strace $0xD0000000  }
0x3: {  	_ = 	snop  }
0x4: {  	_ = 	snop  }
0x5: {  	_ = 	snop  }
0x6: {  	_ = 	snop  }
0x7: {  	_ = 	snop  }
__scs_overlays_trampoline_lowered:
0x8: {  	[smem:$0x3FA6] =	sst s0  }
0x9: {  	[smem:$0x3FA7] =	sst s1  }
0xa: {  	[smem:$0x3FA8] =	sst s2  }
0xb: {  	[smem:$0x3FA9] =	sst s3  }
0xc: {  	[smem:$0x3FAA] =	sst s4  }
0xd: {  	[smem:$0x3FAB] =	sst s5  }
0xe: {  	[smem:$0x3FAC] =	sst s6  }
0xf: {  	[smem:$0x3FAD] =	sst s7  }
0x10: {  	[smem:$0x3FAE] =	sst s8  }
0x11: {  	[smem:$0x3FAF] =	sst s9;
	s0 =	simm.s32 @!p0 $0x0  }
0x12: {  	s1 =	sld [smem:$0x3F95];
	s0 =	simm.s32 @p0 $0x1  }
0x13: {  	[smem:$0x3FB0] =	sst s0;
	s0 =	simm.s32 @!p1 $0x0  }
0x14: {  	s2 =	sld [smem:$0x3F94];
	s0 =	simm.s32 @p1 $0x1  }
0x15: {  	[smem:$0x3FB1] =	sst s0;
	s0 =	simm.s32 @!p2 $0x0  }
0x16: {  	s3 =	sld [smem:$0x3FDB];
	s0 =	simm.s32 @p2 $0x1  }
0x17: {  	s4 =	simm.s32 $0x1BF5;
	[smem:$0x3FB3] =	sst s0  }
0x18: {  	s0 =	sld [smem:$0x3F96];
	_ =	swait.ge [sflag:s4], $0x0  }
0x19: {  	s7 =	sld [smem:$0x3F97]  }
0x1a: {  	s8 =	sadd.s32 $0xFFFFE003, lr  }
0x1b: {  	s9 =	sadd.s32 $0xFFFFFEF7, lr;
	s5 =	simm.s32 $0xFFFFFFFF;
	p2 =	slt.u32 s8, $0xFFFFF086  }
0x1c: {  	p1 =	slt.u32 s9, $0xF7A;
	s5 =	simm.s32 @!p2 $0x0  }
0x1d: {  	s5 =	simm.s32 @p1 $0x1;
	p0 =	seq.s32 s7, s2  }
0x1e: {  	s7 =	smul.u32 @!p0 $0xF7A, s2;
	p2 =	seq.s32 @!p0 s5, $0x0  }
0x1f: {  	s9 =	smul.u32 $0xF7A, s1;
	s8 =	simm.s32 @!p0 $0x1BF5;
	p2 =	por !p2, p0  }
0x20: {  	[sflag:s8] =	ssyncset.s32 @!p0 $0xFFFFF086;
	s6 =	sadd.s32 @!p0 s3, s7;
	s7 =	simm.s32 @!p0 $0x108  }
0x21: {  	s3 =	sadd.s32 s3, s9;
	s6 =	sadd.s32 @!p0 $0x88, s6;
	s7 =	simm.s32 @p2 $0x1082  }
0x22: {  	[simem:s7], [sflag:s8] =	dma.local @!p0 [hbm:s6], $0xF7A  }
0x23: {  	s9 =	sor.u32 $0xD0000000, s2;
	s6 =	simm.s32 $0x108;
	_ =	swait.ge @!p0 [sflag:s8], $0x0  }
0x24: {  	s3 =	sadd.s32 $0x88, s3;
	s6 =	simm.s32 @!p1 $0x1082;
	[sflag:s4] =	ssyncset.s32 $0xFFFFF086  }
0x25: {  	[simem:s6], [sflag:s4] =	dma.local [hbm:s3], $0xF7A  }
0x26: {  	[smem:$0x3F97] =	sst s1;
	(tag) =	ssettag s2;
	_ =	strace s9  }
0x27: {  	s1 =	sld [smem:$0x3FA7]  }
0x28: {  	s2 =	sld [smem:$0x3FA8]  }
0x29: {  	s4 =	sld [smem:$0x3FAA]  }
0x2a: {  	p0 =	seq.s32 s5, $0x0;
	s5 =	sld [smem:$0x3FAB]  }
0x2b: {  	s6 =	sld [smem:$0x3FAC]  }
0x2c: {  	s7 =	sld [smem:$0x3FAD]  }
0x2d: {  	s3 =	simm.s32 $0x108;
	s8 =	sld [smem:$0x3FAE]  }
0x2e: {  	s3 =	simm.s32 @!p0 $0x1082;
	s9 =	sld [smem:$0x3FAF]  }
0x2f: {  	lr =	sadd.s32 s0, s3;
	s0 =	sld [smem:$0x3FA6]  }
0x30: {  	s3 =	sld [smem:$0x3FA9]  }
0x31: {  	[smem:$0x3FB2] =	sst s10  }
0x32: {  	s10 =	sld [smem:$0x3FB0];
	_ =	sdelay $0x3  }
0x33: {  	p0 =	seq.s32 s10, $0x1;
	s10 =	sld [smem:$0x3FB2];
	_ =	sdelay $0x3  }
0x34: {  	[smem:$0x3FB2] =	sst s10  }
0x35: {  	s10 =	sld [smem:$0x3FB1];
	_ =	sdelay $0x3  }
0x36: {  	p1 =	seq.s32 s10, $0x1;
	s10 =	sld [smem:$0x3FB2];
	_ =	sdelay $0x3  }
0x37: {  	[smem:$0x3FB2] =	sst s10  }
0x38: {  	s10 =	sld [smem:$0x3FB3]  }
0x39: {  	_ = 	snop;
	(pc) =	sbr.ind lr, $3  }
0x3a: {  	_ = 	snop  }
0x3b: {  	_ = 	snop  }
0x3c: {  	p2 =	seq.s32 s10, $0x1;
	s10 =	sld [smem:$0x3FB2]  }
0x3d: {  	_ =	shalt  }
0x3e: {  	_ =	shalt  }
0x3f: {  	_ =	shalt  }
0x40: {  	_ =	shalt  }
0x41: {  	_ =	shalt  }
0x42: {  	_ =	shalt  }
0x43: {  	_ =	shalt  }
0x44: {  	_ =	shalt  }
0x45: {  	_ =	shalt  }
0x46: {  	_ =	shalt  }
0x47: {  	_ =	shalt  }
0x48: {  	_ =	shalt  }
0x49: {  	_ =	shalt  }
0x4a: {  	_ =	shalt  }
0x4b: {  	_ =	shalt  }
0x4c: {  	_ =	shalt  }
0x4d: {  	_ =	shalt  }
0x4e: {  	_ =	shalt  }
0x4f: {  	_ =	shalt  }
0x50: {  	_ =	shalt  }
0x51: {  	_ =	shalt  }
0x52: {  	_ =	shalt  }
0x53: {  	_ =	shalt  }
0x54: {  	_ =	shalt  }
0x55: {  	_ =	shalt  }
0x56: {  	_ =	shalt  }
0x57: {  	_ =	shalt  }
0x58: {  	_ =	shalt  }
0x59: {  	_ =	shalt  }
0x5a: {  	_ =	shalt  }
0x5b: {  	_ =	shalt  }
0x5c: {  	_ =	shalt  }
0x5d: {  	_ =	shalt  }
0x5e: {  	_ =	shalt  }
0x5f: {  	_ =	shalt  }
0x60: {  	_ =	shalt  }
0x61: {  	_ =	shalt  }
0x62: {  	_ =	shalt  }
0x63: {  	_ =	shalt  }
0x64: {  	_ =	shalt  }
0x65: {  	_ =	shalt  }
0x66: {  	_ =	shalt  }
0x67: {  	_ =	shalt  }
0x68: {  	_ =	shalt  }
0x69: {  	_ =	shalt  }
0x6a: {  	_ =	shalt  }
0x6b: {  	_ =	shalt  }
0x6c: {  	_ =	shalt  }
0x6d: {  	_ =	shalt  }
0x6e: {  	_ =	shalt  }
0x6f: {  	_ =	shalt  }
0x70: {  	_ =	shalt  }
0x71: {  	_ =	shalt  }
0x72: {  	_ =	shalt  }
0x73: {  	_ =	shalt  }
0x74: {  	_ =	shalt  }
0x75: {  	_ =	shalt  }
0x76: {  	_ =	shalt  }
0x77: {  	_ =	shalt  }
0x78: {  	_ =	shalt  }
0x79: {  	_ =	shalt  }
0x7a: {  	_ =	shalt  }
0x7b: {  	_ =	shalt  }
0x7c: {  	_ =	shalt  }
0x7d: {  	_ =	shalt  }
0x7e: {  	_ =	shalt  }
0x7f: {  	_ =	shalt  }
0x80: {  	_ =	shalt  }
0x81: {  	_ =	shalt  }
0x82: {  	_ =	shalt  }
0x83: {  	_ =	shalt  }
0x84: {  	_ =	shalt  }
0x85: {  	_ =	shalt  }
0x86: {  	_ =	shalt  }
0x87: {  	_ =	shalt  }
.Lfunc_end0:
.L_simem_size_0:
called_computation.1_lowered:
.L_overlay_start_0:
0x88: {  	s2 =	sld [smem:$0x3FD9]  }
0x89: {  	s3 =	sld [smem:$0x3FFE];
	_ =	sdelay $0x1  }
0x8a: {  	s1 =	srdreg.scid  }
0x8b: {  	s0 =	sand.u32 $0x1, s1  }
0x8c: {  	s16 =	sshll.u32 s0, $0xA;
	s2 =	sadd.s32 s3, s2  }
0x8d: {  	s2 =	sadd.s32 s2, s16  }
0x8e: {  	[smem:$0x3FBE] =	sst s2  }
0x8f: {  	_ = 	snop  }
0x90: {  	(tm) =	ssettm $0x1  }
0x91: {  	s17 =	sld [smem:$0x3FFB];
	_ =	sdelay $0x3  }
0x92: {  	_ =	strace s17  }
0x93: {  	s2 =	sld [smem:$0x3FFC];
	_ =	sdelay $0x3  }
0x94: {  	_ =	strace s2  }
0x95: {  	s2 =	sld [smem:$0x3FFD];
	_ =	sdelay $0x3  }
0x96: {  	_ =	strace s2  }
0x97: {  	_ =	strace $0x8FFFFFFF  }
0x98: {  	s18 =	sld [smem:$0x3FDB];
	_ =	sdelay $0x1  }
0x99: {  	s19 =	simm.s32 $_scs_section_size  }
0x9a: {  	s4 =	simm.s32 $_size__tile_overlayer_lowered;
	s5 =	simm.s32 $_tile_overlayer_lowered  }
0x9b: {  	s22 =	simm.s32 $0x1BFF;
	s21 =	sshll.u32 s5, $0x1;
	s2 =	sadd.s32 s19, s18  }
0x9c: {  	s6 =	simm.s32 $0x0;
	s20 =	sshll.u32 s4, $0x1;
	s4 =	sadd.s32 s21, s2  }
0x9d: {  	[timem:s6], [sflag:s22] =	dma.local [hbm:s4], s20  }
0x9e: {  	_ =	swait.ge [sflag:s22], s20  }
0x9f: {  	s3 =	ssub.s32 $0x0, s20;
	[sflag:s22] =	ssyncset.done $0x0  }
0xa0: {  	[sflag:s22] =	ssyncadd.s32 s3;
	_ =	sdelay $0x1  }
0xa1: {  	s23 =	simm.s32 $0x1B8B  }
0xa2: {  	_ =	swait.ge [sflag:s23], $0x1  }
0xa3: {  	[sflag:s23] =	ssyncset.done $0x0  }
0xa4: {  	s25 =	simm.s32 $0x1B8E;
	s24 =	sld [smem:$0x3FFE];
	[sflag:s23] =	ssyncadd.s32 $0xFFFFFFFF  }
0xa5: {  	s26 =	simm.s32 $execute0_lowered;
	[smem:$0x3FD2] =	sst s25  }
0xa6: {  	s4 =	sshll.u32 s26, $0x1;
	_ =	strace $0x80000049;
	[dreg:$0x1] =	wrdreg $0xFFFFFFFF  }
0xa7: {  	s28 =	simm.s32 $_size_execute0_lowered;
	s2 =	sadd.s32 s2, s4;
	[dreg:$0x0] =	wrdreg $0x0  }
0xa8: {  	s4 =	sshll.u32 s28, $0x1;
	[dreg:$0x2] =	wrdreg s2  }
0xa9: {  	[dreg:$0x3] =	wrdreg s4  }
0xaa: {  	[dreg:$0x4] =	wrdreg $0xC0  }
0xab: {  	_ =	task [dreg:s6], $0x5FFFF  }
0xac: {  	[dreg:$0x1] =	wrdreg $0xFFFFFFFF  }
0xad: {  	[dreg:$0x0] =	wrdreg $0x60  }
0xae: {  	[dreg:$0x2] =	wrdreg s24  }
0xaf: {  	[dreg:$0x3] =	wrdreg $0x98000  }
0xb0: {  	[dreg:$0x4] =	wrdreg $0x9  }
0xb1: {  	_ =	task.clear_ibuf [dreg:s6], $0x5FFFF;
	_ =	strace $0x90000049  }
0xb2: {  	s29 =	simm.s32 $0x9;
	_ =	strace $0x8000004B  }
0xb3: {  	_ =	swait.ge [sflag:s29], $0x1  }
0xb4: {  	[sflag:s29] =	ssyncadd.s32 $0xFFFFFFFF  }
0xb5: {  	_ =	strace $0x9000004B  }
0xb6: {  	_ =	sfence  }
0xb7: {  	s30 =	sld [smem:$0x0];
	_ =	sdelay $0x2  }
0xb8: {  	s31 =	sshll.u32 s1, $0xD;
	s1 =	sshrl.u32 s1, $0x2  }
0xb9: {  	s3 =	sand.u32 $0x4000, s31;
	s1 =	sadd.s32 s1, s30  }
0xba: {  	s0 =	sor.u32 s3, s0;
	s1 =	sshll.u32 s1, $0x11  }
0xbb: {  	s0 =	sor.u32 s1, s0  }
0xbc: {  	s0 =	sadd.s32 $0x8F2B, s0  }
0xbd: {  	[sflag:s0] =	ssyncadd.remote.s32 $0x1  }
0xbe: {  	_ =	sfence.sel $0xFFFF  }
0xbf: {  	[dreg:$0x0] =	wrdreg $0xFFFFFFFF;
	(pc) =	sbr.abs _section_cstart, $3  }
0xc0: {  	[dreg:$0x1] =	wrdreg $0xFFFFFFFF  }
0xc1: {  	_ =	task.clear_ibuf [dreg:s6], $0x2FFFF;
	_ =	strace $0x9FFFFFFF  }
0xc2: {  	(tm) =	ssettm $0x7FFFFFFF  }
0xc3: {  	_ =	shalt  }
tec
execute0_lowered:
.L_overlay_start_1:
0x0: {  	(tag) =	ssettag $0x1  }
0x1: {  	s0 =	srdreg.scid;
	s1 =	rddreg [dreg:$0x0]  }
0x2: {  	s2 =	rddreg [dreg:$0x1];
	s6 =	stileid.u32  }
0x3: {  	s3 =	simm.s32 $0x0;
	s31 =	simm.s32 $0x7000;
	s28 =	simm.s32 $0x8800  }
0x4: {  	s29 =	simm.s32 $0x1;
	s30 =	simm.s32 $0x3;
	s0 =	sand.u32 $0x1, s0  }
0x5: {  	[smem:$0x7FF] =	sst s3;
	s11 =	smul.u32 $0x2800, s6;
	s17 =	sadd.s32 $0x2A800, s1  }
0x6: {  	s4 =	sshll.u32 s0, $0x4;
	_ =	strace $0x8000004A;
	[dreg:$0x3] =	wrdreg s17  }
0x7: {  	s18 =	ssub.s32 $0x2, s0;
	s0 =	smul.u32 $0x28000, s0;
	s17 =	simm.s32 $0x0  }
0x8: {  	s4 =	sor.u32 s6, s4;
	s7 =	sshrl.u32 s18, $0x1;
	s12 =	sadd.s32 $0x800, s11  }
0x9: {  	s6 =	sadd.s32 s11, s2;
	s14 =	sadd.s32 $0x1000, s11;
	s15 =	sadd.s32 $0x1800, s11  }
0xa: {  	s16 =	sadd.s32 $0x2000, s11;
	s5 =	smul.u32 $0x500, s4;
	s4 =	sadd.s32 $0x16800, s1  }
0xb: {  	s13 =	ssub.s32 s18, s7;
	s18 =	sadd.s32 s12, s2;
	s25 =	sadd.s32 s14, s2  }
0xc: {  	s19 =	sadd.s32 s15, s2;
	s8 =	sadd.s32 s16, s2;
	s11 =	sadd.s32 s11, s0  }
0xd: {  	s12 =	sadd.s32 s0, s12;
	s22 =	sadd.s32 s0, s14;
	s23 =	sadd.s32 s0, s15  }
0xe: {  	s0 =	sadd.s32 s0, s16;
	s15 =	simm.s32 $0xF;
	s16 =	simm.s32 $0x10  }
0xf: {  	s11 =	sshrl.u32 s11, $0x3;
	s12 =	sshrl.u32 s12, $0x3;
	s0 =	sshrl.u32 s0, $0x3  }
0x10: {  	s26 =	smax.u32 s13, $0x1;
	s5 =	sadd.s32 s5, s1;
	s1 =	sadd.s32 $0x1B800, s1  }
0x11: {  	[dreg:$0xc] =	wrdreg s26;
	s26 =	simm.s32 $0x6000;
	s9 =	sadd.s32 $0x2800, s5  }
0x12: {  	s5 =	sadd.s32 $0xC800, s5;
	s20 =	sadd.s32 s1, s11;
	[dreg:$0x5] =	wrdreg s9  }
0x13: {  	s21 =	sadd.s32 s1, s12;
	s12 =	smov.u32 s8;
	[dreg:$0x6] =	wrdreg s5  }
0x14: {  	s11 =	sshrl.u32 s23, $0x3;
	s0 =	sadd.s32 s1, s0;
	[dreg:$0x7] =	wrdreg s20  }
0x15: {  	s23 =	simm.s32 $0x5000;
	[dreg:$0x8] =	wrdreg s21;
	s5 =	sshrl.u32 s22, $0x3  }
.Ltmp0:
0x16: {  	s24 =	sadd.s32 s1, s11;
	s11 =	smov.u32 s19;
	(pc) =	sbr.rel .LBB2_1-.Ltmp0, $4  }
0x17: {  	[dreg:$0xb] =	wrdreg s0;
	s19 =	simm.s32 $0x9000;
	s20 =	simm.s32 $0x11  }
0x18: {  	s22 =	simm.s32 $0x80;
	s0 =	simm.s32 $0x5;
	[dreg:$0x4] =	wrdreg s12  }
0x19: {  	s21 =	simm.s32 $0x8;
	s5 =	sadd.s32 s1, s5;
	[dreg:$0xa] =	wrdreg s24  }
0x1a: {  	s24 =	simm.s32 $0x8000;
	s1 =	simm.s32 $0x7;
	[dreg:$0x9] =	wrdreg s5  }
.LBB2_4:
0x1b: {  	_ =	swait.ge [sflag:s21], $0x800  }
0x1c: {  	[sflag:s21] =	ssyncset.done $0x0  }
0x1d: {  	s12 =	simm.s32 $0x9;
	[sflag:s21] =	ssyncadd.s32 $0xFFFFF800  }
0x1e: {  	[spmem:s2] =	stream.indirect.scatter.add.f32 [tilespmem:s28], [sflag:$0x10], $0x10, s5, s22, $0xb8;
	[tilespmem:$0xC000] =	vst v63  }
0x1f: {  	_ =	swait.ge [sflag:s12], $0x800  }
0x20: {  	[sflag:s12] =	ssyncset.done $0x0  }
0x21: {  	s13 =	simm.s32 $0xA;
	[sflag:s12] =	ssyncadd.s32 $0xFFFFF800  }
0x22: {  	_ =	swait.ge [sflag:s13], $0x800  }
0x23: {  	[sflag:s13] =	ssyncset.done $0x0  }
0x24: {  	s14 =	simm.s32 $0xB;
	[sflag:s13] =	ssyncadd.s32 $0xFFFFF800  }
0x25: {  	_ =	swait.ge [sflag:s14], $0x800  }
0x26: {  	[sflag:s14] =	ssyncset.done $0x0  }
0x27: {  	s18 =	simm.s32 $0xC;
	[sflag:s14] =	ssyncadd.s32 $0xFFFFF800  }
0x28: {  	_ =	swait.ge [sflag:s18], $0x800  }
0x29: {  	[sflag:s18] =	ssyncset.done $0x0  }
0x2a: {  	s25 =	simm.s32 $0xD;
	[sflag:s18] =	ssyncadd.s32 $0xFFFFF800  }
0x2b: {  	_ =	swait.ge [sflag:s25], $0x800  }
0x2c: {  	[sflag:s25] =	ssyncset.done $0x0  }
0x2d: {  	s6 =	simm.s32 $0xE;
	[sflag:s25] =	ssyncadd.s32 $0xFFFFF800  }
0x2e: {  	_ =	swait.ge [sflag:s6], $0x800  }
0x2f: {  	[sflag:s6] =	ssyncset.done $0x0  }
0x30: {  	[sflag:s6] =	ssyncadd.s32 $0xFFFFF800  }
0x31: {  	_ =	swait.ge [sflag:s15], $0x800  }
0x32: {  	[sflag:s15] =	ssyncset.done $0x0  }
0x33: {  	[sflag:s15] =	ssyncadd.s32 $0xFFFFF800  }
0x34: {  	_ =	swait.ge [sflag:s16], $0x800  }
0x35: {  	[sflag:s16] =	ssyncset.done $0x0  }
0x36: {  	[sflag:s16] =	ssyncadd.s32 $0xFFFFF800  }
0x37: {  	[bflag:$0x0] =	sbarrier.arrive $0xFFFF  }
0x38: {  	[tilespmem:s19], [sflag:$0x11] =	stream.linear.gather [spmem:s7], $0x800, $0x38;
	[tilespmem:$0xC000] =	vst v63  }
0x39: {  	_ =	swait.ge [sflag:s20], $0x800  }
0x3a: {  	[sflag:s20] =	ssyncset.done $0x0  }
0x3b: {  	s6 =	smov.u32 s7;
	s7 =	rddreg [dreg:$0x7];
	[sflag:s20] =	ssyncadd.s32 $0xFFFFF800  }
0x3c: {  	[hbm4b:s7+s3] =	stream.linear.scatter [tilespmem:s19], [sflag:$0x11], $0x800, $0x38;
	[tilespmem:$0xC000] =	vst v63  }
0x3d: {  	_ =	swait.ge [sflag:s20], $0x800  }
0x3e: {  	[sflag:s20] =	ssyncset.done $0x0  }
0x3f: {  	[sflag:s20] =	ssyncadd.s32 $0xFFFFF800  }
0x40: {  	[tilespmem:s19], [sflag:$0x11] =	stream.linear.gather [spmem:s8], $0x800, $0x38;
	[tilespmem:$0xC000] =	vst v63  }
0x41: {  	_ =	swait.ge [sflag:s20], $0x800  }
0x42: {  	[sflag:s20] =	ssyncset.done $0x0  }
0x43: {  	s18 =	smov.u32 s8;
	s8 =	rddreg [dreg:$0x8];
	[sflag:s20] =	ssyncadd.s32 $0xFFFFF800  }
0x44: {  	[hbm4b:s8+s3] =	stream.linear.scatter [tilespmem:s19], [sflag:$0x11], $0x800, $0x38;
	[tilespmem:$0xC000] =	vst v63  }
0x45: {  	_ =	swait.ge [sflag:s20], $0x800  }
0x46: {  	[sflag:s20] =	ssyncset.done $0x0  }
0x47: {  	[sflag:s20] =	ssyncadd.s32 $0xFFFFF800  }
0x48: {  	[tilespmem:s19], [sflag:$0x11] =	stream.linear.gather [spmem:s9], $0x800, $0x38;
	[tilespmem:$0xC000] =	vst v63  }
0x49: {  	_ =	swait.ge [sflag:s20], $0x800  }
0x4a: {  	[sflag:s20] =	ssyncset.done $0x0  }
0x4b: {  	s11 =	rddreg [dreg:$0x9];
	[sflag:s20] =	ssyncadd.s32 $0xFFFFF800  }
0x4c: {  	[hbm4b:s11+s3] =	stream.linear.scatter [tilespmem:s19], [sflag:$0x11], $0x800, $0x38;
	[tilespmem:$0xC000] =	vst v63  }
0x4d: {  	_ =	swait.ge [sflag:s20], $0x800  }
0x4e: {  	[sflag:s20] =	ssyncset.done $0x0  }
0x4f: {  	[sflag:s20] =	ssyncadd.s32 $0xFFFFF800  }
0x50: {  	[tilespmem:s19], [sflag:$0x11] =	stream.linear.gather [spmem:s10], $0x800, $0x38;
	[tilespmem:$0xC000] =	vst v63  }
0x51: {  	_ =	swait.ge [sflag:s20], $0x800  }
0x52: {  	[sflag:s20] =	ssyncset.done $0x0  }
0x53: {  	s12 =	rddreg [dreg:$0xa];
	[sflag:s20] =	ssyncadd.s32 $0xFFFFF800  }
0x54: {  	[hbm4b:s12+s3] =	stream.linear.scatter [tilespmem:s19], [sflag:$0x11], $0x800, $0x38;
	[tilespmem:$0xC000] =	vst v63  }
0x55: {  	_ =	swait.ge [sflag:s20], $0x800  }
0x56: {  	[sflag:s20] =	ssyncset.done $0x0  }
0x57: {  	s12 =	rddreg [dreg:$0x4];
	[sflag:s20] =	ssyncadd.s32 $0xFFFFF800  }
0x58: {  	[tilespmem:s19], [sflag:$0x11] =	stream.linear.gather [spmem:s12], $0x800, $0x38;
	[tilespmem:$0xC000] =	vst v63  }
0x59: {  	_ =	swait.ge [sflag:s20], $0x800  }
0x5a: {  	[sflag:s20] =	ssyncset.done $0x0  }
0x5b: {  	s13 =	rddreg [dreg:$0xb];
	[sflag:s20] =	ssyncadd.s32 $0xFFFFF800  }
0x5c: {  	[hbm4b:s13+s3] =	stream.linear.scatter [tilespmem:s19], [sflag:$0x11], $0x800, $0x38;
	[tilespmem:$0xC000] =	vst v63  }
0x5d: {  	_ =	swait.ge [sflag:s20], $0x800  }
0x5e: {  	s17 =	sadd.s32 $0x1, s17;
	s14 =	rddreg [dreg:$0xc]  }
0x5f: {  	p0 =	sne.s32 s17, s14  }
.Ltmp1:
0x60: {  	_ = 	snop;
	(pc) =	sbr.rel @!p0 .LBB2_5-.Ltmp1, $3  }
0x61: {  	_ =	sdelay $0x1  }
0x62: {  	[sflag:s20] =	ssyncset.done $0x0  }
0x63: {  	s25 =	smov.u32 s9;
	s11 =	smov.u32 s10;
	[sflag:s20] =	ssyncadd.s32 $0xFFFFF800  }
.LBB2_1:
0x64: {  	s5 =	rddreg [dreg:$0x3]  }
0x65: {  	[tilespmem:s19], [sflag:$0x11] =	stream.linear.gather [hbm4b:s5+s3], $0x800, $0x38;
	[tilespmem:$0xC000] =	vst v63  }
0x66: {  	_ =	swait.ge [sflag:s20], $0x800  }
0x67: {  	[sflag:s20] =	ssyncset.done $0x0  }
0x68: {  	[sflag:s20] =	ssyncadd.s32 $0xFFFFF800  }
0x69: {  	[spmem:s6] =	stream.linear.scatter [tilespmem:s19], [sflag:$0x11], $0x800, $0x38;
	[tilespmem:$0xC000] =	vst v63  }
0x6a: {  	_ =	swait.ge [sflag:s20], $0x800  }
0x6b: {  	[sflag:s20] =	ssyncset.done $0x0  }
0x6c: {  	[sflag:s20] =	ssyncadd.s32 $0xFFFFF800  }
0x6d: {  	[spmem:s18] =	stream.linear.scatter [tilespmem:s19], [sflag:$0x11], $0x800, $0x38;
	[tilespmem:$0xC000] =	vst v63  }
0x6e: {  	_ =	swait.ge [sflag:s20], $0x800  }
0x6f: {  	[sflag:s20] =	ssyncset.done $0x0  }
0x70: {  	[sflag:s20] =	ssyncadd.s32 $0xFFFFF800  }
0x71: {  	[spmem:s25] =	stream.linear.scatter [tilespmem:s19], [sflag:$0x11], $0x800, $0x38;
	[tilespmem:$0xC000] =	vst v63  }
0x72: {  	_ =	swait.ge [sflag:s20], $0x800  }
0x73: {  	[sflag:s20] =	ssyncset.done $0x0  }
0x74: {  	[sflag:s20] =	ssyncadd.s32 $0xFFFFF800  }
0x75: {  	[spmem:s11] =	stream.linear.scatter [tilespmem:s19], [sflag:$0x11], $0x800, $0x38;
	[tilespmem:$0xC000] =	vst v63  }
0x76: {  	_ =	swait.ge [sflag:s20], $0x800  }
0x77: {  	[sflag:s20] =	ssyncset.done $0x0  }
0x78: {  	[sflag:s20] =	ssyncadd.s32 $0xFFFFF800  }
0x79: {  	[spmem:s12] =	stream.linear.scatter [tilespmem:s19], [sflag:$0x11], $0x800, $0x38;
	[tilespmem:$0xC000] =	vst v63  }
0x7a: {  	_ =	swait.ge [sflag:s20], $0x800  }
0x7b: {  	[sflag:s20] =	ssyncset.done $0x0  }
0x7c: {  	[sflag:s20] =	ssyncadd.s32 $0xFFFFF800  }
0x7d: {  	[bflag:$0x0] =	sbarrier.arrive $0xFFFF  }
0x7e: {  	s12 =	rddreg [dreg:$0x5]  }
0x7f: {  	[tilespmem:s3], [sflag:$0x11] =	stream.linear.gather [hbm4b:s12+s3], $0x2800, $0x38;
	[tilespmem:$0xC000] =	vst v63  }
0x80: {  	_ =	swait.ge [sflag:s20], $0x2800  }
0x81: {  	[sflag:s20] =	ssyncset.done $0x0  }
0x82: {  	s14 =	simm.s32 $0x2800;
	s13 =	rddreg [dreg:$0x6];
	[sflag:s20] =	ssyncadd.s32 $0xFFFFD800  }
0x83: {  	[tilespmem:s14], [sflag:$0x11] =	stream.linear.gather [hbm4b:s13+s3], $0x2800, $0x38;
	[tilespmem:$0xC000] =	vst v63  }
0x84: {  	_ =	swait.ge [sflag:s20], $0x2800  }
0x85: {  	[sflag:s20] =	ssyncset.done $0x0  }
0x86: {  	[sflag:s20] =	ssyncadd.s32 $0xFFFFD800  }
0x87: {  	[tilespmem:s23], [sflag:$0x1] =	stream.indirect.gather [hbm4b:s4+s22], $0x10, s3, s22, $0xb8;
	[tilespmem:$0xC000] =	vst v63  }
0x88: {  	s8 =	smov.u32 s18;
	s18 =	simm.s32 $0x5800  }
0x89: {  	[tilespmem:s18], [sflag:$0x2] =	stream.indirect.gather [hbm4b:s4+s22], $0x10, s22, s22, $0xb8;
	[tilespmem:$0xC000] =	vst v63  }
0x8a: {  	s7 =	smov.u32 s6;
	s9 =	smov.u32 s25;
	s25 =	simm.s32 $0x100  }
0x8b: {  	[tilespmem:s26], [sflag:$0x3] =	stream.indirect.gather [hbm4b:s4+s22], $0x10, s25, s22, $0xb8;
	[tilespmem:$0xC000] =	vst v63  }
0x8c: {  	s10 =	smov.u32 s11;
	s6 =	simm.s32 $0x180;
	s11 =	simm.s32 $0x6800  }
0x8d: {  	[tilespmem:s11], [sflag:$0x4] =	stream.indirect.gather [hbm4b:s4+s22], $0x10, s6, s22, $0xb8;
	[tilespmem:$0xC000] =	vst v63  }
0x8e: {  	s12 =	simm.s32 $0x200  }
0x8f: {  	[tilespmem:s31], [sflag:$0x5] =	stream.indirect.gather [hbm4b:s4+s22], $0x10, s12, s22, $0xb8;
	[tilespmem:$0xC000] =	vst v63  }
0x90: {  	s13 =	simm.s32 $0x280;
	s14 =	simm.s32 $0x7800  }
0x91: {  	[tilespmem:s14], [sflag:$0x6] =	stream.indirect.gather [hbm4b:s4+s22], $0x10, s13, s22, $0xb8;
	[tilespmem:$0xC000] =	vst v63  }
0x92: {  	s18 =	simm.s32 $0x300  }
0x93: {  	[tilespmem:s24], [sflag:$0x7] =	stream.indirect.gather [hbm4b:s4+s22], $0x10, s18, s22, $0xb8;
	[tilespmem:$0xC000] =	vst v63  }
0x94: {  	s25 =	simm.s32 $0x380;
	s18 =	simm.s32 $0x0  }
0x95: {  	[tilespmem:s28], [sflag:$0x8] =	stream.indirect.gather [hbm4b:s4+s22], $0x10, s25, s22, $0xb8;
	[tilespmem:$0xC000] =	vst v63  }
.LBB2_2:
0x96: {  	_ =	swait.ge [sflag:s29], $0x800  }
0x97: {  	s25 =	sshra.s32 s18, $0x2;
	[sflag:s29] =	ssyncset.done $0x0  }
0x98: {  	p0 =	seq.s32 s18, $0x9000;
	s5 =	sadd.s32 $0x2800, s25;
	[sflag:s29] =	ssyncadd.s32 $0xFFFFF800  }
0x99: {  	[spmem:s2] =	stream.indirect.scatter.add.f32 [tilespmem:s23], [sflag:$0x9], $0x10, s5, s22, $0xb8;
	[tilespmem:$0xC000] =	vst v63  }
0x9a: {  	s5 =	simm.s32 @p0 $0x2  }
0x9b: {  	_ =	swait.ge @p0 [sflag:s5], $0x800  }
0x9c: {  	s12 =	sshra.s32 @p0 s18, $0x2;
	s13 =	simm.s32 @p0 $0x80;
	[sflag:s5] =	ssyncset.done @p0 $0x0  }
0x9d: {  	s11 =	simm.s32 @p0 $0x5800;
	[sflag:s5] =	ssyncadd.s32 @p0 $0xFFFFF800;
	s5 =	sadd.s32 @p0 $0x2880, s12  }
0x9e: {  	[spmem:s2] =	stream.indirect.scatter.add.f32 @p0 [tilespmem:s11], [sflag:$0xA], $0x10, s5, s13, $0xb8;
	[tilespmem:$0xC000] =	vst v63  }
0x9f: {  	s5 =	simm.s32 @!p0 $0x9  }
0xa0: {  	_ =	swait.ge @!p0 [sflag:s5], $0x800  }
0xa1: {  	[sflag:s5] =	ssyncset.done @!p0 $0x0  }
0xa2: {  	[sflag:s5] =	ssyncadd.s32 @!p0 $0xFFFFF800;
	s5 =	sshra.s32 @!p0 s18, $0x2  }
0xa3: {  	s6 =	simm.s32 @!p0 $0x5000;
	s11 =	simm.s32 @!p0 $0x80;
	s14 =	sadd.s32 @!p0 $0x400, s5  }
0xa4: {  	[tilespmem:s6], [sflag:$0x1] =	stream.indirect.gather @!p0 [hbm4b:s4+s11], $0x10, s14, s11, $0xb8;
	[tilespmem:$0xC000] =	vst v63  }
0xa5: {  	s6 =	simm.s32 @!p0 $0x2  }
0xa6: {  	_ =	swait.ge @!p0 [sflag:s6], $0x800  }
0xa7: {  	[sflag:s6] =	ssyncset.done @!p0 $0x0  }
0xa8: {  	s14 =	simm.s32 @!p0 $0x5800;
	[sflag:s6] =	ssyncadd.s32 @!p0 $0xFFFFF800;
	s6 =	sadd.s32 @!p0 $0x2880, s5  }
0xa9: {  	[spmem:s2] =	stream.indirect.scatter.add.f32 @!p0 [tilespmem:s14], [sflag:$0xA], $0x10, s6, s11, $0xb8;
	[tilespmem:$0xC000] =	vst v63  }
0xaa: {  	s6 =	simm.s32 @!p0 $0xA  }
0xab: {  	_ =	swait.ge @!p0 [sflag:s6], $0x800  }
0xac: {  	[sflag:s6] =	ssyncset.done @!p0 $0x0  }
0xad: {  	[sflag:s6] =	ssyncadd.s32 @!p0 $0xFFFFF800;
	s6 =	sadd.s32 @!p0 $0x480, s5  }
0xae: {  	[tilespmem:s14], [sflag:$0x2] =	stream.indirect.gather @!p0 [hbm4b:s4+s11], $0x10, s6, s11, $0xb8;
	[tilespmem:$0xC000] =	vst v63  }
0xaf: {  	_ =	swait.ge [sflag:s30], $0x800  }
0xb0: {  	[sflag:s30] =	ssyncset.done $0x0  }
0xb1: {  	s14 =	sadd.s32 $0x2900, s25;
	s6 =	simm.s32 @p0 $0x4;
	[sflag:s30] =	ssyncadd.s32 $0xFFFFF800  }
0xb2: {  	[spmem:s2] =	stream.indirect.scatter.add.f32 [tilespmem:s26], [sflag:$0xB], $0x10, s14, s22, $0xb8;
	[tilespmem:$0xC000] =	vst v63  }
0xb3: {  	_ =	swait.ge @p0 [sflag:s6], $0x800  }
0xb4: {  	[sflag:s6] =	ssyncset.done @p0 $0x0  }
0xb5: {  	s14 =	simm.s32 @p0 $0x6800;
	[sflag:s6] =	ssyncadd.s32 @p0 $0xFFFFF800;
	s6 =	sadd.s32 @p0 $0x2980, s12  }
0xb6: {  	[spmem:s2] =	stream.indirect.scatter.add.f32 @p0 [tilespmem:s14], [sflag:$0xC], $0x10, s6, s13, $0xb8;
	[tilespmem:$0xC000] =	vst v63  }
0xb7: {  	s6 =	simm.s32 @!p0 $0xB  }
0xb8: {  	_ =	swait.ge @!p0 [sflag:s6], $0x800  }
0xb9: {  	[sflag:s6] =	ssyncset.done @!p0 $0x0  }
0xba: {  	s14 =	simm.s32 @!p0 $0x6000;
	[sflag:s6] =	ssyncadd.s32 @!p0 $0xFFFFF800;
	s6 =	sadd.s32 @!p0 $0x500, s5  }
0xbb: {  	[tilespmem:s14], [sflag:$0x3] =	stream.indirect.gather @!p0 [hbm4b:s4+s11], $0x10, s6, s11, $0xb8;
	[tilespmem:$0xC000] =	vst v63  }
0xbc: {  	s6 =	simm.s32 @!p0 $0x4  }
0xbd: {  	_ =	swait.ge @!p0 [sflag:s6], $0x800  }
0xbe: {  	[sflag:s6] =	ssyncset.done @!p0 $0x0  }
0xbf: {  	s14 =	simm.s32 @!p0 $0x6800;
	[sflag:s6] =	ssyncadd.s32 @!p0 $0xFFFFF800;
	s6 =	sadd.s32 @!p0 $0x2980, s5  }
0xc0: {  	[spmem:s2] =	stream.indirect.scatter.add.f32 @!p0 [tilespmem:s14], [sflag:$0xC], $0x10, s6, s11, $0xb8;
	[tilespmem:$0xC000] =	vst v63  }
0xc1: {  	s6 =	simm.s32 @!p0 $0xC  }
0xc2: {  	_ =	swait.ge @!p0 [sflag:s6], $0x800  }
0xc3: {  	[sflag:s6] =	ssyncset.done @!p0 $0x0  }
0xc4: {  	[sflag:s6] =	ssyncadd.s32 @!p0 $0xFFFFF800;
	s6 =	sadd.s32 @!p0 $0x580, s5  }
0xc5: {  	[tilespmem:s14], [sflag:$0x4] =	stream.indirect.gather @!p0 [hbm4b:s4+s11], $0x10, s6, s11, $0xb8;
	[tilespmem:$0xC000] =	vst v63  }
0xc6: {  	_ =	swait.ge [sflag:s0], $0x800  }
0xc7: {  	[sflag:s0] =	ssyncset.done $0x0  }
0xc8: {  	s14 =	sadd.s32 $0x2A00, s25;
	s6 =	simm.s32 @p0 $0x6;
	[sflag:s0] =	ssyncadd.s32 $0xFFFFF800  }
0xc9: {  	[spmem:s2] =	stream.indirect.scatter.add.f32 [tilespmem:s31], [sflag:$0xD], $0x10, s14, s22, $0xb8;
	[tilespmem:$0xC000] =	vst v63  }
0xca: {  	_ =	swait.ge @p0 [sflag:s6], $0x800  }
0xcb: {  	[sflag:s6] =	ssyncset.done @p0 $0x0  }
0xcc: {  	[sflag:s6] =	ssyncadd.s32 @p0 $0xFFFFF800;
	s6 =	sadd.s32 @p0 $0x2A80, s12;
	s12 =	simm.s32 @p0 $0x7800  }
0xcd: {  	[spmem:s2] =	stream.indirect.scatter.add.f32 @p0 [tilespmem:s12], [sflag:$0xE], $0x10, s6, s13, $0xb8;
	[tilespmem:$0xC000] =	vst v63  }
0xce: {  	s6 =	simm.s32 @!p0 $0xD  }
0xcf: {  	_ =	swait.ge @!p0 [sflag:s6], $0x800  }
0xd0: {  	[sflag:s6] =	ssyncset.done @!p0 $0x0  }
0xd1: {  	s12 =	simm.s32 @!p0 $0x7000;
	[sflag:s6] =	ssyncadd.s32 @!p0 $0xFFFFF800;
	s6 =	sadd.s32 @!p0 $0x600, s5  }
0xd2: {  	[tilespmem:s12], [sflag:$0x5] =	stream.indirect.gather @!p0 [hbm4b:s4+s11], $0x10, s6, s11, $0xb8;
	[tilespmem:$0xC000] =	vst v63  }
0xd3: {  	s6 =	simm.s32 @!p0 $0x6  }
0xd4: {  	_ =	swait.ge @!p0 [sflag:s6], $0x800  }
0xd5: {  	[sflag:s6] =	ssyncset.done @!p0 $0x0  }
0xd6: {  	s12 =	simm.s32 @!p0 $0x7800;
	[sflag:s6] =	ssyncadd.s32 @!p0 $0xFFFFF800;
	s6 =	sadd.s32 @!p0 $0x2A80, s5  }
0xd7: {  	[spmem:s2] =	stream.indirect.scatter.add.f32 @!p0 [tilespmem:s12], [sflag:$0xE], $0x10, s6, s11, $0xb8;
	[tilespmem:$0xC000] =	vst v63  }
0xd8: {  	s6 =	simm.s32 @!p0 $0xE  }
0xd9: {  	_ =	swait.ge @!p0 [sflag:s6], $0x800  }
0xda: {  	[sflag:s6] =	ssyncset.done @!p0 $0x0  }
0xdb: {  	s5 =	sadd.s32 @!p0 $0x680, s5;
	[sflag:s6] =	ssyncadd.s32 @!p0 $0xFFFFF800  }
0xdc: {  	[tilespmem:s12], [sflag:$0x6] =	stream.indirect.gather @!p0 [hbm4b:s4+s11], $0x10, s5, s11, $0xb8;
	[tilespmem:$0xC000] =	vst v63  }
.Ltmp2:
0xdd: {  	_ = 	snop;
	(pc) =	sbr.rel @p0 .LBB2_4-.Ltmp2, $4  }
0xde: {  	_ =	swait.ge [sflag:s1], $0x800  }
0xdf: {  	[sflag:s1] =	ssyncset.done $0x0  }
0xe0: {  	s14 =	sadd.s32 $0x2B00, s25;
	s5 =	sadd.s32 $0x2B80, s25;
	[sflag:s1] =	ssyncadd.s32 $0xFFFFF800  }
0xe1: {  	[spmem:s2] =	stream.indirect.scatter.add.f32 [tilespmem:s24], [sflag:$0xF], $0x10, s14, s22, $0xb8;
	[tilespmem:$0xC000] =	vst v63  }
0xe2: {  	_ =	swait.ge [sflag:s15], $0x800  }
0xe3: {  	[sflag:s15] =	ssyncset.done $0x0  }
0xe4: {  	s6 =	sadd.s32 $0x700, s25;
	[sflag:s15] =	ssyncadd.s32 $0xFFFFF800  }
0xe5: {  	[tilespmem:s24], [sflag:$0x7] =	stream.indirect.gather [hbm4b:s4+s22], $0x10, s6, s22, $0xb8;
	[tilespmem:$0xC000] =	vst v63  }
0xe6: {  	_ =	swait.ge [sflag:s21], $0x800  }
0xe7: {  	[sflag:s21] =	ssyncset.done $0x0  }
0xe8: {  	[sflag:s21] =	ssyncadd.s32 $0xFFFFF800  }
0xe9: {  	[spmem:s2] =	stream.indirect.scatter.add.f32 [tilespmem:s28], [sflag:$0x10], $0x10, s5, s22, $0xb8;
	[tilespmem:$0xC000] =	vst v63  }
.Ltmp3:
0xea: {  	_ = 	snop;
	(pc) =	sbr.rel .LBB2_2-.Ltmp3, $4  }
0xeb: {  	_ =	swait.ge [sflag:s16], $0x800  }
0xec: {  	[sflag:s16] =	ssyncset.done $0x0  }
0xed: {  	s25 =	sadd.s32 $0x780, s25;
	s18 =	sadd.s32 $0x1000, s18;
	[sflag:s16] =	ssyncadd.s32 $0xFFFFF800  }
0xee: {  	[tilespmem:s28], [sflag:$0x8] =	stream.indirect.gather [hbm4b:s4+s22], $0x10, s25, s22, $0xb8;
	[tilespmem:$0xC000] =	vst v63  }
.LBB2_5:
0xef: {  	_ =	sfence.sel $0x180000  }
0xf0: {  	[bflag:$0x0] =	sbarrier.arrive $0xFFFF  }
0xf1: {  	_ =	strace $0x9000004A  }
0xf2: {  	s0 =	stileid.u32;
	[bflag:$0x2] =	sbarrier.arrive $0xFFFF  }
0xf3: {  	p0 =	sne.s32 s0, $0x0;
	s0 =	rddreg [dreg:$0x2]  }
0xf4: {  	s0 =	sadd.s32 @!p0 $0x100000, s0  }
0xf5: {  	[sflag:s0] =	ssyncadd.tile.s32 @!p0 $0x1;
	_ =	shalt  }
.Lfunc_end2:
_tile_overlayer_lowered:
.L_overlay_start_2:
0xf6: {  	(tag) =	ssettag $0x2  }
0xf7: {  	s0 =	rddreg [dreg:$0x0];
	s2 =	stileid.u32  }
0xf8: {  	s1 =	rddreg [dreg:$0x1];
	p0 =	sne.s32 s2, $0x0  }
0xf9: {  	s3 =	rddreg [dreg:$0x2];
	[bflag:$0x3] =	sbarrier.arrive $0xFFFF;
	s2 =	simm.s32 @!p0 $0x1C11  }
0xfa: {  	[timem:s3], [sflag:s2] =	dma.local @!p0 [hbm:s0], s1  }
0xfb: {  	s0 =	simm.s32 @!p0 $0x11  }
0xfc: {  	_ =	swait.ge @!p0 [sflag:s0], s1  }
0xfd: {  	s1 =	ssub.s32 @!p0 $0x0, s1;
	[sflag:s0] =	ssyncset.done @!p0 $0x0  }
0xfe: {  	[sflag:s0] =	ssyncadd.s32 @!p0 s1  }
0xff: {  	[bflag:$0x3] =	sbarrier.arrive $0xFFFF  }
0x100: {  	_ =	shalt  }

// kernel: kernel.7.cloned.1.call-start
scs
__scs_entry_jumppad:
0x0: {  	(pc) =	sbr.rel $0x88, $3  }
0x1: {  	(tag) =	ssettag $0x0;
	lr =	simm.s32 $0x1  }
0x2: {  	[smem:$0x3F97] =	sst lr;
	_ =	strace $0xD0000000  }
0x3: {  	_ = 	snop  }
0x4: {  	_ = 	snop  }
0x5: {  	_ = 	snop  }
0x6: {  	_ = 	snop  }
0x7: {  	_ = 	snop  }
__scs_overlays_trampoline_lowered:
0x8: {  	[smem:$0x3FA6] =	sst s0  }
0x9: {  	[smem:$0x3FA7] =	sst s1  }
0xa: {  	[smem:$0x3FA8] =	sst s2  }
0xb: {  	[smem:$0x3FA9] =	sst s3  }
0xc: {  	[smem:$0x3FAA] =	sst s4  }
0xd: {  	[smem:$0x3FAB] =	sst s5  }
0xe: {  	[smem:$0x3FAC] =	sst s6  }
0xf: {  	[smem:$0x3FAD] =	sst s7  }
0x10: {  	[smem:$0x3FAE] =	sst s8  }
0x11: {  	[smem:$0x3FAF] =	sst s9;
	s0 =	simm.s32 @!p0 $0x0  }
0x12: {  	s1 =	sld [smem:$0x3F95];
	s0 =	simm.s32 @p0 $0x1  }
0x13: {  	[smem:$0x3FB0] =	sst s0;
	s0 =	simm.s32 @!p1 $0x0  }
0x14: {  	s2 =	sld [smem:$0x3F94];
	s0 =	simm.s32 @p1 $0x1  }
0x15: {  	[smem:$0x3FB1] =	sst s0;
	s0 =	simm.s32 @!p2 $0x0  }
0x16: {  	s3 =	sld [smem:$0x3FDB];
	s0 =	simm.s32 @p2 $0x1  }
0x17: {  	s4 =	simm.s32 $0x1BF5;
	[smem:$0x3FB3] =	sst s0  }
0x18: {  	s0 =	sld [smem:$0x3F96];
	_ =	swait.ge [sflag:s4], $0x0  }
0x19: {  	s7 =	sld [smem:$0x3F97]  }
0x1a: {  	s8 =	sadd.s32 $0xFFFFE003, lr  }
0x1b: {  	s9 =	sadd.s32 $0xFFFFFEF7, lr;
	s5 =	simm.s32 $0xFFFFFFFF;
	p2 =	slt.u32 s8, $0xFFFFF086  }
0x1c: {  	p1 =	slt.u32 s9, $0xF7A;
	s5 =	simm.s32 @!p2 $0x0  }
0x1d: {  	s5 =	simm.s32 @p1 $0x1;
	p0 =	seq.s32 s7, s2  }
0x1e: {  	s7 =	smul.u32 @!p0 $0xF7A, s2;
	p2 =	seq.s32 @!p0 s5, $0x0  }
0x1f: {  	s9 =	smul.u32 $0xF7A, s1;
	s8 =	simm.s32 @!p0 $0x1BF5;
	p2 =	por !p2, p0  }
0x20: {  	[sflag:s8] =	ssyncset.s32 @!p0 $0xFFFFF086;
	s6 =	sadd.s32 @!p0 s3, s7;
	s7 =	simm.s32 @!p0 $0x108  }
0x21: {  	s3 =	sadd.s32 s3, s9;
	s6 =	sadd.s32 @!p0 $0x88, s6;
	s7 =	simm.s32 @p2 $0x1082  }
0x22: {  	[simem:s7], [sflag:s8] =	dma.local @!p0 [hbm:s6], $0xF7A  }
0x23: {  	s9 =	sor.u32 $0xD0000000, s2;
	s6 =	simm.s32 $0x108;
	_ =	swait.ge @!p0 [sflag:s8], $0x0  }
0x24: {  	s3 =	sadd.s32 $0x88, s3;
	s6 =	simm.s32 @!p1 $0x1082;
	[sflag:s4] =	ssyncset.s32 $0xFFFFF086  }
0x25: {  	[simem:s6], [sflag:s4] =	dma.local [hbm:s3], $0xF7A  }
0x26: {  	[smem:$0x3F97] =	sst s1;
	(tag) =	ssettag s2;
	_ =	strace s9  }
0x27: {  	s1 =	sld [smem:$0x3FA7]  }
0x28: {  	s2 =	sld [smem:$0x3FA8]  }
0x29: {  	s4 =	sld [smem:$0x3FAA]  }
0x2a: {  	p0 =	seq.s32 s5, $0x0;
	s5 =	sld [smem:$0x3FAB]  }
0x2b: {  	s6 =	sld [smem:$0x3FAC]  }
0x2c: {  	s7 =	sld [smem:$0x3FAD]  }
0x2d: {  	s3 =	simm.s32 $0x108;
	s8 =	sld [smem:$0x3FAE]  }
0x2e: {  	s3 =	simm.s32 @!p0 $0x1082;
	s9 =	sld [smem:$0x3FAF]  }
0x2f: {  	lr =	sadd.s32 s0, s3;
	s0 =	sld [smem:$0x3FA6]  }
0x30: {  	s3 =	sld [smem:$0x3FA9]  }
0x31: {  	[smem:$0x3FB2] =	sst s10  }
0x32: {  	s10 =	sld [smem:$0x3FB0];
	_ =	sdelay $0x3  }
0x33: {  	p0 =	seq.s32 s10, $0x1;
	s10 =	sld [smem:$0x3FB2];
	_ =	sdelay $0x3  }
0x34: {  	[smem:$0x3FB2] =	sst s10  }
0x35: {  	s10 =	sld [smem:$0x3FB1];
	_ =	sdelay $0x3  }
0x36: {  	p1 =	seq.s32 s10, $0x1;
	s10 =	sld [smem:$0x3FB2];
	_ =	sdelay $0x3  }
0x37: {  	[smem:$0x3FB2] =	sst s10  }
0x38: {  	s10 =	sld [smem:$0x3FB3]  }
0x39: {  	_ = 	snop;
	(pc) =	sbr.ind lr, $3  }
0x3a: {  	_ = 	snop  }
0x3b: {  	_ = 	snop  }
0x3c: {  	p2 =	seq.s32 s10, $0x1;
	s10 =	sld [smem:$0x3FB2]  }
0x3d: {  	_ =	shalt  }
0x3e: {  	_ =	shalt  }
0x3f: {  	_ =	shalt  }
0x40: {  	_ =	shalt  }
0x41: {  	_ =	shalt  }
0x42: {  	_ =	shalt  }
0x43: {  	_ =	shalt  }
0x44: {  	_ =	shalt  }
0x45: {  	_ =	shalt  }
0x46: {  	_ =	shalt  }
0x47: {  	_ =	shalt  }
0x48: {  	_ =	shalt  }
0x49: {  	_ =	shalt  }
0x4a: {  	_ =	shalt  }
0x4b: {  	_ =	shalt  }
0x4c: {  	_ =	shalt  }
0x4d: {  	_ =	shalt  }
0x4e: {  	_ =	shalt  }
0x4f: {  	_ =	shalt  }
0x50: {  	_ =	shalt  }
0x51: {  	_ =	shalt  }
0x52: {  	_ =	shalt  }
0x53: {  	_ =	shalt  }
0x54: {  	_ =	shalt  }
0x55: {  	_ =	shalt  }
0x56: {  	_ =	shalt  }
0x57: {  	_ =	shalt  }
0x58: {  	_ =	shalt  }
0x59: {  	_ =	shalt  }
0x5a: {  	_ =	shalt  }
0x5b: {  	_ =	shalt  }
0x5c: {  	_ =	shalt  }
0x5d: {  	_ =	shalt  }
0x5e: {  	_ =	shalt  }
0x5f: {  	_ =	shalt  }
0x60: {  	_ =	shalt  }
0x61: {  	_ =	shalt  }
0x62: {  	_ =	shalt  }
0x63: {  	_ =	shalt  }
0x64: {  	_ =	shalt  }
0x65: {  	_ =	shalt  }
0x66: {  	_ =	shalt  }
0x67: {  	_ =	shalt  }
0x68: {  	_ =	shalt  }
0x69: {  	_ =	shalt  }
0x6a: {  	_ =	shalt  }
0x6b: {  	_ =	shalt  }
0x6c: {  	_ =	shalt  }
0x6d: {  	_ =	shalt  }
0x6e: {  	_ =	shalt  }
0x6f: {  	_ =	shalt  }
0x70: {  	_ =	shalt  }
0x71: {  	_ =	shalt  }
0x72: {  	_ =	shalt  }
0x73: {  	_ =	shalt  }
0x74: {  	_ =	shalt  }
0x75: {  	_ =	shalt  }
0x76: {  	_ =	shalt  }
0x77: {  	_ =	shalt  }
0x78: {  	_ =	shalt  }
0x79: {  	_ =	shalt  }
0x7a: {  	_ =	shalt  }
0x7b: {  	_ =	shalt  }
0x7c: {  	_ =	shalt  }
0x7d: {  	_ =	shalt  }
0x7e: {  	_ =	shalt  }
0x7f: {  	_ =	shalt  }
0x80: {  	_ =	shalt  }
0x81: {  	_ =	shalt  }
0x82: {  	_ =	shalt  }
0x83: {  	_ =	shalt  }
0x84: {  	_ =	shalt  }
0x85: {  	_ =	shalt  }
0x86: {  	_ =	shalt  }
0x87: {  	_ =	shalt  }
.Lfunc_end0:
.L_simem_size_0:
called_computation_lowered:
.L_overlay_start_0:
0x88: {  	s2 =	sld [smem:$0x3FD9]  }
0x89: {  	s3 =	sld [smem:$0x3FFE];
	_ =	sdelay $0x1  }
0x8a: {  	s1 =	srdreg.scid  }
0x8b: {  	s0 =	sand.u32 $0x1, s1  }
0x8c: {  	s17 =	sshll.u32 s0, $0xA;
	s2 =	sadd.s32 s3, s2  }
0x8d: {  	s2 =	sadd.s32 s2, s17  }
0x8e: {  	[smem:$0x3FBE] =	sst s2  }
0x8f: {  	_ = 	snop  }
0x90: {  	s2 =	sld [smem:$0x3FD0];
	(tm) =	ssettm $0x1  }
0x91: {  	s18 =	sld [smem:$0x3FFB];
	_ =	sdelay $0x3  }
0x92: {  	_ =	strace s18  }
0x93: {  	s3 =	sld [smem:$0x3FFC];
	_ =	sdelay $0x3  }
0x94: {  	_ =	strace s3  }
0x95: {  	s3 =	sld [smem:$0x3FFD];
	_ =	sdelay $0x3  }
0x96: {  	_ =	strace s3  }
0x97: {  	_ =	strace $0x8FFFFFFF  }
0x98: {  	s19 =	sld [smem:$0x3FDB];
	_ =	sdelay $0x1  }
0x99: {  	s4 =	simm.s32 $_scs_section_size  }
0x9a: {  	s5 =	simm.s32 $_size__tile_overlayer_lowered;
	s6 =	simm.s32 $_tile_overlayer_lowered  }
0x9b: {  	s22 =	simm.s32 $0x1BFF;
	s21 =	sshll.u32 s6, $0x1;
	s3 =	sadd.s32 s4, s19  }
0x9c: {  	s7 =	simm.s32 $0x0;
	s20 =	sshll.u32 s5, $0x1;
	s5 =	sadd.s32 s21, s3  }
0x9d: {  	[timem:s7], [sflag:s22] =	dma.local [hbm:s5], s20  }
0x9e: {  	_ =	swait.ge [sflag:s22], s20  }
0x9f: {  	s4 =	ssub.s32 $0x0, s20;
	[sflag:s22] =	ssyncset.done $0x0  }
0xa0: {  	[sflag:s22] =	ssyncadd.s32 s4;
	_ =	sdelay $0x1  }
0xa1: {  	s23 =	simm.s32 $0x1B8B  }
0xa2: {  	_ =	swait.ge [sflag:s23], $0x1  }
0xa3: {  	[sflag:s23] =	ssyncset.done $0x0  }
0xa4: {  	s25 =	simm.s32 $0x1B8E;
	s24 =	sld [smem:$0x3FFE];
	[sflag:s23] =	ssyncadd.s32 $0xFFFFFFFF  }
0xa5: {  	s26 =	simm.s32 $execute0_lowered;
	[smem:$0x3FD2] =	sst s25  }
0xa6: {  	s5 =	sshll.u32 s26, $0x1;
	_ =	strace $0x80000046;
	[dreg:$0x1] =	wrdreg $0xFFFFFFFF  }
0xa7: {  	s28 =	simm.s32 $_size_execute0_lowered;
	s3 =	sadd.s32 s3, s5;
	[dreg:$0x0] =	wrdreg $0x0  }
0xa8: {  	s5 =	sshll.u32 s28, $0x1;
	[dreg:$0x2] =	wrdreg s3  }
0xa9: {  	[dreg:$0x3] =	wrdreg s5  }
0xaa: {  	[dreg:$0x4] =	wrdreg $0xC0  }
0xab: {  	_ =	task [dreg:s7], $0x5FFFF  }
0xac: {  	[dreg:$0x1] =	wrdreg $0xFFFFFFFF  }
0xad: {  	[dreg:$0x0] =	wrdreg $0x60  }
0xae: {  	[dreg:$0x2] =	wrdreg s24  }
0xaf: {  	[dreg:$0x3] =	wrdreg s2  }
0xb0: {  	[dreg:$0x4] =	wrdreg $0x120000  }
0xb1: {  	[dreg:$0x5] =	wrdreg $0x1C0000  }
0xb2: {  	[dreg:$0x6] =	wrdreg $0x9  }
0xb3: {  	_ =	task.clear_ibuf [dreg:s7], $0x7FFFF;
	_ =	strace $0x90000046  }
0xb4: {  	s29 =	simm.s32 $0x9;
	_ =	strace $0x80000048  }
0xb5: {  	_ =	swait.ge [sflag:s29], $0x1  }
0xb6: {  	[sflag:s29] =	ssyncadd.s32 $0xFFFFFFFF  }
0xb7: {  	_ =	strace $0x90000048  }
0xb8: {  	_ =	sfence  }
0xb9: {  	s30 =	sld [smem:$0x0];
	_ =	sdelay $0x2  }
0xba: {  	s31 =	sshll.u32 s1, $0xD;
	s1 =	sshrl.u32 s1, $0x2  }
0xbb: {  	s3 =	sand.u32 $0x4000, s31;
	s1 =	sadd.s32 s1, s30  }
0xbc: {  	s0 =	sor.u32 s3, s0;
	s1 =	sshll.u32 s1, $0x11  }
0xbd: {  	s0 =	sor.u32 s1, s0  }
0xbe: {  	s0 =	sadd.s32 $0x8F2B, s0  }
0xbf: {  	[sflag:s0] =	ssyncadd.remote.s32 $0x1  }
0xc0: {  	_ =	sfence.sel $0xFFFF  }
0xc1: {  	[dreg:$0x0] =	wrdreg $0xFFFFFFFF;
	(pc) =	sbr.abs _section_cstart, $3  }
0xc2: {  	[dreg:$0x1] =	wrdreg $0xFFFFFFFF  }
0xc3: {  	_ =	task.clear_ibuf [dreg:s7], $0x2FFFF;
	_ =	strace $0x9FFFFFFF  }
0xc4: {  	(tm) =	ssettm $0x7FFFFFFF  }
0xc5: {  	_ =	shalt  }
tec
execute0_lowered:
.L_overlay_start_1:
0x0: {  	(tag) =	ssettag $0x1  }
0x1: {  	s0 =	srdreg.scid  }
0x2: {  	s10 =	stileid.u32;
	s1 =	rddreg [dreg:$0x0];
	s2 =	simm.s32 $0x0  }
0x3: {  	s30 =	simm.s32 $0xF;
	s31 =	simm.s32 $0x0;
	s3 =	sand.u32 $0x1, s0  }
0x4: {  	[smem:$0x7FF] =	sst s2;
	s5 =	smul.u32 $0x280, s10;
	s6 =	sadd.s32 $0x2AA00, s1  }
0x5: {  	s7 =	sadd.s32 $0x52A00, s1;
	s0 =	sshll.u32 s3, $0x4;
	s26 =	smul.u32 $0xA0000, s3  }
0x6: {  	s25 =	ssub.s32 $0x2, s3;
	s3 =	smul.u32 $0x28000, s3;
	s0 =	sor.u32 s10, s0  }
0x7: {  	s8 =	sshrl.u32 s25, $0x1;
	s9 =	sadd.s32 $0x80, s5;
	s4 =	smul.u32 $0x500, s0  }
0x8: {  	s12 =	sadd.s32 $0x100, s5;
	s0 =	ssub.s32 s25, s8;
	s8 =	smul.u32 $0xA000, s10  }
0x9: {  	s13 =	sadd.s32 $0x180, s5;
	s5 =	sadd.s32 $0x200, s5;
	s10 =	smul.u32 $0x2800, s10  }
0xa: {  	s11 =	sshll.u32 s9, $0x6;
	s9 =	sshll.u32 s9, $0x4;
	s14 =	sshll.u32 s12, $0x6  }
0xb: {  	s15 =	sshll.u32 s12, $0x4;
	s17 =	sshll.u32 s13, $0x6;
	s18 =	sshll.u32 s13, $0x4  }
0xc: {  	s19 =	sshll.u32 s5, $0x6;
	s5 =	sshll.u32 s5, $0x4;
	s20 =	sadd.s32 s26, s11  }
0xd: {  	s22 =	sadd.s32 s3, s9;
	s23 =	sadd.s32 s26, s14;
	s12 =	sadd.s32 s26, s19  }
0xe: {  	s25 =	sadd.s32 s3, s15;
	s0 =	smax.u32 s0, $0x1;
	s28 =	sadd.s32 s8, s26  }
0xf: {  	s16 =	sadd.s32 s10, s3;
	s21 =	sshrl.u32 s20, $0x3;
	s20 =	sshrl.u32 s23, $0x3  }
0x10: {  	s12 =	sshrl.u32 s12, $0x3;
	s29 =	sshrl.u32 s16, $0x3;
	s16 =	sadd.s32 s6, s21  }
0x11: {  	s13 =	sshrl.u32 s28, $0x3;
	s20 =	sadd.s32 s6, s20;
	[dreg:$0x6] =	wrdreg s16  }
0x12: {  	s21 =	sadd.s32 s26, s17;
	s13 =	sadd.s32 s6, s13;
	[dreg:$0x7] =	wrdreg s20  }
0x13: {  	s28 =	sshrl.u32 s22, $0x3;
	s26 =	sadd.s32 s7, s29;
	[dreg:$0x5] =	wrdreg s13  }
0x14: {  	s24 =	sshrl.u32 s21, $0x3;
	s29 =	sadd.s32 s3, s18;
	[dreg:$0xa] =	wrdreg s26  }
0x15: {  	s3 =	sadd.s32 s3, s5;
	s20 =	sadd.s32 s6, s24;
	s13 =	rddreg [dreg:$0x3]  }
0x16: {  	s16 =	sadd.s32 $0x16800, s1;
	s6 =	sadd.s32 s6, s12;
	[dreg:$0x8] =	wrdreg s20  }
0x17: {  	s12 =	sadd.s32 s7, s28;
	s3 =	sshrl.u32 s3, $0x3;
	[dreg:$0x9] =	wrdreg s6  }
0x18: {  	s26 =	sadd.s32 $0x2A800, s1;
	s6 =	sshrl.u32 s25, $0x3;
	[dreg:$0xb] =	wrdreg s12  }
0x19: {  	s12 =	rddreg [dreg:$0x2];
	s3 =	sadd.s32 s7, s3;
	s6 =	sadd.s32 s7, s6  }
0x1a: {  	s21 =	sadd.s32 s10, s13;
	[dreg:$0xc] =	wrdreg s6;
	s6 =	sshrl.u32 s29, $0x3  }
0x1b: {  	s23 =	sadd.s32 s9, s13;
	[dreg:$0xe] =	wrdreg s3;
	s6 =	sadd.s32 s7, s6  }
0x1c: {  	s15 =	sadd.s32 s15, s13;
	s7 =	sadd.s32 s4, s1;
	[dreg:$0xd] =	wrdreg s6  }
0x1d: {  	s1 =	sadd.s32 $0x2600, s1;
	_ =	strace $0x80000047;
	[dreg:$0xf] =	wrdreg s26  }
0x1e: {  	s25 =	sadd.s32 s18, s13;
	s28 =	sadd.s32 $0x2800, s7;
	[dreg:$0x10] =	wrdreg s1  }
0x1f: {  	s9 =	simm.s32 $0x1;
	s29 =	sadd.s32 $0xC800, s7;
	[dreg:$0x18] =	wrdreg s28  }
0x20: {  	s10 =	simm.s32 $0x3;
	s18 =	simm.s32 $0xA;
	[dreg:$0x19] =	wrdreg s29  }
0x21: {  	s20 =	sadd.s32 s8, s12;
	s22 =	sadd.s32 s11, s12;
	[dreg:$0x1a] =	wrdreg s0  }
0x22: {  	s24 =	sadd.s32 s14, s12;
	s17 =	sadd.s32 s17, s12;
	[dreg:$0x11] =	wrdreg s23  }
0x23: {  	s19 =	sadd.s32 s19, s12;
	s3 =	simm.s32 $0x11800;
	[dreg:$0x12] =	wrdreg s24  }
.Ltmp0:
0x24: {  	s8 =	simm.s32 $0xD000;
	[dreg:$0x13] =	wrdreg s15;
	(pc) =	sbr.rel .LBB2_1-.Ltmp0, $4  }
0x25: {  	s14 =	simm.s32 $0x5;
	s4 =	simm.s32 $0x11000;
	[dreg:$0x14] =	wrdreg s17  }
0x26: {  	s6 =	simm.s32 $0x5000;
	s7 =	simm.s32 $0x9000;
	[dreg:$0x15] =	wrdreg s25  }
0x27: {  	s26 =	sadd.s32 s5, s13;
	s0 =	simm.s32 $0xF000;
	[dreg:$0x16] =	wrdreg s19  }
0x28: {  	s1 =	simm.s32 $0x10;
	s5 =	simm.s32 $0x80;
	[dreg:$0x17] =	wrdreg s26  }
.LBB2_4:
0x29: {  	s11 =	simm.s32 $0x6  }
0x2a: {  	_ =	swait.ge [sflag:s11], $0x2000  }
0x2b: {  	[sflag:s11] =	ssyncset.done $0x0  }
0x2c: {  	s24 =	simm.s32 $0xB;
	[sflag:s11] =	ssyncadd.s32 $0xFFFFE000  }
0x2d: {  	_ =	swait.ge [sflag:s24], $0x800  }
0x2e: {  	[sflag:s24] =	ssyncset.done $0x0  }
0x2f: {  	s25 =	simm.s32 $0x7;
	[sflag:s24] =	ssyncadd.s32 $0xFFFFF800  }
0x30: {  	_ =	swait.ge [sflag:s25], $0x2000  }
0x31: {  	[sflag:s25] =	ssyncset.done $0x0  }
0x32: {  	s15 =	simm.s32 $0xC;
	[sflag:s25] =	ssyncadd.s32 $0xFFFFE000  }
0x33: {  	_ =	swait.ge [sflag:s15], $0x800  }
0x34: {  	[sflag:s15] =	ssyncset.done $0x0  }
0x35: {  	s17 =	simm.s32 $0x8;
	[sflag:s15] =	ssyncadd.s32 $0xFFFFF800  }
0x36: {  	_ =	swait.ge [sflag:s17], $0x2000  }
0x37: {  	[sflag:s17] =	ssyncset.done $0x0  }
0x38: {  	s19 =	simm.s32 $0xD;
	[sflag:s17] =	ssyncadd.s32 $0xFFFFE000  }
0x39: {  	_ =	swait.ge [sflag:s19], $0x800  }
0x3a: {  	[sflag:s19] =	ssyncset.done $0x0  }
0x3b: {  	s20 =	simm.s32 $0x9;
	[sflag:s19] =	ssyncadd.s32 $0xFFFFF800  }
0x3c: {  	_ =	swait.ge [sflag:s20], $0x2000  }
0x3d: {  	[sflag:s20] =	ssyncset.done $0x0  }
0x3e: {  	s21 =	simm.s32 $0xE;
	[sflag:s20] =	ssyncadd.s32 $0xFFFFE000  }
0x3f: {  	_ =	swait.ge [sflag:s21], $0x800  }
0x40: {  	[sflag:s21] =	ssyncset.done $0x0  }
0x41: {  	[sflag:s21] =	ssyncadd.s32 $0xFFFFF800  }
0x42: {  	_ =	swait.ge [sflag:s18], $0x2000  }
0x43: {  	[sflag:s18] =	ssyncset.done $0x0  }
0x44: {  	[sflag:s18] =	ssyncadd.s32 $0xFFFFE000  }
0x45: {  	_ =	swait.ge [sflag:s30], $0x800  }
0x46: {  	[sflag:s30] =	ssyncset.done $0x0  }
0x47: {  	[sflag:s30] =	ssyncadd.s32 $0xFFFFF800  }
0x48: {  	[bflag:$0x0] =	sbarrier.arrive $0xFFFF  }
0x49: {  	[tilespmem:s0], [sflag:$0x10] =	stream.linear.gather [spmem:s26], $0x2000, $0x38;
	[tilespmem:$0x1E800] =	vst v63  }
0x4a: {  	_ =	swait.ge [sflag:s1], $0x2000  }
0x4b: {  	[sflag:s1] =	ssyncset.done $0x0  }
0x4c: {  	s22 =	rddreg [dreg:$0x5];
	[sflag:s1] =	ssyncadd.s32 $0xFFFFE000  }
0x4d: {  	[hbm4b:s22+s2] =	stream.linear.scatter [tilespmem:s0], [sflag:$0x10], $0x2000, $0x38;
	[tilespmem:$0x1E800] =	vst v63  }
0x4e: {  	_ =	swait.ge [sflag:s1], $0x2000  }
0x4f: {  	[sflag:s1] =	ssyncset.done $0x0  }
0x50: {  	[sflag:s1] =	ssyncadd.s32 $0xFFFFE000  }
0x51: {  	[tilespmem:s3], [sflag:$0x10] =	stream.linear.gather [spmem:s28], $0x800, $0x38;
	[tilespmem:$0x1E800] =	vst v63  }
0x52: {  	_ =	swait.ge [sflag:s1], $0x800  }
0x53: {  	[sflag:s1] =	ssyncset.done $0x0  }
0x54: {  	s23 =	rddreg [dreg:$0xa];
	[sflag:s1] =	ssyncadd.s32 $0xFFFFF800  }
0x55: {  	[hbm4b:s23+s2] =	stream.linear.scatter [tilespmem:s3], [sflag:$0x10], $0x800, $0x38;
	[tilespmem:$0x1E800] =	vst v63  }
0x56: {  	_ =	swait.ge [sflag:s1], $0x800  }
0x57: {  	[sflag:s1] =	ssyncset.done $0x0  }
0x58: {  	[sflag:s1] =	ssyncadd.s32 $0xFFFFF800  }
0x59: {  	[tilespmem:s0], [sflag:$0x10] =	stream.linear.gather [spmem:s29], $0x2000, $0x38;
	[tilespmem:$0x1E800] =	vst v63  }
0x5a: {  	_ =	swait.ge [sflag:s1], $0x2000  }
0x5b: {  	[sflag:s1] =	ssyncset.done $0x0  }
0x5c: {  	s24 =	rddreg [dreg:$0x6];
	[sflag:s1] =	ssyncadd.s32 $0xFFFFE000  }
0x5d: {  	[hbm4b:s24+s2] =	stream.linear.scatter [tilespmem:s0], [sflag:$0x10], $0x2000, $0x38;
	[tilespmem:$0x1E800] =	vst v63  }
0x5e: {  	_ =	swait.ge [sflag:s1], $0x2000  }
0x5f: {  	[sflag:s1] =	ssyncset.done $0x0  }
0x60: {  	s23 =	rddreg [dreg:$0x11];
	[sflag:s1] =	ssyncadd.s32 $0xFFFFE000  }
0x61: {  	[tilespmem:s3], [sflag:$0x10] =	stream.linear.gather [spmem:s23], $0x800, $0x38;
	[tilespmem:$0x1E800] =	vst v63  }
0x62: {  	_ =	swait.ge [sflag:s1], $0x800  }
0x63: {  	[sflag:s1] =	ssyncset.done $0x0  }
0x64: {  	s25 =	rddreg [dreg:$0xb];
	[sflag:s1] =	ssyncadd.s32 $0xFFFFF800  }
0x65: {  	[hbm4b:s25+s2] =	stream.linear.scatter [tilespmem:s3], [sflag:$0x10], $0x800, $0x38;
	[tilespmem:$0x1E800] =	vst v63  }
0x66: {  	_ =	swait.ge [sflag:s1], $0x800  }
0x67: {  	[sflag:s1] =	ssyncset.done $0x0  }
0x68: {  	s24 =	rddreg [dreg:$0x12];
	[sflag:s1] =	ssyncadd.s32 $0xFFFFF800  }
0x69: {  	[tilespmem:s0], [sflag:$0x10] =	stream.linear.gather [spmem:s24], $0x2000, $0x38;
	[tilespmem:$0x1E800] =	vst v63  }
0x6a: {  	_ =	swait.ge [sflag:s1], $0x2000  }
0x6b: {  	[sflag:s1] =	ssyncset.done $0x0  }
0x6c: {  	s20 =	smov.u32 s26;
	s26 =	rddreg [dreg:$0x7];
	[sflag:s1] =	ssyncadd.s32 $0xFFFFE000  }
0x6d: {  	[hbm4b:s26+s2] =	stream.linear.scatter [tilespmem:s0], [sflag:$0x10], $0x2000, $0x38;
	[tilespmem:$0x1E800] =	vst v63  }
0x6e: {  	_ =	swait.ge [sflag:s1], $0x2000  }
0x6f: {  	[sflag:s1] =	ssyncset.done $0x0  }
0x70: {  	s15 =	rddreg [dreg:$0x13];
	[sflag:s1] =	ssyncadd.s32 $0xFFFFE000  }
0x71: {  	[tilespmem:s3], [sflag:$0x10] =	stream.linear.gather [spmem:s15], $0x800, $0x38;
	[tilespmem:$0x1E800] =	vst v63  }
0x72: {  	_ =	swait.ge [sflag:s1], $0x800  }
0x73: {  	[sflag:s1] =	ssyncset.done $0x0  }
0x74: {  	s21 =	smov.u32 s28;
	s28 =	rddreg [dreg:$0xc];
	[sflag:s1] =	ssyncadd.s32 $0xFFFFF800  }
0x75: {  	[hbm4b:s28+s2] =	stream.linear.scatter [tilespmem:s3], [sflag:$0x10], $0x800, $0x38;
	[tilespmem:$0x1E800] =	vst v63  }
0x76: {  	_ =	swait.ge [sflag:s1], $0x800  }
0x77: {  	[sflag:s1] =	ssyncset.done $0x0  }
0x78: {  	s17 =	rddreg [dreg:$0x14];
	[sflag:s1] =	ssyncadd.s32 $0xFFFFF800  }
0x79: {  	[tilespmem:s0], [sflag:$0x10] =	stream.linear.gather [spmem:s17], $0x2000, $0x38;
	[tilespmem:$0x1E800] =	vst v63  }
0x7a: {  	_ =	swait.ge [sflag:s1], $0x2000  }
0x7b: {  	[sflag:s1] =	ssyncset.done $0x0  }
0x7c: {  	s22 =	smov.u32 s29;
	s29 =	rddreg [dreg:$0x8];
	[sflag:s1] =	ssyncadd.s32 $0xFFFFE000  }
0x7d: {  	[hbm4b:s29+s2] =	stream.linear.scatter [tilespmem:s0], [sflag:$0x10], $0x2000, $0x38;
	[tilespmem:$0x1E800] =	vst v63  }
0x7e: {  	_ =	swait.ge [sflag:s1], $0x2000  }
0x7f: {  	[sflag:s1] =	ssyncset.done $0x0  }
0x80: {  	s25 =	rddreg [dreg:$0x15];
	[sflag:s1] =	ssyncadd.s32 $0xFFFFE000  }
0x81: {  	[tilespmem:s3], [sflag:$0x10] =	stream.linear.gather [spmem:s25], $0x800, $0x38;
	[tilespmem:$0x1E800] =	vst v63  }
0x82: {  	_ =	swait.ge [sflag:s1], $0x800  }
0x83: {  	[sflag:s1] =	ssyncset.done $0x0  }
0x84: {  	s19 =	rddreg [dreg:$0xd];
	[sflag:s1] =	ssyncadd.s32 $0xFFFFF800  }
0x85: {  	[hbm4b:s19+s2] =	stream.linear.scatter [tilespmem:s3], [sflag:$0x10], $0x800, $0x38;
	[tilespmem:$0x1E800] =	vst v63  }
0x86: {  	_ =	swait.ge [sflag:s1], $0x800  }
0x87: {  	[sflag:s1] =	ssyncset.done $0x0  }
0x88: {  	s19 =	rddreg [dreg:$0x16];
	[sflag:s1] =	ssyncadd.s32 $0xFFFFF800  }
0x89: {  	[tilespmem:s0], [sflag:$0x10] =	stream.linear.gather [spmem:s19], $0x2000, $0x38;
	[tilespmem:$0x1E800] =	vst v63  }
0x8a: {  	_ =	swait.ge [sflag:s1], $0x2000  }
0x8b: {  	[sflag:s1] =	ssyncset.done $0x0  }
0x8c: {  	s26 =	rddreg [dreg:$0x9];
	[sflag:s1] =	ssyncadd.s32 $0xFFFFE000  }
0x8d: {  	[hbm4b:s26+s2] =	stream.linear.scatter [tilespmem:s0], [sflag:$0x10], $0x2000, $0x38;
	[tilespmem:$0x1E800] =	vst v63  }
0x8e: {  	_ =	swait.ge [sflag:s1], $0x2000  }
0x8f: {  	[sflag:s1] =	ssyncset.done $0x0  }
0x90: {  	s26 =	rddreg [dreg:$0x17];
	[sflag:s1] =	ssyncadd.s32 $0xFFFFE000  }
0x91: {  	[tilespmem:s3], [sflag:$0x10] =	stream.linear.gather [spmem:s26], $0x800, $0x38;
	[tilespmem:$0x1E800] =	vst v63  }
0x92: {  	_ =	swait.ge [sflag:s1], $0x800  }
0x93: {  	[sflag:s1] =	ssyncset.done $0x0  }
0x94: {  	s28 =	rddreg [dreg:$0xe];
	[sflag:s1] =	ssyncadd.s32 $0xFFFFF800  }
0x95: {  	[hbm4b:s28+s2] =	stream.linear.scatter [tilespmem:s3], [sflag:$0x10], $0x800, $0x38;
	[tilespmem:$0x1E800] =	vst v63  }
0x96: {  	_ =	swait.ge [sflag:s1], $0x800  }
0x97: {  	s31 =	sadd.s32 $0x1, s31;
	s29 =	rddreg [dreg:$0x1a]  }
0x98: {  	p0 =	sne.s32 s31, s29  }
.Ltmp1:
0x99: {  	_ = 	snop;
	(pc) =	sbr.rel @!p0 .LBB2_5-.Ltmp1, $3  }
0x9a: {  	_ =	sdelay $0x1  }
0x9b: {  	[sflag:s1] =	ssyncset.done $0x0  }
0x9c: {  	[sflag:s1] =	ssyncadd.s32 $0xFFFFF800  }
.LBB2_1:
0x9d: {  	s11 =	rddreg [dreg:$0x1]  }
0x9e: {  	[tilespmem:s0], [sflag:$0x10] =	stream.linear.gather [hbm4b:s11+s2], $0x2000, $0x38;
	[tilespmem:$0x1E800] =	vst v63  }
0x9f: {  	_ =	swait.ge [sflag:s1], $0x2000  }
0xa0: {  	[sflag:s1] =	ssyncset.done $0x0  }
0xa1: {  	s11 =	rddreg [dreg:$0xf];
	[sflag:s1] =	ssyncadd.s32 $0xFFFFE000  }
0xa2: {  	[tilespmem:s3], [sflag:$0x10] =	stream.linear.gather [hbm4b:s11+s2], $0x800, $0x38;
	[tilespmem:$0x1E800] =	vst v63  }
0xa3: {  	_ =	swait.ge [sflag:s1], $0x800  }
0xa4: {  	[sflag:s1] =	ssyncset.done $0x0  }
0xa5: {  	s11 =	rddreg [dreg:$0x10];
	[sflag:s1] =	ssyncadd.s32 $0xFFFFF800  }
0xa6: {  	[tilespmem:s4], [sflag:$0x10] =	stream.linear.gather [hbm4b:s11+s2], $0x800, $0x38;
	[tilespmem:$0x1E800] =	vst v63  }
0xa7: {  	_ =	swait.ge [sflag:s1], $0x800  }
0xa8: {  	[sflag:s1] =	ssyncset.done $0x0  }
0xa9: {  	[sflag:s1] =	ssyncadd.s32 $0xFFFFF800  }
0xaa: {  	[spmem:s20] =	stream.linear.scatter [tilespmem:s0], [sflag:$0x10], $0x2000, $0x38;
	[tilespmem:$0x1E800] =	vst v63  }
0xab: {  	_ =	swait.ge [sflag:s1], $0x2000  }
0xac: {  	[sflag:s1] =	ssyncset.done $0x0  }
0xad: {  	[sflag:s1] =	ssyncadd.s32 $0xFFFFE000  }
0xae: {  	[spmem:s21] =	stream.linear.scatter [tilespmem:s3], [sflag:$0x10], $0x800, $0x38;
	[tilespmem:$0x1E800] =	vst v63  }
0xaf: {  	_ =	swait.ge [sflag:s1], $0x800  }
0xb0: {  	[sflag:s1] =	ssyncset.done $0x0  }
0xb1: {  	[sflag:s1] =	ssyncadd.s32 $0xFFFFF800  }
0xb2: {  	[spmem:s22] =	stream.linear.scatter [tilespmem:s0], [sflag:$0x10], $0x2000, $0x38;
	[tilespmem:$0x1E800] =	vst v63  }
0xb3: {  	_ =	swait.ge [sflag:s1], $0x2000  }
0xb4: {  	[sflag:s1] =	ssyncset.done $0x0  }
0xb5: {  	[sflag:s1] =	ssyncadd.s32 $0xFFFFE000  }
0xb6: {  	[spmem:s23] =	stream.linear.scatter [tilespmem:s3], [sflag:$0x10], $0x800, $0x38;
	[tilespmem:$0x1E800] =	vst v63  }
0xb7: {  	_ =	swait.ge [sflag:s1], $0x800  }
0xb8: {  	[sflag:s1] =	ssyncset.done $0x0  }
0xb9: {  	[sflag:s1] =	ssyncadd.s32 $0xFFFFF800  }
0xba: {  	[spmem:s24] =	stream.linear.scatter [tilespmem:s0], [sflag:$0x10], $0x2000, $0x38;
	[tilespmem:$0x1E800] =	vst v63  }
0xbb: {  	_ =	swait.ge [sflag:s1], $0x2000  }
0xbc: {  	[sflag:s1] =	ssyncset.done $0x0  }
0xbd: {  	[sflag:s1] =	ssyncadd.s32 $0xFFFFE000  }
0xbe: {  	[spmem:s15] =	stream.linear.scatter [tilespmem:s3], [sflag:$0x10], $0x800, $0x38;
	[tilespmem:$0x1E800] =	vst v63  }
0xbf: {  	_ =	swait.ge [sflag:s1], $0x800  }
0xc0: {  	[sflag:s1] =	ssyncset.done $0x0  }
0xc1: {  	[sflag:s1] =	ssyncadd.s32 $0xFFFFF800  }
0xc2: {  	[spmem:s17] =	stream.linear.scatter [tilespmem:s0], [sflag:$0x10], $0x2000, $0x38;
	[tilespmem:$0x1E800] =	vst v63  }
0xc3: {  	_ =	swait.ge [sflag:s1], $0x2000  }
0xc4: {  	[sflag:s1] =	ssyncset.done $0x0  }
0xc5: {  	[sflag:s1] =	ssyncadd.s32 $0xFFFFE000  }
0xc6: {  	[spmem:s25] =	stream.linear.scatter [tilespmem:s3], [sflag:$0x10], $0x800, $0x38;
	[tilespmem:$0x1E800] =	vst v63  }
0xc7: {  	_ =	swait.ge [sflag:s1], $0x800  }
0xc8: {  	[sflag:s1] =	ssyncset.done $0x0  }
0xc9: {  	[sflag:s1] =	ssyncadd.s32 $0xFFFFF800  }
0xca: {  	[spmem:s19] =	stream.linear.scatter [tilespmem:s0], [sflag:$0x10], $0x2000, $0x38;
	[tilespmem:$0x1E800] =	vst v63  }
0xcb: {  	_ =	swait.ge [sflag:s1], $0x2000  }
0xcc: {  	[sflag:s1] =	ssyncset.done $0x0  }
0xcd: {  	s11 =	smov.u32 s26;
	[sflag:s1] =	ssyncadd.s32 $0xFFFFE000  }
0xce: {  	[spmem:s11] =	stream.linear.scatter [tilespmem:s3], [sflag:$0x10], $0x800, $0x38;
	[tilespmem:$0x1E800] =	vst v63  }
0xcf: {  	_ =	swait.ge [sflag:s1], $0x800  }
0xd0: {  	[sflag:s1] =	ssyncset.done $0x0  }
0xd1: {  	[sflag:s1] =	ssyncadd.s32 $0xFFFFF800  }
0xd2: {  	[bflag:$0x0] =	sbarrier.arrive $0xFFFF  }
0xd3: {  	s17 =	rddreg [dreg:$0x18]  }
0xd4: {  	[tilespmem:s2], [sflag:$0x10] =	stream.linear.gather [hbm4b:s17+s2], $0x2800, $0x38;
	[tilespmem:$0x1E800] =	vst v63  }
0xd5: {  	_ =	swait.ge [sflag:s1], $0x2800  }
0xd6: {  	s26 =	smov.u32 s20;
	[sflag:s1] =	ssyncset.done $0x0  }
0xd7: {  	s20 =	simm.s32 $0x2800;
	s19 =	rddreg [dreg:$0x19];
	[sflag:s1] =	ssyncadd.s32 $0xFFFFD800  }
0xd8: {  	[tilespmem:s20], [sflag:$0x10] =	stream.linear.gather [hbm4b:s19+s2], $0x2800, $0x38;
	[tilespmem:$0x1E800] =	vst v63  }
0xd9: {  	_ =	swait.ge [sflag:s1], $0x2800  }
0xda: {  	[sflag:s1] =	ssyncset.done $0x0  }
0xdb: {  	[sflag:s1] =	ssyncadd.s32 $0xFFFFD800  }
0xdc: {  	[tilespmem:s6], [sflag:$0x1] =	stream.indirect.gather [hbm4b:s16+s5], $0x40, s2, s5, $0xb8;
	[tilespmem:$0x1E800] =	vst v63  }
0xdd: {  	s28 =	smov.u32 s21;
	s21 =	simm.s32 $0x7000  }
0xde: {  	[tilespmem:s21], [sflag:$0x2] =	stream.indirect.gather [hbm4b:s16+s5], $0x40, s5, s5, $0xb8;
	[tilespmem:$0x1E800] =	vst v63  }
0xdf: {  	s29 =	smov.u32 s22;
	s22 =	simm.s32 $0x100  }
0xe0: {  	[tilespmem:s7], [sflag:$0x3] =	stream.indirect.gather [hbm4b:s16+s5], $0x40, s22, s5, $0xb8;
	[tilespmem:$0x1E800] =	vst v63  }
0xe1: {  	s23 =	simm.s32 $0x180;
	s24 =	simm.s32 $0xB000  }
0xe2: {  	[tilespmem:s24], [sflag:$0x4] =	stream.indirect.gather [hbm4b:s16+s5], $0x40, s23, s5, $0xb8;
	[tilespmem:$0x1E800] =	vst v63  }
0xe3: {  	s25 =	simm.s32 $0x200;
	s11 =	simm.s32 $0x0  }
0xe4: {  	[tilespmem:s8], [sflag:$0x5] =	stream.indirect.gather [hbm4b:s16+s5], $0x40, s25, s5, $0xb8;
	[tilespmem:$0x1E800] =	vst v63  }
.LBB2_2:
0xe5: {  	_ =	swait.ge [sflag:s9], $0x2000  }
0xe6: {  	s15 =	sshra.s32 s11, $0x2;
	[sflag:s9] =	ssyncset.done $0x0  }
0xe7: {  	s17 =	sadd.s32 $0x2800, s15;
	[sflag:s9] =	ssyncadd.s32 $0xFFFFE000  }
0xe8: {  	[spmem:s12] =	stream.indirect.scatter.add.f32 [tilespmem:s6], [sflag:$0x6], $0x40, s17, s5, $0xb8;
	[tilespmem:$0x1E800] =	vst v63  }
0xe9: {  	p0 =	seq.s32 s11, $0x9600  }
0xea: {  	[spmem:s13] =	stream.indirect.scatter.add.f32 [tilespmem:s4], [sflag:$0xB], $0x10, s17, s5, $0xb8;
	[tilespmem:$0x1E800] =	vst v63  }
0xeb: {  	s17 =	simm.s32 @p0 $0x2  }
0xec: {  	_ =	swait.ge @p0 [sflag:s17], $0x2000  }
0xed: {  	s20 =	sshra.s32 @p0 s11, $0x2;
	s21 =	simm.s32 @p0 $0x80;
	[sflag:s17] =	ssyncset.done @p0 $0x0  }
0xee: {  	s19 =	simm.s32 @p0 $0x7000;
	[sflag:s17] =	ssyncadd.s32 @p0 $0xFFFFE000;
	s17 =	sadd.s32 @p0 $0x2880, s20  }
0xef: {  	[spmem:s12] =	stream.indirect.scatter.add.f32 @p0 [tilespmem:s19], [sflag:$0x7], $0x40, s17, s21, $0xb8;
	[tilespmem:$0x1E800] =	vst v63  }
0xf0: {  	s22 =	simm.s32 @p0 $0x11000  }
0xf1: {  	[spmem:s13] =	stream.indirect.scatter.add.f32 @p0 [tilespmem:s22], [sflag:$0xC], $0x10, s17, s21, $0xb8;
	[tilespmem:$0x1E800] =	vst v63  }
0xf2: {  	s17 =	simm.s32 @!p0 $0x6  }
0xf3: {  	_ =	swait.ge @!p0 [sflag:s17], $0x2000  }
0xf4: {  	[sflag:s17] =	ssyncset.done @!p0 $0x0  }
0xf5: {  	[sflag:s17] =	ssyncadd.s32 @!p0 $0xFFFFE000;
	s17 =	simm.s32 @!p0 $0xB  }
0xf6: {  	_ =	swait.ge @!p0 [sflag:s17], $0x800  }
0xf7: {  	[sflag:s17] =	ssyncset.done @!p0 $0x0  }
0xf8: {  	[sflag:s17] =	ssyncadd.s32 @!p0 $0xFFFFF800;
	s17 =	sshra.s32 @!p0 s11, $0x2  }
0xf9: {  	s24 =	simm.s32 @!p0 $0x5000;
	s19 =	simm.s32 @!p0 $0x80;
	s23 =	sadd.s32 @!p0 $0x280, s17  }
0xfa: {  	[tilespmem:s24], [sflag:$0x1] =	stream.indirect.gather @!p0 [hbm4b:s16+s19], $0x40, s23, s19, $0xb8;
	[tilespmem:$0x1E800] =	vst v63  }
0xfb: {  	s23 =	simm.s32 @!p0 $0x2  }
0xfc: {  	_ =	swait.ge @!p0 [sflag:s23], $0x2000  }
0xfd: {  	[sflag:s23] =	ssyncset.done @!p0 $0x0  }
0xfe: {  	s24 =	simm.s32 @!p0 $0x7000;
	[sflag:s23] =	ssyncadd.s32 @!p0 $0xFFFFE000;
	s23 =	sadd.s32 @!p0 $0x2880, s17  }
0xff: {  	[spmem:s12] =	stream.indirect.scatter.add.f32 @!p0 [tilespmem:s24], [sflag:$0x7], $0x40, s23, s19, $0xb8;
	[tilespmem:$0x1E800] =	vst v63  }
0x100: {  	s25 =	simm.s32 @!p0 $0x11000  }
0x101: {  	[spmem:s13] =	stream.indirect.scatter.add.f32 @!p0 [tilespmem:s25], [sflag:$0xC], $0x10, s23, s19, $0xb8;
	[tilespmem:$0x1E800] =	vst v63  }
0x102: {  	s23 =	simm.s32 @!p0 $0x7  }
0x103: {  	_ =	swait.ge @!p0 [sflag:s23], $0x2000  }
0x104: {  	[sflag:s23] =	ssyncset.done @!p0 $0x0  }
0x105: {  	[sflag:s23] =	ssyncadd.s32 @!p0 $0xFFFFE000;
	s23 =	simm.s32 @!p0 $0xC  }
0x106: {  	_ =	swait.ge @!p0 [sflag:s23], $0x800  }
0x107: {  	[sflag:s23] =	ssyncset.done @!p0 $0x0  }
0x108: {  	[sflag:s23] =	ssyncadd.s32 @!p0 $0xFFFFF800;
	s23 =	sadd.s32 @!p0 $0x300, s17  }
0x109: {  	[tilespmem:s24], [sflag:$0x2] =	stream.indirect.gather @!p0 [hbm4b:s16+s19], $0x40, s23, s19, $0xb8;
	[tilespmem:$0x1E800] =	vst v63  }
0x10a: {  	_ =	swait.ge [sflag:s10], $0x2000  }
0x10b: {  	[sflag:s10] =	ssyncset.done $0x0  }
0x10c: {  	s24 =	sadd.s32 $0x2900, s15;
	[sflag:s10] =	ssyncadd.s32 $0xFFFFE000  }
0x10d: {  	[spmem:s12] =	stream.indirect.scatter.add.f32 [tilespmem:s7], [sflag:$0x8], $0x40, s24, s5, $0xb8;
	[tilespmem:$0x1E800] =	vst v63  }
0x10e: {  	s23 =	simm.s32 @p0 $0x4  }
0x10f: {  	[spmem:s13] =	stream.indirect.scatter.add.f32 [tilespmem:s4], [sflag:$0xD], $0x10, s24, s5, $0xb8;
	[tilespmem:$0x1E800] =	vst v63  }
0x110: {  	_ =	swait.ge @p0 [sflag:s23], $0x2000  }
0x111: {  	[sflag:s23] =	ssyncset.done @p0 $0x0  }
0x112: {  	s20 =	sadd.s32 @p0 $0x2980, s20;
	[sflag:s23] =	ssyncadd.s32 @p0 $0xFFFFE000;
	s23 =	simm.s32 @p0 $0xB000  }
0x113: {  	[spmem:s12] =	stream.indirect.scatter.add.f32 @p0 [tilespmem:s23], [sflag:$0x9], $0x40, s20, s21, $0xb8;
	[tilespmem:$0x1E800] =	vst v63  }
0x114: {  	_ = 	snop  }
0x115: {  	[spmem:s13] =	stream.indirect.scatter.add.f32 @p0 [tilespmem:s22], [sflag:$0xE], $0x10, s20, s21, $0xb8;
	[tilespmem:$0x1E800] =	vst v63  }
0x116: {  	s20 =	simm.s32 @!p0 $0x8  }
0x117: {  	_ =	swait.ge @!p0 [sflag:s20], $0x2000  }
0x118: {  	[sflag:s20] =	ssyncset.done @!p0 $0x0  }
0x119: {  	[sflag:s20] =	ssyncadd.s32 @!p0 $0xFFFFE000;
	s20 =	simm.s32 @!p0 $0xD  }
0x11a: {  	_ =	swait.ge @!p0 [sflag:s20], $0x800  }
0x11b: {  	[sflag:s20] =	ssyncset.done @!p0 $0x0  }
0x11c: {  	s21 =	simm.s32 @!p0 $0x9000;
	[sflag:s20] =	ssyncadd.s32 @!p0 $0xFFFFF800;
	s20 =	sadd.s32 @!p0 $0x380, s17  }
0x11d: {  	[tilespmem:s21], [sflag:$0x3] =	stream.indirect.gather @!p0 [hbm4b:s16+s19], $0x40, s20, s19, $0xb8;
	[tilespmem:$0x1E800] =	vst v63  }
0x11e: {  	s20 =	simm.s32 @!p0 $0x4  }
0x11f: {  	_ =	swait.ge @!p0 [sflag:s20], $0x2000  }
0x120: {  	[sflag:s20] =	ssyncset.done @!p0 $0x0  }
0x121: {  	s21 =	simm.s32 @!p0 $0xB000;
	[sflag:s20] =	ssyncadd.s32 @!p0 $0xFFFFE000;
	s20 =	sadd.s32 @!p0 $0x2980, s17  }
0x122: {  	[spmem:s12] =	stream.indirect.scatter.add.f32 @!p0 [tilespmem:s21], [sflag:$0x9], $0x40, s20, s19, $0xb8;
	[tilespmem:$0x1E800] =	vst v63  }
0x123: {  	_ = 	snop  }
0x124: {  	[spmem:s13] =	stream.indirect.scatter.add.f32 @!p0 [tilespmem:s25], [sflag:$0xE], $0x10, s20, s19, $0xb8;
	[tilespmem:$0x1E800] =	vst v63  }
0x125: {  	s20 =	simm.s32 @!p0 $0x9  }
0x126: {  	_ =	swait.ge @!p0 [sflag:s20], $0x2000  }
0x127: {  	[sflag:s20] =	ssyncset.done @!p0 $0x0  }
0x128: {  	[sflag:s20] =	ssyncadd.s32 @!p0 $0xFFFFE000;
	s20 =	simm.s32 @!p0 $0xE  }
0x129: {  	_ =	swait.ge @!p0 [sflag:s20], $0x800  }
0x12a: {  	[sflag:s20] =	ssyncset.done @!p0 $0x0  }
0x12b: {  	s17 =	sadd.s32 @!p0 $0x400, s17;
	[sflag:s20] =	ssyncadd.s32 @!p0 $0xFFFFF800  }
0x12c: {  	[tilespmem:s21], [sflag:$0x4] =	stream.indirect.gather @!p0 [hbm4b:s16+s19], $0x40, s17, s19, $0xb8;
	[tilespmem:$0x1E800] =	vst v63  }
0x12d: {  	_ =	swait.ge [sflag:s14], $0x2000  }
.Ltmp2:
0x12e: {  	[sflag:s14] =	ssyncset.done $0x0;
	(pc) =	sbr.rel @p0 .LBB2_4-.Ltmp2, $4  }
0x12f: {  	s25 =	sadd.s32 $0x2A00, s15;
	[sflag:s14] =	ssyncadd.s32 $0xFFFFE000  }
0x130: {  	[spmem:s12] =	stream.indirect.scatter.add.f32 [tilespmem:s8], [sflag:$0xA], $0x40, s25, s5, $0xb8;
	[tilespmem:$0x1E800] =	vst v63  }
0x131: {  	_ = 	snop  }
0x132: {  	[spmem:s13] =	stream.indirect.scatter.add.f32 [tilespmem:s4], [sflag:$0xF], $0x10, s25, s5, $0xb8;
	[tilespmem:$0x1E800] =	vst v63  }
0x133: {  	_ =	swait.ge [sflag:s18], $0x2000  }
0x134: {  	[sflag:s18] =	ssyncset.done $0x0  }
.Ltmp3:
0x135: {  	[sflag:s18] =	ssyncadd.s32 $0xFFFFE000;
	(pc) =	sbr.rel .LBB2_2-.Ltmp3, $4  }
0x136: {  	_ =	swait.ge [sflag:s30], $0x800  }
0x137: {  	[sflag:s30] =	ssyncset.done $0x0  }
0x138: {  	s15 =	sadd.s32 $0x480, s15;
	s11 =	sadd.s32 $0xA00, s11;
	[sflag:s30] =	ssyncadd.s32 $0xFFFFF800  }
0x139: {  	[tilespmem:s8], [sflag:$0x5] =	stream.indirect.gather [hbm4b:s16+s5], $0x40, s15, s5, $0xb8;
	[tilespmem:$0x1E800] =	vst v63  }
.LBB2_5:
0x13a: {  	_ =	sfence.sel $0x180000  }
0x13b: {  	[bflag:$0x0] =	sbarrier.arrive $0xFFFF  }
0x13c: {  	_ =	strace $0x90000047  }
0x13d: {  	s0 =	stileid.u32;
	[bflag:$0x2] =	sbarrier.arrive $0xFFFF  }
0x13e: {  	p0 =	sne.s32 s0, $0x0;
	s0 =	rddreg [dreg:$0x4]  }
0x13f: {  	s0 =	sadd.s32 @!p0 $0x100000, s0  }
0x140: {  	[sflag:s0] =	ssyncadd.tile.s32 @!p0 $0x1;
	_ =	shalt  }
.Lfunc_end2:
_tile_overlayer_lowered:
.L_overlay_start_2:
0x141: {  	(tag) =	ssettag $0x2  }
0x142: {  	s0 =	rddreg [dreg:$0x0];
	s2 =	stileid.u32  }
0x143: {  	s1 =	rddreg [dreg:$0x1];
	p0 =	sne.s32 s2, $0x0  }
0x144: {  	s3 =	rddreg [dreg:$0x2];
	[bflag:$0x3] =	sbarrier.arrive $0xFFFF;
	s2 =	simm.s32 @!p0 $0x1C10  }
0x145: {  	[timem:s3], [sflag:s2] =	dma.local @!p0 [hbm:s0], s1  }
0x146: {  	s0 =	simm.s32 @!p0 $0x10  }
0x147: {  	_ =	swait.ge @!p0 [sflag:s0], s1  }
0x148: {  	s1 =	ssub.s32 @!p0 $0x0, s1;
	[sflag:s0] =	ssyncset.done @!p0 $0x0  }
0x149: {  	[sflag:s0] =	ssyncadd.s32 @!p0 s1  }
0x14a: {  	[bflag:$0x3] =	sbarrier.arrive $0xFFFF  }
0x14b: {  	_ =	shalt  }

</sc_bundles>
